<compile_context>
chip_gen: v7x
topology: tpu7x:2x2x1
jax: 0.10.2.dev20260603
libtpu: 0.0.44.dev20260713+nightly
codegen_flags: <defaults>
</compile_context>

<pallas_src>
import functools

import jax
import jax.numpy as jnp
import numpy as np
from jax import lax
from jax.experimental import pallas as pl
from jax.experimental.pallas import tpu as pltpu
from jax.experimental.pallas import tpu_sc as plsc

N_BASIS = 128
N_GAUSS = 50
NGP = 64
N_FILTERS = 128
N_INTER = 3
CUTOFF = 5.0
B, A, NN = 8, 1024, 32
E = B * A * NN
BA = B * A

NC, NS = 2, 16
NW = NC * NS
EW = E // NW
AW = BA // NW

_LN2 = float(np.log(2.0))
_GDELTA = CUTOFF / (N_GAUSS - 1)
_GCOEFF = -0.5 / _GDELTA**2


def _ssp(x):
    return jnp.maximum(x, 0.0) + jnp.log(1.0 + jnp.exp(-jnp.abs(x))) - _LN2



def _sc_pre_body(emb_hbm, pos16_hbm, an2_hbm, gidx2_hbm,
                 x0_hbm, posj_hbm,
                 aidx_v, arows_v, eidx_v, prow_v, sem):
    wid = lax.axis_index("s") * NC + lax.axis_index("c")

    pltpu.sync_copy(an2_hbm.at[pl.ds(wid * 2, 2)], aidx_v)
    cps = [pltpu.async_copy(emb_hbm.at[aidx_v.at[j]],
                            arows_v.at[pl.ds(j * 128, 128)], sem)
           for j in range(2)]
    for cp in cps:
        cp.wait()
    pltpu.sync_copy(arows_v, x0_hbm.at[pl.ds(wid * AW, AW)])

    @pl.loop(0, 8)
    def _chunk(c):
        pltpu.sync_copy(gidx2_hbm.at[pl.ds(wid * 64 + c * 8, 8)], eidx_v)
        cps = [pltpu.async_copy(pos16_hbm.at[eidx_v.at[j]],
                                prow_v.at[pl.ds(j * 128, 128)], sem)
               for j in range(8)]
        for cp in cps:
            cp.wait()
        pltpu.sync_copy(prow_v, posj_hbm.at[pl.ds(wid * EW + c * 1024, 1024)])


def _sc_pre(emb, pos16, an2, gidx2):
    mesh = plsc.VectorSubcoreMesh(core_axis_name="c", subcore_axis_name="s",
                                  num_cores=NC, num_subcores=NS)
    return pl.kernel(
        _sc_pre_body,
        out_type=(jax.ShapeDtypeStruct((BA, N_BASIS), jnp.float32),
                  jax.ShapeDtypeStruct((E, 16), jnp.float32)),
        mesh=mesh,
        compiler_params=pltpu.CompilerParams(use_tc_tiling_on_sc=False),
        scratch_types=[
            pltpu.VMEM((2, 128), jnp.int32),
            pltpu.VMEM((AW, N_BASIS), jnp.float32),
            pltpu.VMEM((8, 128), jnp.int32),
            pltpu.VMEM((1024, 16), jnp.float32),
            pltpu.SemaphoreType.DMA,
        ],
    )(emb, pos16, an2, gidx2)



def _sc_gather_y_body(y_hbm, gidx2_hbm, yj_hbm, yidx_v, rows_v, sem):
    wid = lax.axis_index("s") * NC + lax.axis_index("c")

    @pl.loop(0, 16)
    def _chunk(c):
        pltpu.sync_copy(gidx2_hbm.at[pl.ds(wid * 64 + c * 4, 4)], yidx_v)
        cps = [pltpu.async_copy(y_hbm.at[yidx_v.at[j]],
                                rows_v.at[pl.ds(j * 128, 128)], sem)
               for j in range(4)]
        for cp in cps:
            cp.wait()
        pltpu.sync_copy(rows_v, yj_hbm.at[pl.ds(wid * EW + c * 512, 512)])


def _sc_gather_y(y2d, gidx2):
    mesh = plsc.VectorSubcoreMesh(core_axis_name="c", subcore_axis_name="s",
                                  num_cores=NC, num_subcores=NS)
    return pl.kernel(
        _sc_gather_y_body,
        out_type=jax.ShapeDtypeStruct((E, N_FILTERS), jnp.float32),
        mesh=mesh,
        compiler_params=pltpu.CompilerParams(use_tc_tiling_on_sc=False),
        scratch_types=[
            pltpu.VMEM((4, 128), jnp.int32),
            pltpu.VMEM((512, N_FILTERS), jnp.float32),
            pltpu.SemaphoreType.DMA,
        ],
    )(y2d, gidx2)



_TA = 128
_TAN = _TA * NN


def _tc_dist_body(posj_ref, pa_ref, nmask_ref, x0_ref, inw0_ref,
                  r_ref, cm_ref, y0_ref):
    pj = posj_ref[0]
    pa = pa_ref[0]
    pa_rep = jnp.broadcast_to(pa[:, None, :], (_TA, NN, 16)).reshape(_TAN, 16)
    diff = pj - pa_rep
    d2 = jnp.sum(diff * diff, axis=-1, keepdims=True)
    r = jnp.sqrt(jnp.maximum(d2, 1e-12))
    c = 0.5 * (jnp.cos(r * (np.pi / CUTOFF)) + 1.0)
    c = c * (r < CUTOFF).astype(jnp.float32) * nmask_ref[0]
    r_ref[0] = r
    cm_ref[0] = c
    y0_ref[0] = jnp.dot(x0_ref[0], inw0_ref[...],
                        preferred_element_type=jnp.float32)


def _tc_dist(posj3, pos16_3, nmask3, x03, inw0):
    grid = (B, A // _TA)
    return pl.pallas_call(
        _tc_dist_body,
        grid=grid,
        in_specs=[
            pl.BlockSpec((1, _TAN, 16), lambda b, t: (b, t, 0)),
            pl.BlockSpec((1, _TA, 16), lambda b, t: (b, t, 0)),
            pl.BlockSpec((1, _TAN, 1), lambda b, t: (b, t, 0)),
            pl.BlockSpec((1, _TA, N_BASIS), lambda b, t: (b, t, 0)),
            pl.BlockSpec((N_BASIS, N_FILTERS), lambda b, t: (0, 0)),
        ],
        out_specs=[
            pl.BlockSpec((1, _TAN, 1), lambda b, t: (b, t, 0)),
            pl.BlockSpec((1, _TAN, 1), lambda b, t: (b, t, 0)),
            pl.BlockSpec((1, _TA, N_BASIS), lambda b, t: (b, t, 0)),
        ],
        out_shape=[
            jax.ShapeDtypeStruct((B, A * NN, 1), jnp.float32),
            jax.ShapeDtypeStruct((B, A * NN, 1), jnp.float32),
            jax.ShapeDtypeStruct((B, A, N_BASIS), jnp.float32),
        ],
    )(posj3, pos16_3, nmask3, x03, inw0)



_TD = 128
_TDN = _TD * NN


def _tc_inter_body(last, r_ref, cm_ref, yj_ref, x_ref,
                   fw1_ref, fb1_ref, fw2_ref, fb2_ref,
                   f2w_ref, f2b_ref, dw_ref, db_ref, nxt_ref, x0_ref,
                   xn_ref, y_ref):
    r = jnp.broadcast_to(r_ref[0], (_TDN, NGP))
    offs = lax.broadcasted_iota(jnp.int32, (_TDN, NGP), 1).astype(
        jnp.float32) * _GDELTA
    f = jnp.exp(_GCOEFF * (r - offs) ** 2)
    h = _ssp(jnp.dot(f, fw1_ref[...], preferred_element_type=jnp.float32)
             + fb1_ref[...])
    w = (jnp.dot(h, fw2_ref[...], preferred_element_type=jnp.float32)
         + fb2_ref[...]) * cm_ref[0]
    p = yj_ref[0] * w
    y_agg = jnp.sum(p.reshape(_TD, NN, N_FILTERS), axis=1)
    t = _ssp(jnp.dot(y_agg, f2w_ref[...], preferred_element_type=jnp.float32)
             + f2b_ref[...])
    v = jnp.dot(t, dw_ref[...], preferred_element_type=jnp.float32) + db_ref[...]
    xn = x_ref[0] + v
    if last:
        xn_ref[0] = xn - x0_ref[0]
        y_ref[0] = xn
    else:
        xn_ref[0] = xn
        y_ref[0] = jnp.dot(xn, nxt_ref[...],
                           preferred_element_type=jnp.float32)


def _tc_inter(last, r3, cm3, yj3, x3, fw1_i, fb1_i, fw2_i, fb2_i,
              f2w_i, f2b_i, dw_i, db_i, inw_next, x03):
    grid = (B, A // _TD)

    def wspec(shape):
        return pl.BlockSpec(shape, lambda b, t: tuple(0 for _ in shape))

    return pl.pallas_call(
        functools.partial(_tc_inter_body, last),
        grid=grid,
        in_specs=[
            pl.BlockSpec((1, _TDN, 1), lambda b, t: (b, t, 0)),
            pl.BlockSpec((1, _TDN, 1), lambda b, t: (b, t, 0)),
            pl.BlockSpec((1, _TDN, N_FILTERS), lambda b, t: (b, t, 0)),
            pl.BlockSpec((1, _TD, N_BASIS), lambda b, t: (b, t, 0)),
            wspec((NGP, N_FILTERS)),
            wspec((1, N_FILTERS)),
            wspec((N_FILTERS, N_FILTERS)),
            wspec((1, N_FILTERS)),
            wspec((N_FILTERS, N_BASIS)),
            wspec((1, N_BASIS)),
            wspec((N_BASIS, N_BASIS)),
            wspec((1, N_BASIS)),
            wspec((N_BASIS, N_FILTERS)),
            pl.BlockSpec((1, _TD, N_BASIS), lambda b, t: (b, t, 0)),
        ],
        out_specs=[
            pl.BlockSpec((1, _TD, N_BASIS), lambda b, t: (b, t, 0)),
            pl.BlockSpec((1, _TD, N_BASIS), lambda b, t: (b, t, 0)),
        ],
        out_shape=[
            jax.ShapeDtypeStruct((B, A, N_BASIS), jnp.float32),
            jax.ShapeDtypeStruct((B, A, N_BASIS), jnp.float32),
        ],
    )(r3, cm3, yj3, x3, fw1_i, fb1_i, fw2_i, fb2_i,
      f2w_i, f2b_i, dw_i, db_i, inw_next, x03)



def kernel(atomic_numbers, positions, cell, cell_offset, neighbors,
           neighbor_mask, atom_mask, emb, fw1, fb1, fw2, fb2, inw,
           f2w, f2b, dw, db):
    del cell, cell_offset, atom_mask

    an2 = atomic_numbers.reshape(BA).astype(jnp.int32).reshape(BA // 128, 128)
    gidx = (neighbors.astype(jnp.int32)
            + (jnp.arange(B, dtype=jnp.int32) * A)[:, None, None]).reshape(E)
    gidx2 = gidx.reshape(E // 128, 128)
    pos16 = jnp.pad(positions.reshape(BA, 3), ((0, 0), (0, 13)))
    fw1p = jnp.pad(fw1, ((0, 0), (0, NGP - N_GAUSS), (0, 0)))
    nmask3 = neighbor_mask.reshape(B, A * NN, 1)

    x0_2d, posj = _sc_pre(emb, pos16, an2, gidx2)
    x03 = x0_2d.reshape(B, A, N_BASIS)
    posj3 = posj.reshape(B, A * NN, 16)
    pos16_3 = pos16.reshape(B, A, 16)

    r3, cm3, y = _tc_dist(posj3, pos16_3, nmask3, x03, inw[0])

    x = x03
    for i in range(N_INTER):
        yj = _sc_gather_y(y.reshape(BA, N_FILTERS), gidx2)
        yj3 = yj.reshape(B, A * NN, N_FILTERS)
        last = i == N_INTER - 1
        inw_next = inw[i + 1] if not last else inw[0]
        xn, y = _tc_inter(last, r3, cm3, yj3, x,
                          fw1p[i], fb1[i][None, :], fw2[i], fb2[i][None, :],
                          f2w[i], f2b[i][None, :], dw[i], db[i][None, :],
                          inw_next, x03)
        x = xn

    return x

# --- scband reference (transcript-rebuilt; emitter-appended) ---
"""Pipeline reference for scband-atomistic-representation-45964740002270 (READ-ONLY COPY).

The authoritative reference and input builder live on the scoring server;
editing this copy changes nothing except your own understanding.
"""

import jax, jax.numpy as jnp
import numpy as np

N_BASIS = 128; N_GAUSS = 50; N_FILTERS = 128; N_INTER = 3
CUTOFF = 5.0; MAX_Z = 100
B, A, NN = 8, 1024, 32


def _ssp(x):
    # shifted softplus used by SchNet
    return jax.nn.softplus(x) - jnp.log(2.0)


def _forward(atomic_numbers, neighbors, positions, cell, cell_offset, neighbor_mask, atom_mask,
             emb, fw1, fb1, fw2, fb2, inw, f2w, f2b, dw, db):
    # embedding lookup (gather)
    x = jnp.take(emb, atomic_numbers, axis=0)  # [B, A, N_BASIS]
    bidx = jnp.arange(positions.shape[0])[:, None, None]
    # AtomDistances: gather neighbor positions
    pos_j = positions[bidx, neighbors]                     # [B, A, NN, 3]
    dist_vec = pos_j - positions[:, :, None, :]
    dist_vec = dist_vec + jnp.einsum('banc,bcd->band', cell_offset, cell)
    d2 = jnp.sum(dist_vec * dist_vec, axis=-1)
    r_ij = jnp.sqrt(jnp.maximum(d2, 1e-12))
    r_ij = jnp.where(neighbor_mask != 0, r_ij, 0.0)        # [B, A, NN]
    # GaussianSmearing distance expansion
    offs = jnp.linspace(0.0, CUTOFF, N_GAUSS)
    coeff = -0.5 / (offs[1] - offs[0]) ** 2
    f_ij = jnp.exp(coeff * (r_ij[..., None] - offs) ** 2)  # [B, A, NN, N_GAUSS]
    # CosineCutoff
    C = 0.5 * (jnp.cos(r_ij * jnp.pi / CUTOFF) + 1.0) * (r_ij < CUTOFF)
    inter = []
    for i in range(N_INTER):
        # filter network on expanded distances
        W = _ssp(f_ij @ fw1[i] + fb1[i]) @ fw2[i] + fb2[i]  # [B, A, NN, N_FILTERS]
        W = W * C[..., None]
        # CFConv: in2f, gather neighbor features, elementwise filter, masked sum
        y = x @ inw[i]                                      # [B, A, N_FILTERS]
        y_j = y[bidx, neighbors]                            # [B, A, NN, N_FILTERS]
        y_agg = jnp.sum(y_j * W * neighbor_mask[..., None], axis=2)
        v = _ssp(y_agg @ f2w[i] + f2b[i])                   # f2out dense + ssp
        v = v @ dw[i] + db[i]                               # interaction output dense
        x = x + v
        inter.append(v)                                     # post_interaction = Identity
    # InteractionAggregation(mode='sum') over stacked intermediates
    representation = jnp.sum(jnp.stack(inter, axis=0), axis=0)
    return representation


def setup_inputs(seed: int = 0):
    key = jax.random.key(seed)
    ks = jax.random.split(key, 14)
    s = 0.08
    return {
        "atomic_numbers": jax.random.randint(ks[0], (B, A), 0, MAX_Z),
        "positions": jax.random.normal(ks[1], (B, A, 3), dtype=jnp.float32),
        "cell": jnp.zeros((B, 3, 3), jnp.float32),
        "cell_offset": jnp.zeros((B, A, NN, 3), jnp.float32),
        "neighbors": jax.random.randint(ks[2], (B, A, NN), 0, A),
        "neighbor_mask": jnp.ones((B, A, NN), jnp.float32),
        "atom_mask": jnp.ones((B, A), jnp.float32),
        "emb": jax.random.normal(ks[3], (MAX_Z, N_BASIS), jnp.float32) * s,
        "fw1": jax.random.normal(ks[4], (N_INTER, N_GAUSS, N_FILTERS), jnp.float32) * s,
        "fb1": jnp.zeros((N_INTER, N_FILTERS), jnp.float32),
        "fw2": jax.random.normal(ks[5], (N_INTER, N_FILTERS, N_FILTERS), jnp.float32) * s,
        "fb2": jnp.zeros((N_INTER, N_FILTERS), jnp.float32),
        "inw": jax.random.normal(ks[6], (N_INTER, N_BASIS, N_FILTERS), jnp.float32) * s,
        "f2w": jax.random.normal(ks[7], (N_INTER, N_FILTERS, N_BASIS), jnp.float32) * s,
        "f2b": jnp.zeros((N_INTER, N_BASIS), jnp.float32),
        "dw": jax.random.normal(ks[8], (N_INTER, N_BASIS, N_BASIS), jnp.float32) * s,
        "db": jnp.zeros((N_INTER, N_BASIS), jnp.float32),
    }


def reference(atomic_numbers, positions, cell, cell_offset, neighbors, neighbor_mask, atom_mask,
              emb, fw1, fb1, fw2, fb2, inw, f2w, f2b, dw, db):
    return _forward(atomic_numbers, neighbors, positions, cell, cell_offset, neighbor_mask, atom_mask,
                    emb, fw1, fb1, fw2, fb2, inw, f2w, f2b, dw, db)

if __name__ == "__main__":
    import jax
    _d = setup_inputs()
    print(jax.jit(kernel)(*tuple(_d.values())))

</pallas_src>

<mosaic_0001>
#map = affine_map<(d0, d1) -> (0, 0)>
module attributes {stable_mosaic.version = 14 : i64} {
  func.func @_sc_gather_y_body(%arg0: i32, %arg1: i32, %arg2: memref<8192x128xf32, #tpu.memory_space<hbm>>, %arg3: memref<2048x128xi32, #tpu.memory_space<hbm>>, %arg4: memref<262144x128xf32, #tpu.memory_space<hbm>>, %arg5: memref<4x128xi32, #tpu.memory_space<vmem>>, %arg6: memref<512x128xf32, #tpu.memory_space<vmem>>, %arg7: memref<!tpu.dma_semaphore, #tpu.memory_space<semaphore_mem>>) attributes {dimension_semantics = [#tpu.dimension_semantics<core_parallel>, #tpu.dimension_semantics<subcore_parallel>], iteration_bounds = array<i64: 2, 16>, scalar_prefetch = 0 : i64, scratch_operands = 3 : i64, tpu.core_type = #tpu.core_type<sc_vector_subcore>, window_params = [{transform_indices = #map}, {transform_indices = #map}, {transform_indices = #map}]} {
    %mul3A = arith.constant 2 : i32
    %mul3A_0 = arith.muli %arg1, %mul3A : i32
    %add3A = arith.addi %mul3A_0, %arg0 : i32
    %scan3A = arith.constant 0 : i32
    %scan3A_1 = arith.constant 16 : i32
    %scan3A_2 = arith.addi %scan3A, %scan3A_1 : i32
    %scan3A_3 = arith.constant 1 : i32
    scf.for %scan3A_5 = %scan3A to %scan3A_2 step %scan3A_3  : i32 {
      %mul3A_6 = arith.constant 1 : i32
      %mul3A_7 = arith.muli %scan3A_5, %mul3A_6 : i32
      %add3A_8 = arith.constant 0 : i32
      %add3A_9 = arith.addi %add3A_8, %mul3A_7 : i32
      %mul3A_10 = arith.constant 64 : i32
      %mul3A_11 = arith.muli %add3A, %mul3A_10 : i32
      %mul3A_12 = arith.constant 4 : i32
      %mul3A_13 = arith.muli %add3A_9, %mul3A_12 : i32
      %add3A_14 = arith.addi %mul3A_11, %mul3A_13 : i32
      "tpu.region"() ({
        %run_scoped3A = tpu.sem_alloc : memref<!tpu.dma_semaphore, #tpu.memory_space<semaphore_mem>>
        %dma_start3A_98 = arith.constant 0 : i32
        %dma_start3A_99 = tpu.memref_slice %arg3[%add3A_14, %dma_start3A_98] : memref<2048x128xi32, #tpu.memory_space<hbm>> -> memref<4x128xi32, #tpu.memory_space<hbm>>
        %dma_start3A_100 = arith.constant 0 : i32
        %dma_start3A_101 = tpu.memref_slice %arg3[%add3A_14, %dma_start3A_100] : memref<2048x128xi32, #tpu.memory_space<hbm>> -> memref<4x128xi32, #tpu.memory_space<hbm>>
        tpu.enqueue_dma source(%dma_start3A_101 : memref<4x128xi32, #tpu.memory_space<hbm>>) target(%arg5 : memref<4x128xi32, #tpu.memory_space<vmem>>) target_semaphore(%run_scoped3A : memref<!tpu.dma_semaphore, #tpu.memory_space<semaphore_mem>>)
        %dma_wait3A_102 = arith.constant 0 : i32
        %dma_wait3A_103 = tpu.memref_slice %arg3[%add3A_14, %dma_wait3A_102] : memref<2048x128xi32, #tpu.memory_space<hbm>> -> memref<4x128xi32, #tpu.memory_space<hbm>>
        %dma_wait3A_104 = arith.constant 0 : i32
        %dma_wait3A_105 = tpu.memref_slice %arg3[%add3A_14, %dma_wait3A_104] : memref<2048x128xi32, #tpu.memory_space<hbm>> -> memref<4x128xi32, #tpu.memory_space<hbm>>
        tpu.wait_dma2 semaphore(%run_scoped3A : memref<!tpu.dma_semaphore, #tpu.memory_space<semaphore_mem>>) src(%dma_wait3A_105 : memref<4x128xi32, #tpu.memory_space<hbm>>) dst(%arg5 : memref<4x128xi32, #tpu.memory_space<vmem>>)
        tpu.yield
      }) : () -> ()
      %dma_start3A = arith.constant 0 : i32
      %dma_start3A_15 = arith.constant 0 : i32
      %dma_start3A_16 = arith.constant 0 : i32
      %dma_start3A_17 = tpu.memref_slice %arg6[%dma_start3A_15, %dma_start3A_16] : memref<512x128xf32, #tpu.memory_space<vmem>> -> memref<128x128xf32, #tpu.memory_space<vmem>>
      %dma_start3A_18 = arith.constant 0 : i32
      %dma_start3A_19 = tpu.memref_slice %arg5[%dma_start3A, %dma_start3A_18] : memref<4x128xi32, #tpu.memory_space<vmem>> -> memref<1x128xi32, #tpu.memory_space<vmem>>
      %dma_start3A_20 = tpu.memref_squeeze %dma_start3A_19 : memref<1x128xi32, #tpu.memory_space<vmem>> -> memref<128xi32, #tpu.memory_space<vmem>>
      %dma_start3A_21 = arith.constant 0 : i32
      %dma_start3A_22 = arith.constant 0 : i32
      %dma_start3A_23 = tpu.memref_slice %arg2[%dma_start3A_21, %dma_start3A_22] : memref<8192x128xf32, #tpu.memory_space<hbm>> -> memref<8192x128xf32, #tpu.memory_space<hbm>>
      tpu.enqueue_indirect_dma source(%dma_start3A_23 : memref<8192x128xf32, #tpu.memory_space<hbm>>) target(%dma_start3A_17 : memref<128x128xf32, #tpu.memory_space<vmem>>) offsets(%dma_start3A_20 : memref<128xi32, #tpu.memory_space<vmem>>) semaphore(%arg7 : memref<!tpu.dma_semaphore, #tpu.memory_space<semaphore_mem>>)
      %dma_start3A_24 = arith.constant 1 : i32
      %dma_start3A_25 = arith.constant 128 : i32
      %dma_start3A_26 = arith.constant 0 : i32
      %dma_start3A_27 = tpu.memref_slice %arg6[%dma_start3A_25, %dma_start3A_26] : memref<512x128xf32, #tpu.memory_space<vmem>> -> memref<128x128xf32, #tpu.memory_space<vmem>>
      %dma_start3A_28 = arith.constant 0 : i32
      %dma_start3A_29 = tpu.memref_slice %arg5[%dma_start3A_24, %dma_start3A_28] : memref<4x128xi32, #tpu.memory_space<vmem>> -> memref<1x128xi32, #tpu.memory_space<vmem>>
      %dma_start3A_30 = tpu.memref_squeeze %dma_start3A_29 : memref<1x128xi32, #tpu.memory_space<vmem>> -> memref<128xi32, #tpu.memory_space<vmem>>
      %dma_start3A_31 = arith.constant 0 : i32
      %dma_start3A_32 = arith.constant 0 : i32
      %dma_start3A_33 = tpu.memref_slice %arg2[%dma_start3A_31, %dma_start3A_32] : memref<8192x128xf32, #tpu.memory_space<hbm>> -> memref<8192x128xf32, #tpu.memory_space<hbm>>
      tpu.enqueue_indirect_dma source(%dma_start3A_33 : memref<8192x128xf32, #tpu.memory_space<hbm>>) target(%dma_start3A_27 : memref<128x128xf32, #tpu.memory_space<vmem>>) offsets(%dma_start3A_30 : memref<128xi32, #tpu.memory_space<vmem>>) semaphore(%arg7 : memref<!tpu.dma_semaphore, #tpu.memory_space<semaphore_mem>>)
      %dma_start3A_34 = arith.constant 2 : i32
      %dma_start3A_35 = arith.constant 256 : i32
      %dma_start3A_36 = arith.constant 0 : i32
      %dma_start3A_37 = tpu.memref_slice %arg6[%dma_start3A_35, %dma_start3A_36] : memref<512x128xf32, #tpu.memory_space<vmem>> -> memref<128x128xf32, #tpu.memory_space<vmem>>
      %dma_start3A_38 = arith.constant 0 : i32
      %dma_start3A_39 = tpu.memref_slice %arg5[%dma_start3A_34, %dma_start3A_38] : memref<4x128xi32, #tpu.memory_space<vmem>> -> memref<1x128xi32, #tpu.memory_space<vmem>>
      %dma_start3A_40 = tpu.memref_squeeze %dma_start3A_39 : memref<1x128xi32, #tpu.memory_space<vmem>> -> memref<128xi32, #tpu.memory_space<vmem>>
      %dma_start3A_41 = arith.constant 0 : i32
      %dma_start3A_42 = arith.constant 0 : i32
      %dma_start3A_43 = tpu.memref_slice %arg2[%dma_start3A_41, %dma_start3A_42] : memref<8192x128xf32, #tpu.memory_space<hbm>> -> memref<8192x128xf32, #tpu.memory_space<hbm>>
      tpu.enqueue_indirect_dma source(%dma_start3A_43 : memref<8192x128xf32, #tpu.memory_space<hbm>>) target(%dma_start3A_37 : memref<128x128xf32, #tpu.memory_space<vmem>>) offsets(%dma_start3A_40 : memref<128xi32, #tpu.memory_space<vmem>>) semaphore(%arg7 : memref<!tpu.dma_semaphore, #tpu.memory_space<semaphore_mem>>)
      %dma_start3A_44 = arith.constant 3 : i32
      %dma_start3A_45 = arith.constant 384 : i32
      %dma_start3A_46 = arith.constant 0 : i32
      %dma_start3A_47 = tpu.memref_slice %arg6[%dma_start3A_45, %dma_start3A_46] : memref<512x128xf32, #tpu.memory_space<vmem>> -> memref<128x128xf32, #tpu.memory_space<vmem>>
      %dma_start3A_48 = arith.constant 0 : i32
      %dma_start3A_49 = tpu.memref_slice %arg5[%dma_start3A_44, %dma_start3A_48] : memref<4x128xi32, #tpu.memory_space<vmem>> -> memref<1x128xi32, #tpu.memory_space<vmem>>
      %dma_start3A_50 = tpu.memref_squeeze %dma_start3A_49 : memref<1x128xi32, #tpu.memory_space<vmem>> -> memref<128xi32, #tpu.memory_space<vmem>>
      %dma_start3A_51 = arith.constant 0 : i32
      %dma_start3A_52 = arith.constant 0 : i32
      %dma_start3A_53 = tpu.memref_slice %arg2[%dma_start3A_51, %dma_start3A_52] : memref<8192x128xf32, #tpu.memory_space<hbm>> -> memref<8192x128xf32, #tpu.memory_space<hbm>>
      tpu.enqueue_indirect_dma source(%dma_start3A_53 : memref<8192x128xf32, #tpu.memory_space<hbm>>) target(%dma_start3A_47 : memref<128x128xf32, #tpu.memory_space<vmem>>) offsets(%dma_start3A_50 : memref<128xi32, #tpu.memory_space<vmem>>) semaphore(%arg7 : memref<!tpu.dma_semaphore, #tpu.memory_space<semaphore_mem>>)
      %dma_wait3A = arith.constant 0 : i32
      %dma_wait3A_54 = arith.constant 0 : i32
      %dma_wait3A_55 = arith.constant 0 : i32
      %dma_wait3A_56 = tpu.memref_slice %arg6[%dma_wait3A_54, %dma_wait3A_55] : memref<512x128xf32, #tpu.memory_space<vmem>> -> memref<128x128xf32, #tpu.memory_space<vmem>>
      %dma_wait3A_57 = arith.constant 0 : i32
      %dma_wait3A_58 = tpu.memref_slice %arg5[%dma_wait3A, %dma_wait3A_57] : memref<4x128xi32, #tpu.memory_space<vmem>> -> memref<1x128xi32, #tpu.memory_space<vmem>>
      %dma_wait3A_59 = tpu.memref_squeeze %dma_wait3A_58 : memref<1x128xi32, #tpu.memory_space<vmem>> -> memref<128xi32, #tpu.memory_space<vmem>>
      %dma_wait3A_60 = arith.constant 0 : i32
      %dma_wait3A_61 = arith.constant 0 : i32
      %dma_wait3A_62 = tpu.memref_slice %arg2[%dma_wait3A_60, %dma_wait3A_61] : memref<8192x128xf32, #tpu.memory_space<hbm>> -> memref<8192x128xf32, #tpu.memory_space<hbm>>
      tpu.wait_indirect_dma semaphore(%arg7 : memref<!tpu.dma_semaphore, #tpu.memory_space<semaphore_mem>>) src(%dma_wait3A_62 : memref<8192x128xf32, #tpu.memory_space<hbm>>) dst(%dma_wait3A_56 : memref<128x128xf32, #tpu.memory_space<vmem>>)
      %dma_wait3A_63 = arith.constant 1 : i32
      %dma_wait3A_64 = arith.constant 128 : i32
      %dma_wait3A_65 = arith.constant 0 : i32
      %dma_wait3A_66 = tpu.memref_slice %arg6[%dma_wait3A_64, %dma_wait3A_65] : memref<512x128xf32, #tpu.memory_space<vmem>> -> memref<128x128xf32, #tpu.memory_space<vmem>>
      %dma_wait3A_67 = arith.constant 0 : i32
      %dma_wait3A_68 = tpu.memref_slice %arg5[%dma_wait3A_63, %dma_wait3A_67] : memref<4x128xi32, #tpu.memory_space<vmem>> -> memref<1x128xi32, #tpu.memory_space<vmem>>
      %dma_wait3A_69 = tpu.memref_squeeze %dma_wait3A_68 : memref<1x128xi32, #tpu.memory_space<vmem>> -> memref<128xi32, #tpu.memory_space<vmem>>
      %dma_wait3A_70 = arith.constant 0 : i32
      %dma_wait3A_71 = arith.constant 0 : i32
      %dma_wait3A_72 = tpu.memref_slice %arg2[%dma_wait3A_70, %dma_wait3A_71] : memref<8192x128xf32, #tpu.memory_space<hbm>> -> memref<8192x128xf32, #tpu.memory_space<hbm>>
      tpu.wait_indirect_dma semaphore(%arg7 : memref<!tpu.dma_semaphore, #tpu.memory_space<semaphore_mem>>) src(%dma_wait3A_72 : memref<8192x128xf32, #tpu.memory_space<hbm>>) dst(%dma_wait3A_66 : memref<128x128xf32, #tpu.memory_space<vmem>>)
      %dma_wait3A_73 = arith.constant 2 : i32
      %dma_wait3A_74 = arith.constant 256 : i32
      %dma_wait3A_75 = arith.constant 0 : i32
      %dma_wait3A_76 = tpu.memref_slice %arg6[%dma_wait3A_74, %dma_wait3A_75] : memref<512x128xf32, #tpu.memory_space<vmem>> -> memref<128x128xf32, #tpu.memory_space<vmem>>
      %dma_wait3A_77 = arith.constant 0 : i32
      %dma_wait3A_78 = tpu.memref_slice %arg5[%dma_wait3A_73, %dma_wait3A_77] : memref<4x128xi32, #tpu.memory_space<vmem>> -> memref<1x128xi32, #tpu.memory_space<vmem>>
      %dma_wait3A_79 = tpu.memref_squeeze %dma_wait3A_78 : memref<1x128xi32, #tpu.memory_space<vmem>> -> memref<128xi32, #tpu.memory_space<vmem>>
      %dma_wait3A_80 = arith.constant 0 : i32
      %dma_wait3A_81 = arith.constant 0 : i32
      %dma_wait3A_82 = tpu.memref_slice %arg2[%dma_wait3A_80, %dma_wait3A_81] : memref<8192x128xf32, #tpu.memory_space<hbm>> -> memref<8192x128xf32, #tpu.memory_space<hbm>>
      tpu.wait_indirect_dma semaphore(%arg7 : memref<!tpu.dma_semaphore, #tpu.memory_space<semaphore_mem>>) src(%dma_wait3A_82 : memref<8192x128xf32, #tpu.memory_space<hbm>>) dst(%dma_wait3A_76 : memref<128x128xf32, #tpu.memory_space<vmem>>)
      %dma_wait3A_83 = arith.constant 3 : i32
      %dma_wait3A_84 = arith.constant 384 : i32
      %dma_wait3A_85 = arith.constant 0 : i32
      %dma_wait3A_86 = tpu.memref_slice %arg6[%dma_wait3A_84, %dma_wait3A_85] : memref<512x128xf32, #tpu.memory_space<vmem>> -> memref<128x128xf32, #tpu.memory_space<vmem>>
      %dma_wait3A_87 = arith.constant 0 : i32
      %dma_wait3A_88 = tpu.memref_slice %arg5[%dma_wait3A_83, %dma_wait3A_87] : memref<4x128xi32, #tpu.memory_space<vmem>> -> memref<1x128xi32, #tpu.memory_space<vmem>>
      %dma_wait3A_89 = tpu.memref_squeeze %dma_wait3A_88 : memref<1x128xi32, #tpu.memory_space<vmem>> -> memref<128xi32, #tpu.memory_space<vmem>>
      %dma_wait3A_90 = arith.constant 0 : i32
      %dma_wait3A_91 = arith.constant 0 : i32
      %dma_wait3A_92 = tpu.memref_slice %arg2[%dma_wait3A_90, %dma_wait3A_91] : memref<8192x128xf32, #tpu.memory_space<hbm>> -> memref<8192x128xf32, #tpu.memory_space<hbm>>
      tpu.wait_indirect_dma semaphore(%arg7 : memref<!tpu.dma_semaphore, #tpu.memory_space<semaphore_mem>>) src(%dma_wait3A_92 : memref<8192x128xf32, #tpu.memory_space<hbm>>) dst(%dma_wait3A_86 : memref<128x128xf32, #tpu.memory_space<vmem>>)
      %mul3A_93 = arith.constant 8192 : i32
      %mul3A_94 = arith.muli %add3A, %mul3A_93 : i32
      %mul3A_95 = arith.constant 512 : i32
      %mul3A_96 = arith.muli %add3A_9, %mul3A_95 : i32
      %add3A_97 = arith.addi %mul3A_94, %mul3A_96 : i32
      "tpu.region"() ({
        %run_scoped3A = tpu.sem_alloc : memref<!tpu.dma_semaphore, #tpu.memory_space<semaphore_mem>>
        %dma_start3A_98 = arith.constant 0 : i32
        %dma_start3A_99 = tpu.memref_slice %arg4[%add3A_97, %dma_start3A_98] : memref<262144x128xf32, #tpu.memory_space<hbm>> -> memref<512x128xf32, #tpu.memory_space<hbm>>
        %dma_start3A_100 = arith.constant 0 : i32
        %dma_start3A_101 = tpu.memref_slice %arg4[%add3A_97, %dma_start3A_100] : memref<262144x128xf32, #tpu.memory_space<hbm>> -> memref<512x128xf32, #tpu.memory_space<hbm>>
        tpu.enqueue_dma source(%arg6 : memref<512x128xf32, #tpu.memory_space<vmem>>) target(%dma_start3A_101 : memref<512x128xf32, #tpu.memory_space<hbm>>) target_semaphore(%run_scoped3A : memref<!tpu.dma_semaphore, #tpu.memory_space<semaphore_mem>>)
        %dma_wait3A_102 = arith.constant 0 : i32
        %dma_wait3A_103 = tpu.memref_slice %arg4[%add3A_97, %dma_wait3A_102] : memref<262144x128xf32, #tpu.memory_space<hbm>> -> memref<512x128xf32, #tpu.memory_space<hbm>>
        %dma_wait3A_104 = arith.constant 0 : i32
        %dma_wait3A_105 = tpu.memref_slice %arg4[%add3A_97, %dma_wait3A_104] : memref<262144x128xf32, #tpu.memory_space<hbm>> -> memref<512x128xf32, #tpu.memory_space<hbm>>
        tpu.wait_dma2 semaphore(%run_scoped3A : memref<!tpu.dma_semaphore, #tpu.memory_space<semaphore_mem>>) src(%arg6 : memref<512x128xf32, #tpu.memory_space<vmem>>) dst(%dma_wait3A_105 : memref<512x128xf32, #tpu.memory_space<hbm>>)
        tpu.yield
      }) : () -> ()
    }
    %scan3A_4 = arith.constant 16 : i32
    return
  }
}

#map = affine_map<(d0, d1) -> (0, 0)>
module attributes {stable_mosaic.version = 14 : i64} {
  func.func @_sc_pre_body(%arg0: i32, %arg1: i32, %arg2: memref<100x128xf32, #tpu.memory_space<hbm>>, %arg3: memref<8192x16xf32, #tpu.memory_space<hbm>>, %arg4: memref<64x128xi32, #tpu.memory_space<hbm>>, %arg5: memref<2048x128xi32, #tpu.memory_space<hbm>>, %arg6: memref<8192x128xf32, #tpu.memory_space<hbm>>, %arg7: memref<262144x16xf32, #tpu.memory_space<hbm>>, %arg8: memref<2x128xi32, #tpu.memory_space<vmem>>, %arg9: memref<256x128xf32, #tpu.memory_space<vmem>>, %arg10: memref<8x128xi32, #tpu.memory_space<vmem>>, %arg11: memref<1024x16xf32, #tpu.memory_space<vmem>>, %arg12: memref<!tpu.dma_semaphore, #tpu.memory_space<semaphore_mem>>) attributes {dimension_semantics = [#tpu.dimension_semantics<core_parallel>, #tpu.dimension_semantics<subcore_parallel>], iteration_bounds = array<i64: 2, 16>, scalar_prefetch = 0 : i64, scratch_operands = 5 : i64, tpu.core_type = #tpu.core_type<sc_vector_subcore>, window_params = [{transform_indices = #map}, {transform_indices = #map}, {transform_indices = #map}, {transform_indices = #map}, {transform_indices = #map}, {transform_indices = #map}]} {
    %mul3A = arith.constant 2 : i32
    %mul3A_0 = arith.muli %arg1, %mul3A : i32
    %add3A = arith.addi %mul3A_0, %arg0 : i32
    %mul3A_1 = arith.constant 2 : i32
    %mul3A_2 = arith.muli %add3A, %mul3A_1 : i32
    "tpu.region"() ({
      %run_scoped3A = tpu.sem_alloc : memref<!tpu.dma_semaphore, #tpu.memory_space<semaphore_mem>>
      %dma_start3A_47 = arith.constant 0 : i32
      %dma_start3A_48 = tpu.memref_slice %arg4[%mul3A_2, %dma_start3A_47] : memref<64x128xi32, #tpu.memory_space<hbm>> -> memref<2x128xi32, #tpu.memory_space<hbm>>
      %dma_start3A_49 = arith.constant 0 : i32
      %dma_start3A_50 = tpu.memref_slice %arg4[%mul3A_2, %dma_start3A_49] : memref<64x128xi32, #tpu.memory_space<hbm>> -> memref<2x128xi32, #tpu.memory_space<hbm>>
      tpu.enqueue_dma source(%dma_start3A_50 : memref<2x128xi32, #tpu.memory_space<hbm>>) target(%arg8 : memref<2x128xi32, #tpu.memory_space<vmem>>) target_semaphore(%run_scoped3A : memref<!tpu.dma_semaphore, #tpu.memory_space<semaphore_mem>>)
      %dma_wait3A_51 = arith.constant 0 : i32
      %dma_wait3A_52 = tpu.memref_slice %arg4[%mul3A_2, %dma_wait3A_51] : memref<64x128xi32, #tpu.memory_space<hbm>> -> memref<2x128xi32, #tpu.memory_space<hbm>>
      %dma_wait3A_53 = arith.constant 0 : i32
      %dma_wait3A_54 = tpu.memref_slice %arg4[%mul3A_2, %dma_wait3A_53] : memref<64x128xi32, #tpu.memory_space<hbm>> -> memref<2x128xi32, #tpu.memory_space<hbm>>
      tpu.wait_dma2 semaphore(%run_scoped3A : memref<!tpu.dma_semaphore, #tpu.memory_space<semaphore_mem>>) src(%dma_wait3A_54 : memref<2x128xi32, #tpu.memory_space<hbm>>) dst(%arg8 : memref<2x128xi32, #tpu.memory_space<vmem>>)
      tpu.yield
    }) : () -> ()
    %dma_start3A = arith.constant 0 : i32
    %dma_start3A_3 = arith.constant 0 : i32
    %dma_start3A_4 = arith.constant 0 : i32
    %dma_start3A_5 = tpu.memref_slice %arg9[%dma_start3A_3, %dma_start3A_4] : memref<256x128xf32, #tpu.memory_space<vmem>> -> memref<128x128xf32, #tpu.memory_space<vmem>>
    %dma_start3A_6 = arith.constant 0 : i32
    %dma_start3A_7 = tpu.memref_slice %arg8[%dma_start3A, %dma_start3A_6] : memref<2x128xi32, #tpu.memory_space<vmem>> -> memref<1x128xi32, #tpu.memory_space<vmem>>
    %dma_start3A_8 = tpu.memref_squeeze %dma_start3A_7 : memref<1x128xi32, #tpu.memory_space<vmem>> -> memref<128xi32, #tpu.memory_space<vmem>>
    %dma_start3A_9 = arith.constant 0 : i32
    %dma_start3A_10 = arith.constant 0 : i32
    %dma_start3A_11 = tpu.memref_slice %arg2[%dma_start3A_9, %dma_start3A_10] : memref<100x128xf32, #tpu.memory_space<hbm>> -> memref<100x128xf32, #tpu.memory_space<hbm>>
    tpu.enqueue_indirect_dma source(%dma_start3A_11 : memref<100x128xf32, #tpu.memory_space<hbm>>) target(%dma_start3A_5 : memref<128x128xf32, #tpu.memory_space<vmem>>) offsets(%dma_start3A_8 : memref<128xi32, #tpu.memory_space<vmem>>) semaphore(%arg12 : memref<!tpu.dma_semaphore, #tpu.memory_space<semaphore_mem>>)
    %dma_start3A_12 = arith.constant 1 : i32
    %dma_start3A_13 = arith.constant 128 : i32
    %dma_start3A_14 = arith.constant 0 : i32
    %dma_start3A_15 = tpu.memref_slice %arg9[%dma_start3A_13, %dma_start3A_14] : memref<256x128xf32, #tpu.memory_space<vmem>> -> memref<128x128xf32, #tpu.memory_space<vmem>>
    %dma_start3A_16 = arith.constant 0 : i32
    %dma_start3A_17 = tpu.memref_slice %arg8[%dma_start3A_12, %dma_start3A_16] : memref<2x128xi32, #tpu.memory_space<vmem>> -> memref<1x128xi32, #tpu.memory_space<vmem>>
    %dma_start3A_18 = tpu.memref_squeeze %dma_start3A_17 : memref<1x128xi32, #tpu.memory_space<vmem>> -> memref<128xi32, #tpu.memory_space<vmem>>
    %dma_start3A_19 = arith.constant 0 : i32
    %dma_start3A_20 = arith.constant 0 : i32
    %dma_start3A_21 = tpu.memref_slice %arg2[%dma_start3A_19, %dma_start3A_20] : memref<100x128xf32, #tpu.memory_space<hbm>> -> memref<100x128xf32, #tpu.memory_space<hbm>>
    tpu.enqueue_indirect_dma source(%dma_start3A_21 : memref<100x128xf32, #tpu.memory_space<hbm>>) target(%dma_start3A_15 : memref<128x128xf32, #tpu.memory_space<vmem>>) offsets(%dma_start3A_18 : memref<128xi32, #tpu.memory_space<vmem>>) semaphore(%arg12 : memref<!tpu.dma_semaphore, #tpu.memory_space<semaphore_mem>>)
    %dma_wait3A = arith.constant 0 : i32
    %dma_wait3A_22 = arith.constant 0 : i32
    %dma_wait3A_23 = arith.constant 0 : i32
    %dma_wait3A_24 = tpu.memref_slice %arg9[%dma_wait3A_22, %dma_wait3A_23] : memref<256x128xf32, #tpu.memory_space<vmem>> -> memref<128x128xf32, #tpu.memory_space<vmem>>
    %dma_wait3A_25 = arith.constant 0 : i32
    %dma_wait3A_26 = tpu.memref_slice %arg8[%dma_wait3A, %dma_wait3A_25] : memref<2x128xi32, #tpu.memory_space<vmem>> -> memref<1x128xi32, #tpu.memory_space<vmem>>
    %dma_wait3A_27 = tpu.memref_squeeze %dma_wait3A_26 : memref<1x128xi32, #tpu.memory_space<vmem>> -> memref<128xi32, #tpu.memory_space<vmem>>
    %dma_wait3A_28 = arith.constant 0 : i32
    %dma_wait3A_29 = arith.constant 0 : i32
    %dma_wait3A_30 = tpu.memref_slice %arg2[%dma_wait3A_28, %dma_wait3A_29] : memref<100x128xf32, #tpu.memory_space<hbm>> -> memref<100x128xf32, #tpu.memory_space<hbm>>
    tpu.wait_indirect_dma semaphore(%arg12 : memref<!tpu.dma_semaphore, #tpu.memory_space<semaphore_mem>>) src(%dma_wait3A_30 : memref<100x128xf32, #tpu.memory_space<hbm>>) dst(%dma_wait3A_24 : memref<128x128xf32, #tpu.memory_space<vmem>>)
    %dma_wait3A_31 = arith.constant 1 : i32
    %dma_wait3A_32 = arith.constant 128 : i32
    %dma_wait3A_33 = arith.constant 0 : i32
    %dma_wait3A_34 = tpu.memref_slice %arg9[%dma_wait3A_32, %dma_wait3A_33] : memref<256x128xf32, #tpu.memory_space<vmem>> -> memref<128x128xf32, #tpu.memory_space<vmem>>
    %dma_wait3A_35 = arith.constant 0 : i32
    %dma_wait3A_36 = tpu.memref_slice %arg8[%dma_wait3A_31, %dma_wait3A_35] : memref<2x128xi32, #tpu.memory_space<vmem>> -> memref<1x128xi32, #tpu.memory_space<vmem>>
    %dma_wait3A_37 = tpu.memref_squeeze %dma_wait3A_36 : memref<1x128xi32, #tpu.memory_space<vmem>> -> memref<128xi32, #tpu.memory_space<vmem>>
    %dma_wait3A_38 = arith.constant 0 : i32
    %dma_wait3A_39 = arith.constant 0 : i32
    %dma_wait3A_40 = tpu.memref_slice %arg2[%dma_wait3A_38, %dma_wait3A_39] : memref<100x128xf32, #tpu.memory_space<hbm>> -> memref<100x128xf32, #tpu.memory_space<hbm>>
    tpu.wait_indirect_dma semaphore(%arg12 : memref<!tpu.dma_semaphore, #tpu.memory_space<semaphore_mem>>) src(%dma_wait3A_40 : memref<100x128xf32, #tpu.memory_space<hbm>>) dst(%dma_wait3A_34 : memref<128x128xf32, #tpu.memory_space<vmem>>)
    %mul3A_41 = arith.constant 256 : i32
    %mul3A_42 = arith.muli %add3A, %mul3A_41 : i32
    "tpu.region"() ({
      %run_scoped3A = tpu.sem_alloc : memref<!tpu.dma_semaphore, #tpu.memory_space<semaphore_mem>>
      %dma_start3A_47 = arith.constant 0 : i32
      %dma_start3A_48 = tpu.memref_slice %arg6[%mul3A_42, %dma_start3A_47] : memref<8192x128xf32, #tpu.memory_space<hbm>> -> memref<256x128xf32, #tpu.memory_space<hbm>>
      %dma_start3A_49 = arith.constant 0 : i32
      %dma_start3A_50 = tpu.memref_slice %arg6[%mul3A_42, %dma_start3A_49] : memref<8192x128xf32, #tpu.memory_space<hbm>> -> memref<256x128xf32, #tpu.memory_space<hbm>>
      tpu.enqueue_dma source(%arg9 : memref<256x128xf32, #tpu.memory_space<vmem>>) target(%dma_start3A_50 : memref<256x128xf32, #tpu.memory_space<hbm>>) target_semaphore(%run_scoped3A : memref<!tpu.dma_semaphore, #tpu.memory_space<semaphore_mem>>)
      %dma_wait3A_51 = arith.constant 0 : i32
      %dma_wait3A_52 = tpu.memref_slice %arg6[%mul3A_42, %dma_wait3A_51] : memref<8192x128xf32, #tpu.memory_space<hbm>> -> memref<256x128xf32, #tpu.memory_space<hbm>>
      %dma_wait3A_53 = arith.constant 0 : i32
      %dma_wait3A_54 = tpu.memref_slice %arg6[%mul3A_42, %dma_wait3A_53] : memref<8192x128xf32, #tpu.memory_space<hbm>> -> memref<256x128xf32, #tpu.memory_space<hbm>>
      tpu.wait_dma2 semaphore(%run_scoped3A : memref<!tpu.dma_semaphore, #tpu.memory_space<semaphore_mem>>) src(%arg9 : memref<256x128xf32, #tpu.memory_space<vmem>>) dst(%dma_wait3A_54 : memref<256x128xf32, #tpu.memory_space<hbm>>)
      tpu.yield
    }) : () -> ()
    %scan3A = arith.constant 0 : i32
    %scan3A_43 = arith.constant 8 : i32
    %scan3A_44 = arith.addi %scan3A, %scan3A_43 : i32
    %scan3A_45 = arith.constant 1 : i32
    scf.for %scan3A_47 = %scan3A to %scan3A_44 step %scan3A_45  : i32 {
      %mul3A_48 = arith.constant 1 : i32
      %mul3A_49 = arith.muli %scan3A_47, %mul3A_48 : i32
      %add3A_50 = arith.constant 0 : i32
      %add3A_51 = arith.addi %add3A_50, %mul3A_49 : i32
      %mul3A_52 = arith.constant 64 : i32
      %mul3A_53 = arith.muli %add3A, %mul3A_52 : i32
      %mul3A_54 = arith.constant 8 : i32
      %mul3A_55 = arith.muli %add3A_51, %mul3A_54 : i32
      %add3A_56 = arith.addi %mul3A_53, %mul3A_55 : i32
      "tpu.region"() ({
        %run_scoped3A = tpu.sem_alloc : memref<!tpu.dma_semaphore, #tpu.memory_space<semaphore_mem>>
        %dma_start3A_222 = arith.constant 0 : i32
        %dma_start3A_223 = tpu.memref_slice %arg5[%add3A_56, %dma_start3A_222] : memref<2048x128xi32, #tpu.memory_space<hbm>> -> memref<8x128xi32, #tpu.memory_space<hbm>>
        %dma_start3A_224 = arith.constant 0 : i32
        %dma_start3A_225 = tpu.memref_slice %arg5[%add3A_56, %dma_start3A_224] : memref<2048x128xi32, #tpu.memory_space<hbm>> -> memref<8x128xi32, #tpu.memory_space<hbm>>
        tpu.enqueue_dma source(%dma_start3A_225 : memref<8x128xi32, #tpu.memory_space<hbm>>) target(%arg10 : memref<8x128xi32, #tpu.memory_space<vmem>>) target_semaphore(%run_scoped3A : memref<!tpu.dma_semaphore, #tpu.memory_space<semaphore_mem>>)
        %dma_wait3A_226 = arith.constant 0 : i32
        %dma_wait3A_227 = tpu.memref_slice %arg5[%add3A_56, %dma_wait3A_226] : memref<2048x128xi32, #tpu.memory_space<hbm>> -> memref<8x128xi32, #tpu.memory_space<hbm>>
        %dma_wait3A_228 = arith.constant 0 : i32
        %dma_wait3A_229 = tpu.memref_slice %arg5[%add3A_56, %dma_wait3A_228] : memref<2048x128xi32, #tpu.memory_space<hbm>> -> memref<8x128xi32, #tpu.memory_space<hbm>>
        tpu.wait_dma2 semaphore(%run_scoped3A : memref<!tpu.dma_semaphore, #tpu.memory_space<semaphore_mem>>) src(%dma_wait3A_229 : memref<8x128xi32, #tpu.memory_space<hbm>>) dst(%arg10 : memref<8x128xi32, #tpu.memory_space<vmem>>)
        tpu.yield
      }) : () -> ()
      %dma_start3A_57 = arith.constant 0 : i32
      %dma_start3A_58 = arith.constant 0 : i32
      %dma_start3A_59 = arith.constant 0 : i32
      %dma_start3A_60 = tpu.memref_slice %arg11[%dma_start3A_58, %dma_start3A_59] : memref<1024x16xf32, #tpu.memory_space<vmem>> -> memref<128x16xf32, #tpu.memory_space<vmem>>
      %dma_start3A_61 = arith.constant 0 : i32
      %dma_start3A_62 = tpu.memref_slice %arg10[%dma_start3A_57, %dma_start3A_61] : memref<8x128xi32, #tpu.memory_space<vmem>> -> memref<1x128xi32, #tpu.memory_space<vmem>>
      %dma_start3A_63 = tpu.memref_squeeze %dma_start3A_62 : memref<1x128xi32, #tpu.memory_space<vmem>> -> memref<128xi32, #tpu.memory_space<vmem>>
      %dma_start3A_64 = arith.constant 0 : i32
      %dma_start3A_65 = arith.constant 0 : i32
      %dma_start3A_66 = tpu.memref_slice %arg3[%dma_start3A_64, %dma_start3A_65] : memref<8192x16xf32, #tpu.memory_space<hbm>> -> memref<8192x16xf32, #tpu.memory_space<hbm>>
      tpu.enqueue_indirect_dma source(%dma_start3A_66 : memref<8192x16xf32, #tpu.memory_space<hbm>>) target(%dma_start3A_60 : memref<128x16xf32, #tpu.memory_space<vmem>>) offsets(%dma_start3A_63 : memref<128xi32, #tpu.memory_space<vmem>>) semaphore(%arg12 : memref<!tpu.dma_semaphore, #tpu.memory_space<semaphore_mem>>)
      %dma_start3A_67 = arith.constant 1 : i32
      %dma_start3A_68 = arith.constant 128 : i32
      %dma_start3A_69 = arith.constant 0 : i32
      %dma_start3A_70 = tpu.memref_slice %arg11[%dma_start3A_68, %dma_start3A_69] : memref<1024x16xf32, #tpu.memory_space<vmem>> -> memref<128x16xf32, #tpu.memory_space<vmem>>
      %dma_start3A_71 = arith.constant 0 : i32
      %dma_start3A_72 = tpu.memref_slice %arg10[%dma_start3A_67, %dma_start3A_71] : memref<8x128xi32, #tpu.memory_space<vmem>> -> memref<1x128xi32, #tpu.memory_space<vmem>>
      %dma_start3A_73 = tpu.memref_squeeze %dma_start3A_72 : memref<1x128xi32, #tpu.memory_space<vmem>> -> memref<128xi32, #tpu.memory_space<vmem>>
      %dma_start3A_74 = arith.constant 0 : i32
      %dma_start3A_75 = arith.constant 0 : i32
      %dma_start3A_76 = tpu.memref_slice %arg3[%dma_start3A_74, %dma_start3A_75] : memref<8192x16xf32, #tpu.memory_space<hbm>> -> memref<8192x16xf32, #tpu.memory_space<hbm>>
      tpu.enqueue_indirect_dma source(%dma_start3A_76 : memref<8192x16xf32, #tpu.memory_space<hbm>>) target(%dma_start3A_70 : memref<128x16xf32, #tpu.memory_space<vmem>>) offsets(%dma_start3A_73 : memref<128xi32, #tpu.memory_space<vmem>>) semaphore(%arg12 : memref<!tpu.dma_semaphore, #tpu.memory_space<semaphore_mem>>)
      %dma_start3A_77 = arith.constant 2 : i32
      %dma_start3A_78 = arith.constant 256 : i32
      %dma_start3A_79 = arith.constant 0 : i32
      %dma_start3A_80 = tpu.memref_slice %arg11[%dma_start3A_78, %dma_start3A_79] : memref<1024x16xf32, #tpu.memory_space<vmem>> -> memref<128x16xf32, #tpu.memory_space<vmem>>
      %dma_start3A_81 = arith.constant 0 : i32
      %dma_start3A_82 = tpu.memref_slice %arg10[%dma_start3A_77, %dma_start3A_81] : memref<8x128xi32, #tpu.memory_space<vmem>> -> memref<1x128xi32, #tpu.memory_space<vmem>>
      %dma_start3A_83 = tpu.memref_squeeze %dma_start3A_82 : memref<1x128xi32, #tpu.memory_space<vmem>> -> memref<128xi32, #tpu.memory_space<vmem>>
      %dma_start3A_84 = arith.constant 0 : i32
      %dma_start3A_85 = arith.constant 0 : i32
      %dma_start3A_86 = tpu.memref_slice %arg3[%dma_start3A_84, %dma_start3A_85] : memref<8192x16xf32, #tpu.memory_space<hbm>> -> memref<8192x16xf32, #tpu.memory_space<hbm>>
      tpu.enqueue_indirect_dma source(%dma_start3A_86 : memref<8192x16xf32, #tpu.memory_space<hbm>>) target(%dma_start3A_80 : memref<128x16xf32, #tpu.memory_space<vmem>>) offsets(%dma_start3A_83 : memref<128xi32, #tpu.memory_space<vmem>>) semaphore(%arg12 : memref<!tpu.dma_semaphore, #tpu.memory_space<semaphore_mem>>)
      %dma_start3A_87 = arith.constant 3 : i32
      %dma_start3A_88 = arith.constant 384 : i32
      %dma_start3A_89 = arith.constant 0 : i32
      %dma_start3A_90 = tpu.memref_slice %arg11[%dma_start3A_88, %dma_start3A_89] : memref<1024x16xf32, #tpu.memory_space<vmem>> -> memref<128x16xf32, #tpu.memory_space<vmem>>
      %dma_start3A_91 = arith.constant 0 : i32
      %dma_start3A_92 = tpu.memref_slice %arg10[%dma_start3A_87, %dma_start3A_91] : memref<8x128xi32, #tpu.memory_space<vmem>> -> memref<1x128xi32, #tpu.memory_space<vmem>>
      %dma_start3A_93 = tpu.memref_squeeze %dma_start3A_92 : memref<1x128xi32, #tpu.memory_space<vmem>> -> memref<128xi32, #tpu.memory_space<vmem>>
      %dma_start3A_94 = arith.constant 0 : i32
      %dma_start3A_95 = arith.constant 0 : i32
      %dma_start3A_96 = tpu.memref_slice %arg3[%dma_start3A_94, %dma_start3A_95] : memref<8192x16xf32, #tpu.memory_space<hbm>> -> memref<8192x16xf32, #tpu.memory_space<hbm>>
      tpu.enqueue_indirect_dma source(%dma_start3A_96 : memref<8192x16xf32, #tpu.memory_space<hbm>>) target(%dma_start3A_90 : memref<128x16xf32, #tpu.memory_space<vmem>>) offsets(%dma_start3A_93 : memref<128xi32, #tpu.memory_space<vmem>>) semaphore(%arg12 : memref<!tpu.dma_semaphore, #tpu.memory_space<semaphore_mem>>)
      %dma_start3A_97 = arith.constant 4 : i32
      %dma_start3A_98 = arith.constant 512 : i32
      %dma_start3A_99 = arith.constant 0 : i32
      %dma_start3A_100 = tpu.memref_slice %arg11[%dma_start3A_98, %dma_start3A_99] : memref<1024x16xf32, #tpu.memory_space<vmem>> -> memref<128x16xf32, #tpu.memory_space<vmem>>
      %dma_start3A_101 = arith.constant 0 : i32
      %dma_start3A_102 = tpu.memref_slice %arg10[%dma_start3A_97, %dma_start3A_101] : memref<8x128xi32, #tpu.memory_space<vmem>> -> memref<1x128xi32, #tpu.memory_space<vmem>>
      %dma_start3A_103 = tpu.memref_squeeze %dma_start3A_102 : memref<1x128xi32, #tpu.memory_space<vmem>> -> memref<128xi32, #tpu.memory_space<vmem>>
      %dma_start3A_104 = arith.constant 0 : i32
      %dma_start3A_105 = arith.constant 0 : i32
      %dma_start3A_106 = tpu.memref_slice %arg3[%dma_start3A_104, %dma_start3A_105] : memref<8192x16xf32, #tpu.memory_space<hbm>> -> memref<8192x16xf32, #tpu.memory_space<hbm>>
      tpu.enqueue_indirect_dma source(%dma_start3A_106 : memref<8192x16xf32, #tpu.memory_space<hbm>>) target(%dma_start3A_100 : memref<128x16xf32, #tpu.memory_space<vmem>>) offsets(%dma_start3A_103 : memref<128xi32, #tpu.memory_space<vmem>>) semaphore(%arg12 : memref<!tpu.dma_semaphore, #tpu.memory_space<semaphore_mem>>)
      %dma_start3A_107 = arith.constant 5 : i32
      %dma_start3A_108 = arith.constant 640 : i32
      %dma_start3A_109 = arith.constant 0 : i32
      %dma_start3A_110 = tpu.memref_slice %arg11[%dma_start3A_108, %dma_start3A_109] : memref<1024x16xf32, #tpu.memory_space<vmem>> -> memref<128x16xf32, #tpu.memory_space<vmem>>
      %dma_start3A_111 = arith.constant 0 : i32
      %dma_start3A_112 = tpu.memref_slice %arg10[%dma_start3A_107, %dma_start3A_111] : memref<8x128xi32, #tpu.memory_space<vmem>> -> memref<1x128xi32, #tpu.memory_space<vmem>>
      %dma_start3A_113 = tpu.memref_squeeze %dma_start3A_112 : memref<1x128xi32, #tpu.memory_space<vmem>> -> memref<128xi32, #tpu.memory_space<vmem>>
      %dma_start3A_114 = arith.constant 0 : i32
      %dma_start3A_115 = arith.constant 0 : i32
      %dma_start3A_116 = tpu.memref_slice %arg3[%dma_start3A_114, %dma_start3A_115] : memref<8192x16xf32, #tpu.memory_space<hbm>> -> memref<8192x16xf32, #tpu.memory_space<hbm>>
      tpu.enqueue_indirect_dma source(%dma_start3A_116 : memref<8192x16xf32, #tpu.memory_space<hbm>>) target(%dma_start3A_110 : memref<128x16xf32, #tpu.memory_space<vmem>>) offsets(%dma_start3A_113 : memref<128xi32, #tpu.memory_space<vmem>>) semaphore(%arg12 : memref<!tpu.dma_semaphore, #tpu.memory_space<semaphore_mem>>)
      %dma_start3A_117 = arith.constant 6 : i32
      %dma_start3A_118 = arith.constant 768 : i32
      %dma_start3A_119 = arith.constant 0 : i32
      %dma_start3A_120 = tpu.memref_slice %arg11[%dma_start3A_118, %dma_start3A_119] : memref<1024x16xf32, #tpu.memory_space<vmem>> -> memref<128x16xf32, #tpu.memory_space<vmem>>
      %dma_start3A_121 = arith.constant 0 : i32
      %dma_start3A_122 = tpu.memref_slice %arg10[%dma_start3A_117, %dma_start3A_121] : memref<8x128xi32, #tpu.memory_space<vmem>> -> memref<1x128xi32, #tpu.memory_space<vmem>>
      %dma_start3A_123 = tpu.memref_squeeze %dma_start3A_122 : memref<1x128xi32, #tpu.memory_space<vmem>> -> memref<128xi32, #tpu.memory_space<vmem>>
      %dma_start3A_124 = arith.constant 0 : i32
      %dma_start3A_125 = arith.constant 0 : i32
      %dma_start3A_126 = tpu.memref_slice %arg3[%dma_start3A_124, %dma_start3A_125] : memref<8192x16xf32, #tpu.memory_space<hbm>> -> memref<8192x16xf32, #tpu.memory_space<hbm>>
      tpu.enqueue_indirect_dma source(%dma_start3A_126 : memref<8192x16xf32, #tpu.memory_space<hbm>>) target(%dma_start3A_120 : memref<128x16xf32, #tpu.memory_space<vmem>>) offsets(%dma_start3A_123 : memref<128xi32, #tpu.memory_space<vmem>>) semaphore(%arg12 : memref<!tpu.dma_semaphore, #tpu.memory_space<semaphore_mem>>)
      %dma_start3A_127 = arith.constant 7 : i32
      %dma_start3A_128 = arith.constant 896 : i32
      %dma_start3A_129 = arith.constant 0 : i32
      %dma_start3A_130 = tpu.memref_slice %arg11[%dma_start3A_128, %dma_start3A_129] : memref<1024x16xf32, #tpu.memory_space<vmem>> -> memref<128x16xf32, #tpu.memory_space<vmem>>
      %dma_start3A_131 = arith.constant 0 : i32
      %dma_start3A_132 = tpu.memref_slice %arg10[%dma_start3A_127, %dma_start3A_131] : memref<8x128xi32, #tpu.memory_space<vmem>> -> memref<1x128xi32, #tpu.memory_space<vmem>>
      %dma_start3A_133 = tpu.memref_squeeze %dma_start3A_132 : memref<1x128xi32, #tpu.memory_space<vmem>> -> memref<128xi32, #tpu.memory_space<vmem>>
      %dma_start3A_134 = arith.constant 0 : i32
      %dma_start3A_135 = arith.constant 0 : i32
      %dma_start3A_136 = tpu.memref_slice %arg3[%dma_start3A_134, %dma_start3A_135] : memref<8192x16xf32, #tpu.memory_space<hbm>> -> memref<8192x16xf32, #tpu.memory_space<hbm>>
      tpu.enqueue_indirect_dma source(%dma_start3A_136 : memref<8192x16xf32, #tpu.memory_space<hbm>>) target(%dma_start3A_130 : memref<128x16xf32, #tpu.memory_space<vmem>>) offsets(%dma_start3A_133 : memref<128xi32, #tpu.memory_space<vmem>>) semaphore(%arg12 : memref<!tpu.dma_semaphore, #tpu.memory_space<semaphore_mem>>)
      %dma_wait3A_137 = arith.constant 0 : i32
      %dma_wait3A_138 = arith.constant 0 : i32
      %dma_wait3A_139 = arith.constant 0 : i32
      %dma_wait3A_140 = tpu.memref_slice %arg11[%dma_wait3A_138, %dma_wait3A_139] : memref<1024x16xf32, #tpu.memory_space<vmem>> -> memref<128x16xf32, #tpu.memory_space<vmem>>
      %dma_wait3A_141 = arith.constant 0 : i32
      %dma_wait3A_142 = tpu.memref_slice %arg10[%dma_wait3A_137, %dma_wait3A_141] : memref<8x128xi32, #tpu.memory_space<vmem>> -> memref<1x128xi32, #tpu.memory_space<vmem>>
      %dma_wait3A_143 = tpu.memref_squeeze %dma_wait3A_142 : memref<1x128xi32, #tpu.memory_space<vmem>> -> memref<128xi32, #tpu.memory_space<vmem>>
      %dma_wait3A_144 = arith.constant 0 : i32
      %dma_wait3A_145 = arith.constant 0 : i32
      %dma_wait3A_146 = tpu.memref_slice %arg3[%dma_wait3A_144, %dma_wait3A_145] : memref<8192x16xf32, #tpu.memory_space<hbm>> -> memref<8192x16xf32, #tpu.memory_space<hbm>>
      tpu.wait_indirect_dma semaphore(%arg12 : memref<!tpu.dma_semaphore, #tpu.memory_space<semaphore_mem>>) src(%dma_wait3A_146 : memref<8192x16xf32, #tpu.memory_space<hbm>>) dst(%dma_wait3A_140 : memref<128x16xf32, #tpu.memory_space<vmem>>)
      %dma_wait3A_147 = arith.constant 1 : i32
      %dma_wait3A_148 = arith.constant 128 : i32
      %dma_wait3A_149 = arith.constant 0 : i32
      %dma_wait3A_150 = tpu.memref_slice %arg11[%dma_wait3A_148, %dma_wait3A_149] : memref<1024x16xf32, #tpu.memory_space<vmem>> -> memref<128x16xf32, #tpu.memory_space<vmem>>
      %dma_wait3A_151 = arith.constant 0 : i32
      %dma_wait3A_152 = tpu.memref_slice %arg10[%dma_wait3A_147, %dma_wait3A_151] : memref<8x128xi32, #tpu.memory_space<vmem>> -> memref<1x128xi32, #tpu.memory_space<vmem>>
      %dma_wait3A_153 = tpu.memref_squeeze %dma_wait3A_152 : memref<1x128xi32, #tpu.memory_space<vmem>> -> memref<128xi32, #tpu.memory_space<vmem>>
      %dma_wait3A_154 = arith.constant 0 : i32
      %dma_wait3A_155 = arith.constant 0 : i32
      %dma_wait3A_156 = tpu.memref_slice %arg3[%dma_wait3A_154, %dma_wait3A_155] : memref<8192x16xf32, #tpu.memory_space<hbm>> -> memref<8192x16xf32, #tpu.memory_space<hbm>>
      tpu.wait_indirect_dma semaphore(%arg12 : memref<!tpu.dma_semaphore, #tpu.memory_space<semaphore_mem>>) src(%dma_wait3A_156 : memref<8192x16xf32, #tpu.memory_space<hbm>>) dst(%dma_wait3A_150 : memref<128x16xf32, #tpu.memory_space<vmem>>)
      %dma_wait3A_157 = arith.constant 2 : i32
      %dma_wait3A_158 = arith.constant 256 : i32
      %dma_wait3A_159 = arith.constant 0 : i32
      %dma_wait3A_160 = tpu.memref_slice %arg11[%dma_wait3A_158, %dma_wait3A_159] : memref<1024x16xf32, #tpu.memory_space<vmem>> -> memref<128x16xf32, #tpu.memory_space<vmem>>
      %dma_wait3A_161 = arith.constant 0 : i32
      %dma_wait3A_162 = tpu.memref_slice %arg10[%dma_wait3A_157, %dma_wait3A_161] : memref<8x128xi32, #tpu.memory_space<vmem>> -> memref<1x128xi32, #tpu.memory_space<vmem>>
      %dma_wait3A_163 = tpu.memref_squeeze %dma_wait3A_162 : memref<1x128xi32, #tpu.memory_space<vmem>> -> memref<128xi32, #tpu.memory_space<vmem>>
      %dma_wait3A_164 = arith.constant 0 : i32
      %dma_wait3A_165 = arith.constant 0 : i32
      %dma_wait3A_166 = tpu.memref_slice %arg3[%dma_wait3A_164, %dma_wait3A_165] : memref<8192x16xf32, #tpu.memory_space<hbm>> -> memref<8192x16xf32, #tpu.memory_space<hbm>>
      tpu.wait_indirect_dma semaphore(%arg12 : memref<!tpu.dma_semaphore, #tpu.memory_space<semaphore_mem>>) src(%dma_wait3A_166 : memref<8192x16xf32, #tpu.memory_space<hbm>>) dst(%dma_wait3A_160 : memref<128x16xf32, #tpu.memory_space<vmem>>)
      %dma_wait3A_167 = arith.constant 3 : i32
      %dma_wait3A_168 = arith.constant 384 : i32
      %dma_wait3A_169 = arith.constant 0 : i32
      %dma_wait3A_170 = tpu.memref_slice %arg11[%dma_wait3A_168, %dma_wait3A_169] : memref<1024x16xf32, #tpu.memory_space<vmem>> -> memref<128x16xf32, #tpu.memory_space<vmem>>
      %dma_wait3A_171 = arith.constant 0 : i32
      %dma_wait3A_172 = tpu.memref_slice %arg10[%dma_wait3A_167, %dma_wait3A_171] : memref<8x128xi32, #tpu.memory_space<vmem>> -> memref<1x128xi32, #tpu.memory_space<vmem>>
      %dma_wait3A_173 = tpu.memref_squeeze %dma_wait3A_172 : memref<1x128xi32, #tpu.memory_space<vmem>> -> memref<128xi32, #tpu.memory_space<vmem>>
      %dma_wait3A_174 = arith.constant 0 : i32
      %dma_wait3A_175 = arith.constant 0 : i32
      %dma_wait3A_176 = tpu.memref_slice %arg3[%dma_wait3A_174, %dma_wait3A_175] : memref<8192x16xf32, #tpu.memory_space<hbm>> -> memref<8192x16xf32, #tpu.memory_space<hbm>>
      tpu.wait_indirect_dma semaphore(%arg12 : memref<!tpu.dma_semaphore, #tpu.memory_space<semaphore_mem>>) src(%dma_wait3A_176 : memref<8192x16xf32, #tpu.memory_space<hbm>>) dst(%dma_wait3A_170 : memref<128x16xf32, #tpu.memory_space<vmem>>)
      %dma_wait3A_177 = arith.constant 4 : i32
      %dma_wait3A_178 = arith.constant 512 : i32
      %dma_wait3A_179 = arith.constant 0 : i32
      %dma_wait3A_180 = tpu.memref_slice %arg11[%dma_wait3A_178, %dma_wait3A_179] : memref<1024x16xf32, #tpu.memory_space<vmem>> -> memref<128x16xf32, #tpu.memory_space<vmem>>
      %dma_wait3A_181 = arith.constant 0 : i32
      %dma_wait3A_182 = tpu.memref_slice %arg10[%dma_wait3A_177, %dma_wait3A_181] : memref<8x128xi32, #tpu.memory_space<vmem>> -> memref<1x128xi32, #tpu.memory_space<vmem>>
      %dma_wait3A_183 = tpu.memref_squeeze %dma_wait3A_182 : memref<1x128xi32, #tpu.memory_space<vmem>> -> memref<128xi32, #tpu.memory_space<vmem>>
      %dma_wait3A_184 = arith.constant 0 : i32
      %dma_wait3A_185 = arith.constant 0 : i32
      %dma_wait3A_186 = tpu.memref_slice %arg3[%dma_wait3A_184, %dma_wait3A_185] : memref<8192x16xf32, #tpu.memory_space<hbm>> -> memref<8192x16xf32, #tpu.memory_space<hbm>>
      tpu.wait_indirect_dma semaphore(%arg12 : memref<!tpu.dma_semaphore, #tpu.memory_space<semaphore_mem>>) src(%dma_wait3A_186 : memref<8192x16xf32, #tpu.memory_space<hbm>>) dst(%dma_wait3A_180 : memref<128x16xf32, #tpu.memory_space<vmem>>)
      %dma_wait3A_187 = arith.constant 5 : i32
      %dma_wait3A_188 = arith.constant 640 : i32
      %dma_wait3A_189 = arith.constant 0 : i32
      %dma_wait3A_190 = tpu.memref_slice %arg11[%dma_wait3A_188, %dma_wait3A_189] : memref<1024x16xf32, #tpu.memory_space<vmem>> -> memref<128x16xf32, #tpu.memory_space<vmem>>
      %dma_wait3A_191 = arith.constant 0 : i32
      %dma_wait3A_192 = tpu.memref_slice %arg10[%dma_wait3A_187, %dma_wait3A_191] : memref<8x128xi32, #tpu.memory_space<vmem>> -> memref<1x128xi32, #tpu.memory_space<vmem>>
      %dma_wait3A_193 = tpu.memref_squeeze %dma_wait3A_192 : memref<1x128xi32, #tpu.memory_space<vmem>> -> memref<128xi32, #tpu.memory_space<vmem>>
      %dma_wait3A_194 = arith.constant 0 : i32
      %dma_wait3A_195 = arith.constant 0 : i32
      %dma_wait3A_196 = tpu.memref_slice %arg3[%dma_wait3A_194, %dma_wait3A_195] : memref<8192x16xf32, #tpu.memory_space<hbm>> -> memref<8192x16xf32, #tpu.memory_space<hbm>>
      tpu.wait_indirect_dma semaphore(%arg12 : memref<!tpu.dma_semaphore, #tpu.memory_space<semaphore_mem>>) src(%dma_wait3A_196 : memref<8192x16xf32, #tpu.memory_space<hbm>>) dst(%dma_wait3A_190 : memref<128x16xf32, #tpu.memory_space<vmem>>)
      %dma_wait3A_197 = arith.constant 6 : i32
      %dma_wait3A_198 = arith.constant 768 : i32
      %dma_wait3A_199 = arith.constant 0 : i32
      %dma_wait3A_200 = tpu.memref_slice %arg11[%dma_wait3A_198, %dma_wait3A_199] : memref<1024x16xf32, #tpu.memory_space<vmem>> -> memref<128x16xf32, #tpu.memory_space<vmem>>
      %dma_wait3A_201 = arith.constant 0 : i32
      %dma_wait3A_202 = tpu.memref_slice %arg10[%dma_wait3A_197, %dma_wait3A_201] : memref<8x128xi32, #tpu.memory_space<vmem>> -> memref<1x128xi32, #tpu.memory_space<vmem>>
      %dma_wait3A_203 = tpu.memref_squeeze %dma_wait3A_202 : memref<1x128xi32, #tpu.memory_space<vmem>> -> memref<128xi32, #tpu.memory_space<vmem>>
      %dma_wait3A_204 = arith.constant 0 : i32
      %dma_wait3A_205 = arith.constant 0 : i32
      %dma_wait3A_206 = tpu.memref_slice %arg3[%dma_wait3A_204, %dma_wait3A_205] : memref<8192x16xf32, #tpu.memory_space<hbm>> -> memref<8192x16xf32, #tpu.memory_space<hbm>>
      tpu.wait_indirect_dma semaphore(%arg12 : memref<!tpu.dma_semaphore, #tpu.memory_space<semaphore_mem>>) src(%dma_wait3A_206 : memref<8192x16xf32, #tpu.memory_space<hbm>>) dst(%dma_wait3A_200 : memref<128x16xf32, #tpu.memory_space<vmem>>)
      %dma_wait3A_207 = arith.constant 7 : i32
      %dma_wait3A_208 = arith.constant 896 : i32
      %dma_wait3A_209 = arith.constant 0 : i32
      %dma_wait3A_210 = tpu.memref_slice %arg11[%dma_wait3A_208, %dma_wait3A_209] : memref<1024x16xf32, #tpu.memory_space<vmem>> -> memref<128x16xf32, #tpu.memory_space<vmem>>
      %dma_wait3A_211 = arith.constant 0 : i32
      %dma_wait3A_212 = tpu.memref_slice %arg10[%dma_wait3A_207, %dma_wait3A_211] : memref<8x128xi32, #tpu.memory_space<vmem>> -> memref<1x128xi32, #tpu.memory_space<vmem>>
      %dma_wait3A_213 = tpu.memref_squeeze %dma_wait3A_212 : memref<1x128xi32, #tpu.memory_space<vmem>> -> memref<128xi32, #tpu.memory_space<vmem>>
      %dma_wait3A_214 = arith.constant 0 : i32
      %dma_wait3A_215 = arith.constant 0 : i32
      %dma_wait3A_216 = tpu.memref_slice %arg3[%dma_wait3A_214, %dma_wait3A_215] : memref<8192x16xf32, #tpu.memory_space<hbm>> -> memref<8192x16xf32, #tpu.memory_space<hbm>>
      tpu.wait_indirect_dma semaphore(%arg12 : memref<!tpu.dma_semaphore, #tpu.memory_space<semaphore_mem>>) src(%dma_wait3A_216 : memref<8192x16xf32, #tpu.memory_space<hbm>>) dst(%dma_wait3A_210 : memref<128x16xf32, #tpu.memory_space<vmem>>)
      %mul3A_217 = arith.constant 8192 : i32
      %mul3A_218 = arith.muli %add3A, %mul3A_217 : i32
      %mul3A_219 = arith.constant 1024 : i32
      %mul3A_220 = arith.muli %add3A_51, %mul3A_219 : i32
      %add3A_221 = arith.addi %mul3A_218, %mul3A_220 : i32
      "tpu.region"() ({
        %run_scoped3A = tpu.sem_alloc : memref<!tpu.dma_semaphore, #tpu.memory_space<semaphore_mem>>
        %dma_start3A_222 = arith.constant 0 : i32
        %dma_start3A_223 = tpu.memref_slice %arg7[%add3A_221, %dma_start3A_222] : memref<262144x16xf32, #tpu.memory_space<hbm>> -> memref<1024x16xf32, #tpu.memory_space<hbm>>
        %dma_start3A_224 = arith.constant 0 : i32
        %dma_start3A_225 = tpu.memref_slice %arg7[%add3A_221, %dma_start3A_224] : memref<262144x16xf32, #tpu.memory_space<hbm>> -> memref<1024x16xf32, #tpu.memory_space<hbm>>
        tpu.enqueue_dma source(%arg11 : memref<1024x16xf32, #tpu.memory_space<vmem>>) target(%dma_start3A_225 : memref<1024x16xf32, #tpu.memory_space<hbm>>) target_semaphore(%run_scoped3A : memref<!tpu.dma_semaphore, #tpu.memory_space<semaphore_mem>>)
        %dma_wait3A_226 = arith.constant 0 : i32
        %dma_wait3A_227 = tpu.memref_slice %arg7[%add3A_221, %dma_wait3A_226] : memref<262144x16xf32, #tpu.memory_space<hbm>> -> memref<1024x16xf32, #tpu.memory_space<hbm>>
        %dma_wait3A_228 = arith.constant 0 : i32
        %dma_wait3A_229 = tpu.memref_slice %arg7[%add3A_221, %dma_wait3A_228] : memref<262144x16xf32, #tpu.memory_space<hbm>> -> memref<1024x16xf32, #tpu.memory_space<hbm>>
        tpu.wait_dma2 semaphore(%run_scoped3A : memref<!tpu.dma_semaphore, #tpu.memory_space<semaphore_mem>>) src(%arg11 : memref<1024x16xf32, #tpu.memory_space<vmem>>) dst(%dma_wait3A_229 : memref<1024x16xf32, #tpu.memory_space<hbm>>)
        tpu.yield
      }) : () -> ()
    }
    %scan3A_46 = arith.constant 8 : i32
    return
  }
}

#map = affine_map<(d0, d1) -> (0, 0)>
module attributes {stable_mosaic.version = 14 : i64} {
  func.func @_sc_gather_y_body(%arg0: i32, %arg1: i32, %arg2: memref<8192x128xf32, #tpu.memory_space<hbm>>, %arg3: memref<2048x128xi32, #tpu.memory_space<hbm>>, %arg4: memref<262144x128xf32, #tpu.memory_space<hbm>>, %arg5: memref<4x128xi32, #tpu.memory_space<vmem>>, %arg6: memref<512x128xf32, #tpu.memory_space<vmem>>, %arg7: memref<!tpu.dma_semaphore, #tpu.memory_space<semaphore_mem>>) attributes {dimension_semantics = [#tpu.dimension_semantics<core_parallel>, #tpu.dimension_semantics<subcore_parallel>], iteration_bounds = array<i64: 2, 16>, scalar_prefetch = 0 : i64, scratch_operands = 3 : i64, tpu.core_type = #tpu.core_type<sc_vector_subcore>, window_params = [{transform_indices = #map}, {transform_indices = #map}, {transform_indices = #map}]} {
    %mul3A = arith.constant 2 : i32
    %mul3A_0 = arith.muli %arg1, %mul3A : i32
    %add3A = arith.addi %mul3A_0, %arg0 : i32
    %scan3A = arith.constant 0 : i32
    %scan3A_1 = arith.constant 16 : i32
    %scan3A_2 = arith.addi %scan3A, %scan3A_1 : i32
    %scan3A_3 = arith.constant 1 : i32
    scf.for %scan3A_5 = %scan3A to %scan3A_2 step %scan3A_3  : i32 {
      %mul3A_6 = arith.constant 1 : i32
      %mul3A_7 = arith.muli %scan3A_5, %mul3A_6 : i32
      %add3A_8 = arith.constant 0 : i32
      %add3A_9 = arith.addi %add3A_8, %mul3A_7 : i32
      %mul3A_10 = arith.constant 64 : i32
      %mul3A_11 = arith.muli %add3A, %mul3A_10 : i32
      %mul3A_12 = arith.constant 4 : i32
      %mul3A_13 = arith.muli %add3A_9, %mul3A_12 : i32
      %add3A_14 = arith.addi %mul3A_11, %mul3A_13 : i32
      "tpu.region"() ({
        %run_scoped3A = tpu.sem_alloc : memref<!tpu.dma_semaphore, #tpu.memory_space<semaphore_mem>>
        %dma_start3A_98 = arith.constant 0 : i32
        %dma_start3A_99 = tpu.memref_slice %arg3[%add3A_14, %dma_start3A_98] : memref<2048x128xi32, #tpu.memory_space<hbm>> -> memref<4x128xi32, #tpu.memory_space<hbm>>
        %dma_start3A_100 = arith.constant 0 : i32
        %dma_start3A_101 = tpu.memref_slice %arg3[%add3A_14, %dma_start3A_100] : memref<2048x128xi32, #tpu.memory_space<hbm>> -> memref<4x128xi32, #tpu.memory_space<hbm>>
        tpu.enqueue_dma source(%dma_start3A_101 : memref<4x128xi32, #tpu.memory_space<hbm>>) target(%arg5 : memref<4x128xi32, #tpu.memory_space<vmem>>) target_semaphore(%run_scoped3A : memref<!tpu.dma_semaphore, #tpu.memory_space<semaphore_mem>>)
        %dma_wait3A_102 = arith.constant 0 : i32
        %dma_wait3A_103 = tpu.memref_slice %arg3[%add3A_14, %dma_wait3A_102] : memref<2048x128xi32, #tpu.memory_space<hbm>> -> memref<4x128xi32, #tpu.memory_space<hbm>>
        %dma_wait3A_104 = arith.constant 0 : i32
        %dma_wait3A_105 = tpu.memref_slice %arg3[%add3A_14, %dma_wait3A_104] : memref<2048x128xi32, #tpu.memory_space<hbm>> -> memref<4x128xi32, #tpu.memory_space<hbm>>
        tpu.wait_dma2 semaphore(%run_scoped3A : memref<!tpu.dma_semaphore, #tpu.memory_space<semaphore_mem>>) src(%dma_wait3A_105 : memref<4x128xi32, #tpu.memory_space<hbm>>) dst(%arg5 : memref<4x128xi32, #tpu.memory_space<vmem>>)
        tpu.yield
      }) : () -> ()
      %dma_start3A = arith.constant 0 : i32
      %dma_start3A_15 = arith.constant 0 : i32
      %dma_start3A_16 = arith.constant 0 : i32
      %dma_start3A_17 = tpu.memref_slice %arg6[%dma_start3A_15, %dma_start3A_16] : memref<512x128xf32, #tpu.memory_space<vmem>> -> memref<128x128xf32, #tpu.memory_space<vmem>>
      %dma_start3A_18 = arith.constant 0 : i32
      %dma_start3A_19 = tpu.memref_slice %arg5[%dma_start3A, %dma_start3A_18] : memref<4x128xi32, #tpu.memory_space<vmem>> -> memref<1x128xi32, #tpu.memory_space<vmem>>
      %dma_start3A_20 = tpu.memref_squeeze %dma_start3A_19 : memref<1x128xi32, #tpu.memory_space<vmem>> -> memref<128xi32, #tpu.memory_space<vmem>>
      %dma_start3A_21 = arith.constant 0 : i32
      %dma_start3A_22 = arith.constant 0 : i32
      %dma_start3A_23 = tpu.memref_slice %arg2[%dma_start3A_21, %dma_start3A_22] : memref<8192x128xf32, #tpu.memory_space<hbm>> -> memref<8192x128xf32, #tpu.memory_space<hbm>>
      tpu.enqueue_indirect_dma source(%dma_start3A_23 : memref<8192x128xf32, #tpu.memory_space<hbm>>) target(%dma_start3A_17 : memref<128x128xf32, #tpu.memory_space<vmem>>) offsets(%dma_start3A_20 : memref<128xi32, #tpu.memory_space<vmem>>) semaphore(%arg7 : memref<!tpu.dma_semaphore, #tpu.memory_space<semaphore_mem>>)
      %dma_start3A_24 = arith.constant 1 : i32
      %dma_start3A_25 = arith.constant 128 : i32
      %dma_start3A_26 = arith.constant 0 : i32
      %dma_start3A_27 = tpu.memref_slice %arg6[%dma_start3A_25, %dma_start3A_26] : memref<512x128xf32, #tpu.memory_space<vmem>> -> memref<128x128xf32, #tpu.memory_space<vmem>>
      %dma_start3A_28 = arith.constant 0 : i32
      %dma_start3A_29 = tpu.memref_slice %arg5[%dma_start3A_24, %dma_start3A_28] : memref<4x128xi32, #tpu.memory_space<vmem>> -> memref<1x128xi32, #tpu.memory_space<vmem>>
      %dma_start3A_30 = tpu.memref_squeeze %dma_start3A_29 : memref<1x128xi32, #tpu.memory_space<vmem>> -> memref<128xi32, #tpu.memory_space<vmem>>
      %dma_start3A_31 = arith.constant 0 : i32
      %dma_start3A_32 = arith.constant 0 : i32
      %dma_start3A_33 = tpu.memref_slice %arg2[%dma_start3A_31, %dma_start3A_32] : memref<8192x128xf32, #tpu.memory_space<hbm>> -> memref<8192x128xf32, #tpu.memory_space<hbm>>
      tpu.enqueue_indirect_dma source(%dma_start3A_33 : memref<8192x128xf32, #tpu.memory_space<hbm>>) target(%dma_start3A_27 : memref<128x128xf32, #tpu.memory_space<vmem>>) offsets(%dma_start3A_30 : memref<128xi32, #tpu.memory_space<vmem>>) semaphore(%arg7 : memref<!tpu.dma_semaphore, #tpu.memory_space<semaphore_mem>>)
      %dma_start3A_34 = arith.constant 2 : i32
      %dma_start3A_35 = arith.constant 256 : i32
      %dma_start3A_36 = arith.constant 0 : i32
      %dma_start3A_37 = tpu.memref_slice %arg6[%dma_start3A_35, %dma_start3A_36] : memref<512x128xf32, #tpu.memory_space<vmem>> -> memref<128x128xf32, #tpu.memory_space<vmem>>
      %dma_start3A_38 = arith.constant 0 : i32
      %dma_start3A_39 = tpu.memref_slice %arg5[%dma_start3A_34, %dma_start3A_38] : memref<4x128xi32, #tpu.memory_space<vmem>> -> memref<1x128xi32, #tpu.memory_space<vmem>>
      %dma_start3A_40 = tpu.memref_squeeze %dma_start3A_39 : memref<1x128xi32, #tpu.memory_space<vmem>> -> memref<128xi32, #tpu.memory_space<vmem>>
      %dma_start3A_41 = arith.constant 0 : i32
      %dma_start3A_42 = arith.constant 0 : i32
      %dma_start3A_43 = tpu.memref_slice %arg2[%dma_start3A_41, %dma_start3A_42] : memref<8192x128xf32, #tpu.memory_space<hbm>> -> memref<8192x128xf32, #tpu.memory_space<hbm>>
      tpu.enqueue_indirect_dma source(%dma_start3A_43 : memref<8192x128xf32, #tpu.memory_space<hbm>>) target(%dma_start3A_37 : memref<128x128xf32, #tpu.memory_space<vmem>>) offsets(%dma_start3A_40 : memref<128xi32, #tpu.memory_space<vmem>>) semaphore(%arg7 : memref<!tpu.dma_semaphore, #tpu.memory_space<semaphore_mem>>)
      %dma_start3A_44 = arith.constant 3 : i32
      %dma_start3A_45 = arith.constant 384 : i32
      %dma_start3A_46 = arith.constant 0 : i32
      %dma_start3A_47 = tpu.memref_slice %arg6[%dma_start3A_45, %dma_start3A_46] : memref<512x128xf32, #tpu.memory_space<vmem>> -> memref<128x128xf32, #tpu.memory_space<vmem>>
      %dma_start3A_48 = arith.constant 0 : i32
      %dma_start3A_49 = tpu.memref_slice %arg5[%dma_start3A_44, %dma_start3A_48] : memref<4x128xi32, #tpu.memory_space<vmem>> -> memref<1x128xi32, #tpu.memory_space<vmem>>
      %dma_start3A_50 = tpu.memref_squeeze %dma_start3A_49 : memref<1x128xi32, #tpu.memory_space<vmem>> -> memref<128xi32, #tpu.memory_space<vmem>>
      %dma_start3A_51 = arith.constant 0 : i32
      %dma_start3A_52 = arith.constant 0 : i32
      %dma_start3A_53 = tpu.memref_slice %arg2[%dma_start3A_51, %dma_start3A_52] : memref<8192x128xf32, #tpu.memory_space<hbm>> -> memref<8192x128xf32, #tpu.memory_space<hbm>>
      tpu.enqueue_indirect_dma source(%dma_start3A_53 : memref<8192x128xf32, #tpu.memory_space<hbm>>) target(%dma_start3A_47 : memref<128x128xf32, #tpu.memory_space<vmem>>) offsets(%dma_start3A_50 : memref<128xi32, #tpu.memory_space<vmem>>) semaphore(%arg7 : memref<!tpu.dma_semaphore, #tpu.memory_space<semaphore_mem>>)
      %dma_wait3A = arith.constant 0 : i32
      %dma_wait3A_54 = arith.constant 0 : i32
      %dma_wait3A_55 = arith.constant 0 : i32
      %dma_wait3A_56 = tpu.memref_slice %arg6[%dma_wait3A_54, %dma_wait3A_55] : memref<512x128xf32, #tpu.memory_space<vmem>> -> memref<128x128xf32, #tpu.memory_space<vmem>>
      %dma_wait3A_57 = arith.constant 0 : i32
      %dma_wait3A_58 = tpu.memref_slice %arg5[%dma_wait3A, %dma_wait3A_57] : memref<4x128xi32, #tpu.memory_space<vmem>> -> memref<1x128xi32, #tpu.memory_space<vmem>>
      %dma_wait3A_59 = tpu.memref_squeeze %dma_wait3A_58 : memref<1x128xi32, #tpu.memory_space<vmem>> -> memref<128xi32, #tpu.memory_space<vmem>>
      %dma_wait3A_60 = arith.constant 0 : i32
      %dma_wait3A_61 = arith.constant 0 : i32
      %dma_wait3A_62 = tpu.memref_slice %arg2[%dma_wait3A_60, %dma_wait3A_61] : memref<8192x128xf32, #tpu.memory_space<hbm>> -> memref<8192x128xf32, #tpu.memory_space<hbm>>
      tpu.wait_indirect_dma semaphore(%arg7 : memref<!tpu.dma_semaphore, #tpu.memory_space<semaphore_mem>>) src(%dma_wait3A_62 : memref<8192x128xf32, #tpu.memory_space<hbm>>) dst(%dma_wait3A_56 : memref<128x128xf32, #tpu.memory_space<vmem>>)
      %dma_wait3A_63 = arith.constant 1 : i32
      %dma_wait3A_64 = arith.constant 128 : i32
      %dma_wait3A_65 = arith.constant 0 : i32
      %dma_wait3A_66 = tpu.memref_slice %arg6[%dma_wait3A_64, %dma_wait3A_65] : memref<512x128xf32, #tpu.memory_space<vmem>> -> memref<128x128xf32, #tpu.memory_space<vmem>>
      %dma_wait3A_67 = arith.constant 0 : i32
      %dma_wait3A_68 = tpu.memref_slice %arg5[%dma_wait3A_63, %dma_wait3A_67] : memref<4x128xi32, #tpu.memory_space<vmem>> -> memref<1x128xi32, #tpu.memory_space<vmem>>
      %dma_wait3A_69 = tpu.memref_squeeze %dma_wait3A_68 : memref<1x128xi32, #tpu.memory_space<vmem>> -> memref<128xi32, #tpu.memory_space<vmem>>
      %dma_wait3A_70 = arith.constant 0 : i32
      %dma_wait3A_71 = arith.constant 0 : i32
      %dma_wait3A_72 = tpu.memref_slice %arg2[%dma_wait3A_70, %dma_wait3A_71] : memref<8192x128xf32, #tpu.memory_space<hbm>> -> memref<8192x128xf32, #tpu.memory_space<hbm>>
      tpu.wait_indirect_dma semaphore(%arg7 : memref<!tpu.dma_semaphore, #tpu.memory_space<semaphore_mem>>) src(%dma_wait3A_72 : memref<8192x128xf32, #tpu.memory_space<hbm>>) dst(%dma_wait3A_66 : memref<128x128xf32, #tpu.memory_space<vmem>>)
      %dma_wait3A_73 = arith.constant 2 : i32
      %dma_wait3A_74 = arith.constant 256 : i32
      %dma_wait3A_75 = arith.constant 0 : i32
      %dma_wait3A_76 = tpu.memref_slice %arg6[%dma_wait3A_74, %dma_wait3A_75] : memref<512x128xf32, #tpu.memory_space<vmem>> -> memref<128x128xf32, #tpu.memory_space<vmem>>
      %dma_wait3A_77 = arith.constant 0 : i32
      %dma_wait3A_78 = tpu.memref_slice %arg5[%dma_wait3A_73, %dma_wait3A_77] : memref<4x128xi32, #tpu.memory_space<vmem>> -> memref<1x128xi32, #tpu.memory_space<vmem>>
      %dma_wait3A_79 = tpu.memref_squeeze %dma_wait3A_78 : memref<1x128xi32, #tpu.memory_space<vmem>> -> memref<128xi32, #tpu.memory_space<vmem>>
      %dma_wait3A_80 = arith.constant 0 : i32
      %dma_wait3A_81 = arith.constant 0 : i32
      %dma_wait3A_82 = tpu.memref_slice %arg2[%dma_wait3A_80, %dma_wait3A_81] : memref<8192x128xf32, #tpu.memory_space<hbm>> -> memref<8192x128xf32, #tpu.memory_space<hbm>>
      tpu.wait_indirect_dma semaphore(%arg7 : memref<!tpu.dma_semaphore, #tpu.memory_space<semaphore_mem>>) src(%dma_wait3A_82 : memref<8192x128xf32, #tpu.memory_space<hbm>>) dst(%dma_wait3A_76 : memref<128x128xf32, #tpu.memory_space<vmem>>)
      %dma_wait3A_83 = arith.constant 3 : i32
      %dma_wait3A_84 = arith.constant 384 : i32
      %dma_wait3A_85 = arith.constant 0 : i32
      %dma_wait3A_86 = tpu.memref_slice %arg6[%dma_wait3A_84, %dma_wait3A_85] : memref<512x128xf32, #tpu.memory_space<vmem>> -> memref<128x128xf32, #tpu.memory_space<vmem>>
      %dma_wait3A_87 = arith.constant 0 : i32
      %dma_wait3A_88 = tpu.memref_slice %arg5[%dma_wait3A_83, %dma_wait3A_87] : memref<4x128xi32, #tpu.memory_space<vmem>> -> memref<1x128xi32, #tpu.memory_space<vmem>>
      %dma_wait3A_89 = tpu.memref_squeeze %dma_wait3A_88 : memref<1x128xi32, #tpu.memory_space<vmem>> -> memref<128xi32, #tpu.memory_space<vmem>>
      %dma_wait3A_90 = arith.constant 0 : i32
      %dma_wait3A_91 = arith.constant 0 : i32
      %dma_wait3A_92 = tpu.memref_slice %arg2[%dma_wait3A_90, %dma_wait3A_91] : memref<8192x128xf32, #tpu.memory_space<hbm>> -> memref<8192x128xf32, #tpu.memory_space<hbm>>
      tpu.wait_indirect_dma semaphore(%arg7 : memref<!tpu.dma_semaphore, #tpu.memory_space<semaphore_mem>>) src(%dma_wait3A_92 : memref<8192x128xf32, #tpu.memory_space<hbm>>) dst(%dma_wait3A_86 : memref<128x128xf32, #tpu.memory_space<vmem>>)
      %mul3A_93 = arith.constant 8192 : i32
      %mul3A_94 = arith.muli %add3A, %mul3A_93 : i32
      %mul3A_95 = arith.constant 512 : i32
      %mul3A_96 = arith.muli %add3A_9, %mul3A_95 : i32
      %add3A_97 = arith.addi %mul3A_94, %mul3A_96 : i32
      "tpu.region"() ({
        %run_scoped3A = tpu.sem_alloc : memref<!tpu.dma_semaphore, #tpu.memory_space<semaphore_mem>>
        %dma_start3A_98 = arith.constant 0 : i32
        %dma_start3A_99 = tpu.memref_slice %arg4[%add3A_97, %dma_start3A_98] : memref<262144x128xf32, #tpu.memory_space<hbm>> -> memref<512x128xf32, #tpu.memory_space<hbm>>
        %dma_start3A_100 = arith.constant 0 : i32
        %dma_start3A_101 = tpu.memref_slice %arg4[%add3A_97, %dma_start3A_100] : memref<262144x128xf32, #tpu.memory_space<hbm>> -> memref<512x128xf32, #tpu.memory_space<hbm>>
        tpu.enqueue_dma source(%arg6 : memref<512x128xf32, #tpu.memory_space<vmem>>) target(%dma_start3A_101 : memref<512x128xf32, #tpu.memory_space<hbm>>) target_semaphore(%run_scoped3A : memref<!tpu.dma_semaphore, #tpu.memory_space<semaphore_mem>>)
        %dma_wait3A_102 = arith.constant 0 : i32
        %dma_wait3A_103 = tpu.memref_slice %arg4[%add3A_97, %dma_wait3A_102] : memref<262144x128xf32, #tpu.memory_space<hbm>> -> memref<512x128xf32, #tpu.memory_space<hbm>>
        %dma_wait3A_104 = arith.constant 0 : i32
        %dma_wait3A_105 = tpu.memref_slice %arg4[%add3A_97, %dma_wait3A_104] : memref<262144x128xf32, #tpu.memory_space<hbm>> -> memref<512x128xf32, #tpu.memory_space<hbm>>
        tpu.wait_dma2 semaphore(%run_scoped3A : memref<!tpu.dma_semaphore, #tpu.memory_space<semaphore_mem>>) src(%arg6 : memref<512x128xf32, #tpu.memory_space<vmem>>) dst(%dma_wait3A_105 : memref<512x128xf32, #tpu.memory_space<hbm>>)
        tpu.yield
      }) : () -> ()
    }
    %scan3A_4 = arith.constant 16 : i32
    return
  }
}

#map = affine_map<(d0, d1) -> (0, 0)>
module attributes {stable_mosaic.version = 14 : i64} {
  func.func @_sc_gather_y_body(%arg0: i32, %arg1: i32, %arg2: memref<8192x128xf32, #tpu.memory_space<hbm>>, %arg3: memref<2048x128xi32, #tpu.memory_space<hbm>>, %arg4: memref<262144x128xf32, #tpu.memory_space<hbm>>, %arg5: memref<4x128xi32, #tpu.memory_space<vmem>>, %arg6: memref<512x128xf32, #tpu.memory_space<vmem>>, %arg7: memref<!tpu.dma_semaphore, #tpu.memory_space<semaphore_mem>>) attributes {dimension_semantics = [#tpu.dimension_semantics<core_parallel>, #tpu.dimension_semantics<subcore_parallel>], iteration_bounds = array<i64: 2, 16>, scalar_prefetch = 0 : i64, scratch_operands = 3 : i64, tpu.core_type = #tpu.core_type<sc_vector_subcore>, window_params = [{transform_indices = #map}, {transform_indices = #map}, {transform_indices = #map}]} {
    %mul3A = arith.constant 2 : i32
    %mul3A_0 = arith.muli %arg1, %mul3A : i32
    %add3A = arith.addi %mul3A_0, %arg0 : i32
    %scan3A = arith.constant 0 : i32
    %scan3A_1 = arith.constant 16 : i32
    %scan3A_2 = arith.addi %scan3A, %scan3A_1 : i32
    %scan3A_3 = arith.constant 1 : i32
    scf.for %scan3A_5 = %scan3A to %scan3A_2 step %scan3A_3  : i32 {
      %mul3A_6 = arith.constant 1 : i32
      %mul3A_7 = arith.muli %scan3A_5, %mul3A_6 : i32
      %add3A_8 = arith.constant 0 : i32
      %add3A_9 = arith.addi %add3A_8, %mul3A_7 : i32
      %mul3A_10 = arith.constant 64 : i32
      %mul3A_11 = arith.muli %add3A, %mul3A_10 : i32
      %mul3A_12 = arith.constant 4 : i32
      %mul3A_13 = arith.muli %add3A_9, %mul3A_12 : i32
      %add3A_14 = arith.addi %mul3A_11, %mul3A_13 : i32
      "tpu.region"() ({
        %run_scoped3A = tpu.sem_alloc : memref<!tpu.dma_semaphore, #tpu.memory_space<semaphore_mem>>
        %dma_start3A_98 = arith.constant 0 : i32
        %dma_start3A_99 = tpu.memref_slice %arg3[%add3A_14, %dma_start3A_98] : memref<2048x128xi32, #tpu.memory_space<hbm>> -> memref<4x128xi32, #tpu.memory_space<hbm>>
        %dma_start3A_100 = arith.constant 0 : i32
        %dma_start3A_101 = tpu.memref_slice %arg3[%add3A_14, %dma_start3A_100] : memref<2048x128xi32, #tpu.memory_space<hbm>> -> memref<4x128xi32, #tpu.memory_space<hbm>>
        tpu.enqueue_dma source(%dma_start3A_101 : memref<4x128xi32, #tpu.memory_space<hbm>>) target(%arg5 : memref<4x128xi32, #tpu.memory_space<vmem>>) target_semaphore(%run_scoped3A : memref<!tpu.dma_semaphore, #tpu.memory_space<semaphore_mem>>)
        %dma_wait3A_102 = arith.constant 0 : i32
        %dma_wait3A_103 = tpu.memref_slice %arg3[%add3A_14, %dma_wait3A_102] : memref<2048x128xi32, #tpu.memory_space<hbm>> -> memref<4x128xi32, #tpu.memory_space<hbm>>
        %dma_wait3A_104 = arith.constant 0 : i32
        %dma_wait3A_105 = tpu.memref_slice %arg3[%add3A_14, %dma_wait3A_104] : memref<2048x128xi32, #tpu.memory_space<hbm>> -> memref<4x128xi32, #tpu.memory_space<hbm>>
        tpu.wait_dma2 semaphore(%run_scoped3A : memref<!tpu.dma_semaphore, #tpu.memory_space<semaphore_mem>>) src(%dma_wait3A_105 : memref<4x128xi32, #tpu.memory_space<hbm>>) dst(%arg5 : memref<4x128xi32, #tpu.memory_space<vmem>>)
        tpu.yield
      }) : () -> ()
      %dma_start3A = arith.constant 0 : i32
      %dma_start3A_15 = arith.constant 0 : i32
      %dma_start3A_16 = arith.constant 0 : i32
      %dma_start3A_17 = tpu.memref_slice %arg6[%dma_start3A_15, %dma_start3A_16] : memref<512x128xf32, #tpu.memory_space<vmem>> -> memref<128x128xf32, #tpu.memory_space<vmem>>
      %dma_start3A_18 = arith.constant 0 : i32
      %dma_start3A_19 = tpu.memref_slice %arg5[%dma_start3A, %dma_start3A_18] : memref<4x128xi32, #tpu.memory_space<vmem>> -> memref<1x128xi32, #tpu.memory_space<vmem>>
      %dma_start3A_20 = tpu.memref_squeeze %dma_start3A_19 : memref<1x128xi32, #tpu.memory_space<vmem>> -> memref<128xi32, #tpu.memory_space<vmem>>
      %dma_start3A_21 = arith.constant 0 : i32
      %dma_start3A_22 = arith.constant 0 : i32
      %dma_start3A_23 = tpu.memref_slice %arg2[%dma_start3A_21, %dma_start3A_22] : memref<8192x128xf32, #tpu.memory_space<hbm>> -> memref<8192x128xf32, #tpu.memory_space<hbm>>
      tpu.enqueue_indirect_dma source(%dma_start3A_23 : memref<8192x128xf32, #tpu.memory_space<hbm>>) target(%dma_start3A_17 : memref<128x128xf32, #tpu.memory_space<vmem>>) offsets(%dma_start3A_20 : memref<128xi32, #tpu.memory_space<vmem>>) semaphore(%arg7 : memref<!tpu.dma_semaphore, #tpu.memory_space<semaphore_mem>>)
      %dma_start3A_24 = arith.constant 1 : i32
      %dma_start3A_25 = arith.constant 128 : i32
      %dma_start3A_26 = arith.constant 0 : i32
      %dma_start3A_27 = tpu.memref_slice %arg6[%dma_start3A_25, %dma_start3A_26] : memref<512x128xf32, #tpu.memory_space<vmem>> -> memref<128x128xf32, #tpu.memory_space<vmem>>
      %dma_start3A_28 = arith.constant 0 : i32
      %dma_start3A_29 = tpu.memref_slice %arg5[%dma_start3A_24, %dma_start3A_28] : memref<4x128xi32, #tpu.memory_space<vmem>> -> memref<1x128xi32, #tpu.memory_space<vmem>>
      %dma_start3A_30 = tpu.memref_squeeze %dma_start3A_29 : memref<1x128xi32, #tpu.memory_space<vmem>> -> memref<128xi32, #tpu.memory_space<vmem>>
      %dma_start3A_31 = arith.constant 0 : i32
      %dma_start3A_32 = arith.constant 0 : i32
      %dma_start3A_33 = tpu.memref_slice %arg2[%dma_start3A_31, %dma_start3A_32] : memref<8192x128xf32, #tpu.memory_space<hbm>> -> memref<8192x128xf32, #tpu.memory_space<hbm>>
      tpu.enqueue_indirect_dma source(%dma_start3A_33 : memref<8192x128xf32, #tpu.memory_space<hbm>>) target(%dma_start3A_27 : memref<128x128xf32, #tpu.memory_space<vmem>>) offsets(%dma_start3A_30 : memref<128xi32, #tpu.memory_space<vmem>>) semaphore(%arg7 : memref<!tpu.dma_semaphore, #tpu.memory_space<semaphore_mem>>)
      %dma_start3A_34 = arith.constant 2 : i32
      %dma_start3A_35 = arith.constant 256 : i32
      %dma_start3A_36 = arith.constant 0 : i32
      %dma_start3A_37 = tpu.memref_slice %arg6[%dma_start3A_35, %dma_start3A_36] : memref<512x128xf32, #tpu.memory_space<vmem>> -> memref<128x128xf32, #tpu.memory_space<vmem>>
      %dma_start3A_38 = arith.constant 0 : i32
      %dma_start3A_39 = tpu.memref_slice %arg5[%dma_start3A_34, %dma_start3A_38] : memref<4x128xi32, #tpu.memory_space<vmem>> -> memref<1x128xi32, #tpu.memory_space<vmem>>
      %dma_start3A_40 = tpu.memref_squeeze %dma_start3A_39 : memref<1x128xi32, #tpu.memory_space<vmem>> -> memref<128xi32, #tpu.memory_space<vmem>>
      %dma_start3A_41 = arith.constant 0 : i32
      %dma_start3A_42 = arith.constant 0 : i32
      %dma_start3A_43 = tpu.memref_slice %arg2[%dma_start3A_41, %dma_start3A_42] : memref<8192x128xf32, #tpu.memory_space<hbm>> -> memref<8192x128xf32, #tpu.memory_space<hbm>>
      tpu.enqueue_indirect_dma source(%dma_start3A_43 : memref<8192x128xf32, #tpu.memory_space<hbm>>) target(%dma_start3A_37 : memref<128x128xf32, #tpu.memory_space<vmem>>) offsets(%dma_start3A_40 : memref<128xi32, #tpu.memory_space<vmem>>) semaphore(%arg7 : memref<!tpu.dma_semaphore, #tpu.memory_space<semaphore_mem>>)
      %dma_start3A_44 = arith.constant 3 : i32
      %dma_start3A_45 = arith.constant 384 : i32
      %dma_start3A_46 = arith.constant 0 : i32
      %dma_start3A_47 = tpu.memref_slice %arg6[%dma_start3A_45, %dma_start3A_46] : memref<512x128xf32, #tpu.memory_space<vmem>> -> memref<128x128xf32, #tpu.memory_space<vmem>>
      %dma_start3A_48 = arith.constant 0 : i32
      %dma_start3A_49 = tpu.memref_slice %arg5[%dma_start3A_44, %dma_start3A_48] : memref<4x128xi32, #tpu.memory_space<vmem>> -> memref<1x128xi32, #tpu.memory_space<vmem>>
      %dma_start3A_50 = tpu.memref_squeeze %dma_start3A_49 : memref<1x128xi32, #tpu.memory_space<vmem>> -> memref<128xi32, #tpu.memory_space<vmem>>
      %dma_start3A_51 = arith.constant 0 : i32
      %dma_start3A_52 = arith.constant 0 : i32
      %dma_start3A_53 = tpu.memref_slice %arg2[%dma_start3A_51, %dma_start3A_52] : memref<8192x128xf32, #tpu.memory_space<hbm>> -> memref<8192x128xf32, #tpu.memory_space<hbm>>
      tpu.enqueue_indirect_dma source(%dma_start3A_53 : memref<8192x128xf32, #tpu.memory_space<hbm>>) target(%dma_start3A_47 : memref<128x128xf32, #tpu.memory_space<vmem>>) offsets(%dma_start3A_50 : memref<128xi32, #tpu.memory_space<vmem>>) semaphore(%arg7 : memref<!tpu.dma_semaphore, #tpu.memory_space<semaphore_mem>>)
      %dma_wait3A = arith.constant 0 : i32
      %dma_wait3A_54 = arith.constant 0 : i32
      %dma_wait3A_55 = arith.constant 0 : i32
      %dma_wait3A_56 = tpu.memref_slice %arg6[%dma_wait3A_54, %dma_wait3A_55] : memref<512x128xf32, #tpu.memory_space<vmem>> -> memref<128x128xf32, #tpu.memory_space<vmem>>
      %dma_wait3A_57 = arith.constant 0 : i32
      %dma_wait3A_58 = tpu.memref_slice %arg5[%dma_wait3A, %dma_wait3A_57] : memref<4x128xi32, #tpu.memory_space<vmem>> -> memref<1x128xi32, #tpu.memory_space<vmem>>
      %dma_wait3A_59 = tpu.memref_squeeze %dma_wait3A_58 : memref<1x128xi32, #tpu.memory_space<vmem>> -> memref<128xi32, #tpu.memory_space<vmem>>
      %dma_wait3A_60 = arith.constant 0 : i32
      %dma_wait3A_61 = arith.constant 0 : i32
      %dma_wait3A_62 = tpu.memref_slice %arg2[%dma_wait3A_60, %dma_wait3A_61] : memref<8192x128xf32, #tpu.memory_space<hbm>> -> memref<8192x128xf32, #tpu.memory_space<hbm>>
      tpu.wait_indirect_dma semaphore(%arg7 : memref<!tpu.dma_semaphore, #tpu.memory_space<semaphore_mem>>) src(%dma_wait3A_62 : memref<8192x128xf32, #tpu.memory_space<hbm>>) dst(%dma_wait3A_56 : memref<128x128xf32, #tpu.memory_space<vmem>>)
      %dma_wait3A_63 = arith.constant 1 : i32
      %dma_wait3A_64 = arith.constant 128 : i32
      %dma_wait3A_65 = arith.constant 0 : i32
      %dma_wait3A_66 = tpu.memref_slice %arg6[%dma_wait3A_64, %dma_wait3A_65] : memref<512x128xf32, #tpu.memory_space<vmem>> -> memref<128x128xf32, #tpu.memory_space<vmem>>
      %dma_wait3A_67 = arith.constant 0 : i32
      %dma_wait3A_68 = tpu.memref_slice %arg5[%dma_wait3A_63, %dma_wait3A_67] : memref<4x128xi32, #tpu.memory_space<vmem>> -> memref<1x128xi32, #tpu.memory_space<vmem>>
      %dma_wait3A_69 = tpu.memref_squeeze %dma_wait3A_68 : memref<1x128xi32, #tpu.memory_space<vmem>> -> memref<128xi32, #tpu.memory_space<vmem>>
      %dma_wait3A_70 = arith.constant 0 : i32
      %dma_wait3A_71 = arith.constant 0 : i32
      %dma_wait3A_72 = tpu.memref_slice %arg2[%dma_wait3A_70, %dma_wait3A_71] : memref<8192x128xf32, #tpu.memory_space<hbm>> -> memref<8192x128xf32, #tpu.memory_space<hbm>>
      tpu.wait_indirect_dma semaphore(%arg7 : memref<!tpu.dma_semaphore, #tpu.memory_space<semaphore_mem>>) src(%dma_wait3A_72 : memref<8192x128xf32, #tpu.memory_space<hbm>>) dst(%dma_wait3A_66 : memref<128x128xf32, #tpu.memory_space<vmem>>)
      %dma_wait3A_73 = arith.constant 2 : i32
      %dma_wait3A_74 = arith.constant 256 : i32
      %dma_wait3A_75 = arith.constant 0 : i32
      %dma_wait3A_76 = tpu.memref_slice %arg6[%dma_wait3A_74, %dma_wait3A_75] : memref<512x128xf32, #tpu.memory_space<vmem>> -> memref<128x128xf32, #tpu.memory_space<vmem>>
      %dma_wait3A_77 = arith.constant 0 : i32
      %dma_wait3A_78 = tpu.memref_slice %arg5[%dma_wait3A_73, %dma_wait3A_77] : memref<4x128xi32, #tpu.memory_space<vmem>> -> memref<1x128xi32, #tpu.memory_space<vmem>>
      %dma_wait3A_79 = tpu.memref_squeeze %dma_wait3A_78 : memref<1x128xi32, #tpu.memory_space<vmem>> -> memref<128xi32, #tpu.memory_space<vmem>>
      %dma_wait3A_80 = arith.constant 0 : i32
      %dma_wait3A_81 = arith.constant 0 : i32
      %dma_wait3A_82 = tpu.memref_slice %arg2[%dma_wait3A_80, %dma_wait3A_81] : memref<8192x128xf32, #tpu.memory_space<hbm>> -> memref<8192x128xf32, #tpu.memory_space<hbm>>
      tpu.wait_indirect_dma semaphore(%arg7 : memref<!tpu.dma_semaphore, #tpu.memory_space<semaphore_mem>>) src(%dma_wait3A_82 : memref<8192x128xf32, #tpu.memory_space<hbm>>) dst(%dma_wait3A_76 : memref<128x128xf32, #tpu.memory_space<vmem>>)
      %dma_wait3A_83 = arith.constant 3 : i32
      %dma_wait3A_84 = arith.constant 384 : i32
      %dma_wait3A_85 = arith.constant 0 : i32
      %dma_wait3A_86 = tpu.memref_slice %arg6[%dma_wait3A_84, %dma_wait3A_85] : memref<512x128xf32, #tpu.memory_space<vmem>> -> memref<128x128xf32, #tpu.memory_space<vmem>>
      %dma_wait3A_87 = arith.constant 0 : i32
      %dma_wait3A_88 = tpu.memref_slice %arg5[%dma_wait3A_83, %dma_wait3A_87] : memref<4x128xi32, #tpu.memory_space<vmem>> -> memref<1x128xi32, #tpu.memory_space<vmem>>
      %dma_wait3A_89 = tpu.memref_squeeze %dma_wait3A_88 : memref<1x128xi32, #tpu.memory_space<vmem>> -> memref<128xi32, #tpu.memory_space<vmem>>
      %dma_wait3A_90 = arith.constant 0 : i32
      %dma_wait3A_91 = arith.constant 0 : i32
      %dma_wait3A_92 = tpu.memref_slice %arg2[%dma_wait3A_90, %dma_wait3A_91] : memref<8192x128xf32, #tpu.memory_space<hbm>> -> memref<8192x128xf32, #tpu.memory_space<hbm>>
      tpu.wait_indirect_dma semaphore(%arg7 : memref<!tpu.dma_semaphore, #tpu.memory_space<semaphore_mem>>) src(%dma_wait3A_92 : memref<8192x128xf32, #tpu.memory_space<hbm>>) dst(%dma_wait3A_86 : memref<128x128xf32, #tpu.memory_space<vmem>>)
      %mul3A_93 = arith.constant 8192 : i32
      %mul3A_94 = arith.muli %add3A, %mul3A_93 : i32
      %mul3A_95 = arith.constant 512 : i32
      %mul3A_96 = arith.muli %add3A_9, %mul3A_95 : i32
      %add3A_97 = arith.addi %mul3A_94, %mul3A_96 : i32
      "tpu.region"() ({
        %run_scoped3A = tpu.sem_alloc : memref<!tpu.dma_semaphore, #tpu.memory_space<semaphore_mem>>
        %dma_start3A_98 = arith.constant 0 : i32
        %dma_start3A_99 = tpu.memref_slice %arg4[%add3A_97, %dma_start3A_98] : memref<262144x128xf32, #tpu.memory_space<hbm>> -> memref<512x128xf32, #tpu.memory_space<hbm>>
        %dma_start3A_100 = arith.constant 0 : i32
        %dma_start3A_101 = tpu.memref_slice %arg4[%add3A_97, %dma_start3A_100] : memref<262144x128xf32, #tpu.memory_space<hbm>> -> memref<512x128xf32, #tpu.memory_space<hbm>>
        tpu.enqueue_dma source(%arg6 : memref<512x128xf32, #tpu.memory_space<vmem>>) target(%dma_start3A_101 : memref<512x128xf32, #tpu.memory_space<hbm>>) target_semaphore(%run_scoped3A : memref<!tpu.dma_semaphore, #tpu.memory_space<semaphore_mem>>)
        %dma_wait3A_102 = arith.constant 0 : i32
        %dma_wait3A_103 = tpu.memref_slice %arg4[%add3A_97, %dma_wait3A_102] : memref<262144x128xf32, #tpu.memory_space<hbm>> -> memref<512x128xf32, #tpu.memory_space<hbm>>
        %dma_wait3A_104 = arith.constant 0 : i32
        %dma_wait3A_105 = tpu.memref_slice %arg4[%add3A_97, %dma_wait3A_104] : memref<262144x128xf32, #tpu.memory_space<hbm>> -> memref<512x128xf32, #tpu.memory_space<hbm>>
        tpu.wait_dma2 semaphore(%run_scoped3A : memref<!tpu.dma_semaphore, #tpu.memory_space<semaphore_mem>>) src(%arg6 : memref<512x128xf32, #tpu.memory_space<vmem>>) dst(%dma_wait3A_105 : memref<512x128xf32, #tpu.memory_space<hbm>>)
        tpu.yield
      }) : () -> ()
    }
    %scan3A_4 = arith.constant 16 : i32
    return
  }
}

module attributes {stable_mosaic.version = 14 : i64} {
  func.func @_tc_dist_body(%arg0: i32, %arg1: i32, %arg2: memref<1x4096x16xf32, #tpu.memory_space<vmem>>, %arg3: memref<1x128x16xf32, #tpu.memory_space<vmem>>, %arg4: memref<1x4096x1xf32, #tpu.memory_space<vmem>>, %arg5: memref<1x128x128xf32, #tpu.memory_space<vmem>>, %arg6: memref<128x128xf32, #tpu.memory_space<vmem>>, %arg7: memref<1x4096x1xf32, #tpu.memory_space<vmem>>, %arg8: memref<1x4096x1xf32, #tpu.memory_space<vmem>>, %arg9: memref<1x128x128xf32, #tpu.memory_space<vmem>>) attributes {dimension_semantics = [#tpu.dimension_semantics<arbitrary>, #tpu.dimension_semantics<arbitrary>], iteration_bounds = array<i64: 8, 8>, scalar_prefetch = 0 : i64, scratch_operands = 0 : i64, tpu.core_type = #tpu.core_type<tc>, window_params = [{transform_indices = @transform_0, window_bounds = array<i64: 1, 4096, 16>}, {transform_indices = @transform_1, window_bounds = array<i64: 1, 128, 16>}, {transform_indices = @transform_2, window_bounds = array<i64: 1, 4096, 1>}, {transform_indices = @transform_3, window_bounds = array<i64: 1, 128, 128>}, {pipeline_mode = #tpu.pipeline_mode<synchronous>, transform_indices = @transform_4, window_bounds = array<i64: 128, 128>}, {transform_indices = @transform_5, window_bounds = array<i64: 1, 4096, 1>}, {transform_indices = @transform_6, window_bounds = array<i64: 1, 4096, 1>}, {transform_indices = @transform_7, window_bounds = array<i64: 1, 128, 128>}]} {
    %get3A = arith.constant 0 : index
    %get3A_0 = arith.constant 0 : index
    %get3A_1 = arith.constant 0 : index
    %get3A_2 = vector.load %arg2[%get3A, %get3A_0, %get3A_1] : memref<1x4096x16xf32, #tpu.memory_space<vmem>>, vector<1x4096x16xf32>
    %get3A_3 = vector.shape_cast %get3A_2 : vector<1x4096x16xf32> to vector<4096x16xf32>
    %get3A_4 = arith.constant 0 : index
    %get3A_5 = arith.constant 0 : index
    %get3A_6 = arith.constant 0 : index
    %get3A_7 = vector.load %arg3[%get3A_4, %get3A_5, %get3A_6] : memref<1x128x16xf32, #tpu.memory_space<vmem>>, vector<1x128x16xf32>
    %get3A_8 = vector.shape_cast %get3A_7 : vector<1x128x16xf32> to vector<128x16xf32>
    %broadcast_in_dim3A = vector.shape_cast %get3A_8 : vector<128x16xf32> to vector<128x1x16xf32>
    %broadcast_in_dim3A_9 = vector.shape_cast %broadcast_in_dim3A : vector<128x1x16xf32> to vector<128x1x16xf32>
    %broadcast_in_dim3A_10 = vector.broadcast %broadcast_in_dim3A_9 : vector<128x1x16xf32> to vector<128x32x16xf32>
    %reshape3A = vector.shape_cast %broadcast_in_dim3A_10 : vector<128x32x16xf32> to vector<4096x16xf32>
    %sub3A = arith.subf %get3A_3, %reshape3A : vector<4096x16xf32>
    %mul3A = arith.mulf %sub3A, %sub3A : vector<4096x16xf32>
    %reduce_sum3A = arith.constant dense<0.000000e+00> : vector<4096xf32>
    %reduce_sum3A_11 = vector.multi_reduction <add>, %mul3A, %reduce_sum3A [1] : vector<4096x16xf32> to vector<4096xf32>
    %broadcast_in_dim3A_12 = vector.shape_cast %reduce_sum3A_11 : vector<4096xf32> to vector<4096x1xf32>
    %max3A = arith.constant 9.99999996E-13 : f32
    %max3A_13 = vector.broadcast %max3A : f32 to vector<4096x1xf32>
    %max3A_14 = arith.maximumf %broadcast_in_dim3A_12, %max3A_13 : vector<4096x1xf32>
    %sqrt3A = math.sqrt %max3A_14 : vector<4096x1xf32>
    %mul3A_15 = arith.constant 0.628318548 : f32
    %mul3A_16 = vector.broadcast %mul3A_15 : f32 to vector<4096x1xf32>
    %mul3A_17 = arith.mulf %sqrt3A, %mul3A_16 : vector<4096x1xf32>
    %cos3A = math.cos %mul3A_17 : vector<4096x1xf32>
    %add3A = arith.constant 1.000000e+00 : f32
    %add3A_18 = vector.broadcast %add3A : f32 to vector<4096x1xf32>
    %add3A_19 = arith.addf %cos3A, %add3A_18 : vector<4096x1xf32>
    %mul3A_20 = arith.constant 5.000000e-01 : f32
    %mul3A_21 = vector.broadcast %mul3A_20 : f32 to vector<4096x1xf32>
    %mul3A_22 = arith.mulf %mul3A_21, %add3A_19 : vector<4096x1xf32>
    %lt3A = arith.constant 5.000000e+00 : f32
    %lt3A_23 = vector.broadcast %lt3A : f32 to vector<4096x1xf32>
    %lt3A_24 = arith.cmpf olt, %sqrt3A, %lt3A_23 : vector<4096x1xf32>
    %convert_element_type3A = arith.extui %lt3A_24 : vector<4096x1xi1> to vector<4096x1xi32>
    %convert_element_type3A_25 = arith.sitofp %convert_element_type3A : vector<4096x1xi32> to vector<4096x1xf32>
    %mul3A_26 = arith.mulf %mul3A_22, %convert_element_type3A_25 : vector<4096x1xf32>
    %get3A_27 = arith.constant 0 : index
    %get3A_28 = arith.constant 0 : index
    %get3A_29 = arith.constant 0 : index
    %get3A_30 = vector.load %arg4[%get3A_27, %get3A_28, %get3A_29] : memref<1x4096x1xf32, #tpu.memory_space<vmem>>, vector<1x4096x1xf32>
    %get3A_31 = vector.shape_cast %get3A_30 : vector<1x4096x1xf32> to vector<4096x1xf32>
    %mul3A_32 = arith.mulf %mul3A_26, %get3A_31 : vector<4096x1xf32>
    %swap3A = arith.constant 0 : index
    %swap3A_33 = arith.constant 0 : index
    %swap3A_34 = arith.constant 0 : index
    %swap3A_35 = vector.load %arg7[%swap3A, %swap3A_33, %swap3A_34] : memref<1x4096x1xf32, #tpu.memory_space<vmem>>, vector<1x4096x1xf32>
    %swap3A_36 = vector.shape_cast %swap3A_35 : vector<1x4096x1xf32> to vector<4096x1xf32>
    %swap3A_37 = vector.shape_cast %sqrt3A : vector<4096x1xf32> to vector<1x4096x1xf32>
    tpu.vector_store %arg7[%swap3A, %swap3A_33, %swap3A_34], %swap3A_37 {strides = array<i32>} : memref<1x4096x1xf32, #tpu.memory_space<vmem>>, vector<1x4096x1xf32>,
    %swap3A_38 = arith.constant 0 : index
    %swap3A_39 = arith.constant 0 : index
    %swap3A_40 = arith.constant 0 : index
    %swap3A_41 = vector.load %arg8[%swap3A_38, %swap3A_39, %swap3A_40] : memref<1x4096x1xf32, #tpu.memory_space<vmem>>, vector<1x4096x1xf32>
    %swap3A_42 = vector.shape_cast %swap3A_41 : vector<1x4096x1xf32> to vector<4096x1xf32>
    %swap3A_43 = vector.shape_cast %mul3A_32 : vector<4096x1xf32> to vector<1x4096x1xf32>
    tpu.vector_store %arg8[%swap3A_38, %swap3A_39, %swap3A_40], %swap3A_43 {strides = array<i32>} : memref<1x4096x1xf32, #tpu.memory_space<vmem>>, vector<1x4096x1xf32>,
    %get3A_44 = arith.constant 0 : index
    %get3A_45 = arith.constant 0 : index
    %get3A_46 = arith.constant 0 : index
    %get3A_47 = vector.load %arg5[%get3A_44, %get3A_45, %get3A_46] : memref<1x128x128xf32, #tpu.memory_space<vmem>>, vector<1x128x128xf32>
    %get3A_48 = vector.shape_cast %get3A_47 : vector<1x128x128xf32> to vector<128x128xf32>
    %get3A_49 = arith.constant 0 : index
    %get3A_50 = arith.constant 0 : index
    %get3A_51 = vector.load %arg6[%get3A_49, %get3A_50] : memref<128x128xf32, #tpu.memory_space<vmem>>, vector<128x128xf32>
    %dot_general3A = arith.constant dense<0.000000e+00> : vector<128x128xf32>
    %dot_general3A_52 = tpu.matmul %get3A_48, %get3A_51, %dot_general3A {dimension_numbers = #tpu.dot_dimension_numbers<[1], [0], [0], [1], [0, 0, 1, 1], [], []>, transpose_lhs_hint = false} : vector<128x128xf32>, vector<128x128xf32>, vector<128x128xf32> -> vector<128x128xf32>
    %swap3A_53 = arith.constant 0 : index
    %swap3A_54 = arith.constant 0 : index
    %swap3A_55 = arith.constant 0 : index
    %swap3A_56 = vector.load %arg9[%swap3A_53, %swap3A_54, %swap3A_55] : memref<1x128x128xf32, #tpu.memory_space<vmem>>, vector<1x128x128xf32>
    %swap3A_57 = vector.shape_cast %swap3A_56 : vector<1x128x128xf32> to vector<128x128xf32>
    %swap3A_58 = vector.shape_cast %dot_general3A_52 : vector<128x128xf32> to vector<1x128x128xf32>
    tpu.vector_store %arg9[%swap3A_53, %swap3A_54, %swap3A_55], %swap3A_58 {strides = array<i32>} : memref<1x128x128xf32, #tpu.memory_space<vmem>>, vector<1x128x128xf32>,
    return
  }
  func.func @transform_0(%arg0: i32, %arg1: i32) -> (i32, i32, i32) {
    %c0_i32 = arith.constant 0 : i32
    %c0_i32_0 = arith.constant 0 : i32
    return %arg0, %arg1, %c0_i32 : i32, i32, i32
  }
  func.func @transform_1(%arg0: i32, %arg1: i32) -> (i32, i32, i32) {
    %c0_i32 = arith.constant 0 : i32
    %c0_i32_0 = arith.constant 0 : i32
    return %arg0, %arg1, %c0_i32 : i32, i32, i32
  }
  func.func @transform_2(%arg0: i32, %arg1: i32) -> (i32, i32, i32) {
    %c0_i32 = arith.constant 0 : i32
    %c0_i32_0 = arith.constant 0 : i32
    return %arg0, %arg1, %c0_i32 : i32, i32, i32
  }
  func.func @transform_3(%arg0: i32, %arg1: i32) -> (i32, i32, i32) {
    %c0_i32 = arith.constant 0 : i32
    %c0_i32_0 = arith.constant 0 : i32
    return %arg0, %arg1, %c0_i32 : i32, i32, i32
  }
  func.func @transform_4(%arg0: i32, %arg1: i32) -> (i32, i32) {
    %c0_i32 = arith.constant 0 : i32
    %c0_i32_0 = arith.constant 0 : i32
    %c0_i32_1 = arith.constant 0 : i32
    return %c0_i32, %c0_i32_0 : i32, i32
  }
  func.func @transform_5(%arg0: i32, %arg1: i32) -> (i32, i32, i32) {
    %c0_i32 = arith.constant 0 : i32
    %c0_i32_0 = arith.constant 0 : i32
    return %arg0, %arg1, %c0_i32 : i32, i32, i32
  }
  func.func @transform_6(%arg0: i32, %arg1: i32) -> (i32, i32, i32) {
    %c0_i32 = arith.constant 0 : i32
    %c0_i32_0 = arith.constant 0 : i32
    return %arg0, %arg1, %c0_i32 : i32, i32, i32
  }
  func.func @transform_7(%arg0: i32, %arg1: i32) -> (i32, i32, i32) {
    %c0_i32 = arith.constant 0 : i32
    %c0_i32_0 = arith.constant 0 : i32
    return %arg0, %arg1, %c0_i32 : i32, i32, i32
  }
}

module attributes {stable_mosaic.version = 14 : i64} {
  func.func @_tc_inter_body(%arg0: i32, %arg1: i32, %arg2: memref<1x4096x1xf32, #tpu.memory_space<vmem>>, %arg3: memref<1x4096x1xf32, #tpu.memory_space<vmem>>, %arg4: memref<1x4096x128xf32, #tpu.memory_space<vmem>>, %arg5: memref<1x128x128xf32, #tpu.memory_space<vmem>>, %arg6: memref<64x128xf32, #tpu.memory_space<vmem>>, %arg7: memref<1x128xf32, #tpu.memory_space<vmem>>, %arg8: memref<128x128xf32, #tpu.memory_space<vmem>>, %arg9: memref<1x128xf32, #tpu.memory_space<vmem>>, %arg10: memref<128x128xf32, #tpu.memory_space<vmem>>, %arg11: memref<1x128xf32, #tpu.memory_space<vmem>>, %arg12: memref<128x128xf32, #tpu.memory_space<vmem>>, %arg13: memref<1x128xf32, #tpu.memory_space<vmem>>, %arg14: memref<128x128xf32, #tpu.memory_space<vmem>>, %arg15: memref<1x128x128xf32, #tpu.memory_space<vmem>>, %arg16: memref<1x128x128xf32, #tpu.memory_space<vmem>>, %arg17: memref<1x128x128xf32, #tpu.memory_space<vmem>>) attributes {dimension_semantics = [#tpu.dimension_semantics<arbitrary>, #tpu.dimension_semantics<arbitrary>], iteration_bounds = array<i64: 8, 8>, scalar_prefetch = 0 : i64, scratch_operands = 0 : i64, tpu.core_type = #tpu.core_type<tc>, window_params = [{transform_indices = @transform_0, window_bounds = array<i64: 1, 4096, 1>}, {transform_indices = @transform_1, window_bounds = array<i64: 1, 4096, 1>}, {transform_indices = @transform_2, window_bounds = array<i64: 1, 4096, 128>}, {transform_indices = @transform_3, window_bounds = array<i64: 1, 128, 128>}, {pipeline_mode = #tpu.pipeline_mode<synchronous>, transform_indices = @transform_4, window_bounds = array<i64: 64, 128>}, {pipeline_mode = #tpu.pipeline_mode<synchronous>, transform_indices = @transform_5, window_bounds = array<i64: 1, 128>}, {pipeline_mode = #tpu.pipeline_mode<synchronous>, transform_indices = @transform_6, window_bounds = array<i64: 128, 128>}, {pipeline_mode = #tpu.pipeline_mode<synchronous>, transform_indices = @transform_7, window_bounds = array<i64: 1, 128>}, {pipeline_mode = #tpu.pipeline_mode<synchronous>, transform_indices = @transform_8, window_bounds = array<i64: 128, 128>}, {pipeline_mode = #tpu.pipeline_mode<synchronous>, transform_indices = @transform_9, window_bounds = array<i64: 1, 128>}, {pipeline_mode = #tpu.pipeline_mode<synchronous>, transform_indices = @transform_10, window_bounds = array<i64: 128, 128>}, {pipeline_mode = #tpu.pipeline_mode<synchronous>, transform_indices = @transform_11, window_bounds = array<i64: 1, 128>}, {pipeline_mode = #tpu.pipeline_mode<synchronous>, transform_indices = @transform_12, window_bounds = array<i64: 128, 128>}, {transform_indices = @transform_13, window_bounds = array<i64: 1, 128, 128>}, {transform_indices = @transform_14, window_bounds = array<i64: 1, 128, 128>}, {transform_indices = @transform_15, window_bounds = array<i64: 1, 128, 128>}]} {
    %get3A = arith.constant 0 : index
    %get3A_0 = arith.constant 0 : index
    %get3A_1 = arith.constant 0 : index
    %get3A_2 = vector.load %arg2[%get3A, %get3A_0, %get3A_1] : memref<1x4096x1xf32, #tpu.memory_space<vmem>>, vector<1x4096x1xf32>
    %get3A_3 = vector.shape_cast %get3A_2 : vector<1x4096x1xf32> to vector<4096x1xf32>
    %broadcast_in_dim3A = vector.shape_cast %get3A_3 : vector<4096x1xf32> to vector<4096x1xf32>
    %broadcast_in_dim3A_4 = vector.broadcast %broadcast_in_dim3A : vector<4096x1xf32> to vector<4096x64xf32>
    %iota3A = tpu.iota {dimensions = array<i32: 1>} : vector<4096x64xi32>
    %convert_element_type3A = arith.sitofp %iota3A : vector<4096x64xi32> to vector<4096x64xf32>
    %mul3A = arith.constant 0.10204082 : f32
    %mul3A_5 = vector.broadcast %mul3A : f32 to vector<4096x64xf32>
    %mul3A_6 = arith.mulf %convert_element_type3A, %mul3A_5 : vector<4096x64xf32>
    %sub3A = arith.subf %broadcast_in_dim3A_4, %mul3A_6 : vector<4096x64xf32>
    %integer_pow3A = arith.mulf %sub3A, %sub3A : vector<4096x64xf32>
    %mul3A_7 = arith.constant -4.802000e+01 : f32
    %mul3A_8 = vector.broadcast %mul3A_7 : f32 to vector<4096x64xf32>
    %mul3A_9 = arith.mulf %mul3A_8, %integer_pow3A : vector<4096x64xf32>
    %exp3A = math.exp %mul3A_9 : vector<4096x64xf32>
    %get3A_10 = arith.constant 0 : index
    %get3A_11 = arith.constant 0 : index
    %get3A_12 = vector.load %arg6[%get3A_10, %get3A_11] : memref<64x128xf32, #tpu.memory_space<vmem>>, vector<64x128xf32>
    %dot_general3A = arith.constant dense<0.000000e+00> : vector<4096x128xf32>
    %dot_general3A_13 = tpu.matmul %exp3A, %get3A_12, %dot_general3A {dimension_numbers = #tpu.dot_dimension_numbers<[1], [0], [0], [1], [0, 0, 1, 1], [], []>, transpose_lhs_hint = false} : vector<4096x64xf32>, vector<64x128xf32>, vector<4096x128xf32> -> vector<4096x128xf32>
    %get3A_14 = arith.constant 0 : index
    %get3A_15 = arith.constant 0 : index
    %get3A_16 = vector.load %arg7[%get3A_14, %get3A_15] : memref<1x128xf32, #tpu.memory_space<vmem>>, vector<1x128xf32>
    %add3A = vector.broadcast %get3A_16 : vector<1x128xf32> to vector<4096x128xf32>
    %add3A_17 = arith.addf %dot_general3A_13, %add3A : vector<4096x128xf32>
    %custom_jvp_call3A = arith.constant 0.000000e+00 : f32
    %max3A = vector.broadcast %custom_jvp_call3A : f32 to vector<4096x128xf32>
    %max3A_18 = arith.maximumf %add3A_17, %max3A : vector<4096x128xf32>
    %sub3A_19 = vector.broadcast %custom_jvp_call3A : f32 to vector<4096x128xf32>
    %sub3A_20 = arith.subf %add3A_17, %sub3A_19 : vector<4096x128xf32>
    %ne3A = arith.cmpf one, %sub3A_20, %sub3A_20 : vector<4096x128xf32>
    %add3A_21 = vector.broadcast %custom_jvp_call3A : f32 to vector<4096x128xf32>
    %add3A_22 = arith.addf %add3A_17, %add3A_21 : vector<4096x128xf32>
    %abs3A = math.absf %sub3A_20 : vector<4096x128xf32>
    %neg3A = arith.constant 0.000000e+00 : f32
    %neg3A_23 = vector.broadcast %neg3A : f32 to vector<4096x128xf32>
    %neg3A_24 = arith.subf %neg3A_23, %abs3A : vector<4096x128xf32>
    %exp3A_25 = math.exp %neg3A_24 : vector<4096x128xf32>
    %log1p3A = math.log1p %exp3A_25 : vector<4096x128xf32>
    %add3A_26 = arith.addf %max3A_18, %log1p3A : vector<4096x128xf32>
    %select_n3A = arith.select %ne3A, %add3A_22, %add3A_26 : vector<4096x128xi1>, vector<4096x128xf32>
    %log3A = arith.constant 2.000000e+00 : f32
    %log3A_27 = math.log %log3A : f32
    %sub3A_28 = vector.broadcast %log3A_27 : f32 to vector<4096x128xf32>
    %sub3A_29 = arith.subf %select_n3A, %sub3A_28 : vector<4096x128xf32>
    %get3A_30 = arith.constant 0 : index
    %get3A_31 = arith.constant 0 : index
    %get3A_32 = vector.load %arg8[%get3A_30, %get3A_31] : memref<128x128xf32, #tpu.memory_space<vmem>>, vector<128x128xf32>
    %dot_general3A_33 = arith.constant dense<0.000000e+00> : vector<4096x128xf32>
    %dot_general3A_34 = tpu.matmul %sub3A_29, %get3A_32, %dot_general3A_33 {dimension_numbers = #tpu.dot_dimension_numbers<[1], [0], [0], [1], [0, 0, 1, 1], [], []>, transpose_lhs_hint = false} : vector<4096x128xf32>, vector<128x128xf32>, vector<4096x128xf32> -> vector<4096x128xf32>
    %get3A_35 = arith.constant 0 : index
    %get3A_36 = arith.constant 0 : index
    %get3A_37 = vector.load %arg9[%get3A_35, %get3A_36] : memref<1x128xf32, #tpu.memory_space<vmem>>, vector<1x128xf32>
    %add3A_38 = vector.broadcast %get3A_37 : vector<1x128xf32> to vector<4096x128xf32>
    %add3A_39 = arith.addf %dot_general3A_34, %add3A_38 : vector<4096x128xf32>
    %get3A_40 = arith.constant 0 : index
    %get3A_41 = arith.constant 0 : index
    %get3A_42 = arith.constant 0 : index
    %get3A_43 = vector.load %arg3[%get3A_40, %get3A_41, %get3A_42] : memref<1x4096x1xf32, #tpu.memory_space<vmem>>, vector<1x4096x1xf32>
    %get3A_44 = vector.shape_cast %get3A_43 : vector<1x4096x1xf32> to vector<4096x1xf32>
    %mul3A_45 = vector.broadcast %get3A_44 : vector<4096x1xf32> to vector<4096x128xf32>
    %mul3A_46 = arith.mulf %add3A_39, %mul3A_45 : vector<4096x128xf32>
    %get3A_47 = arith.constant 0 : index
    %get3A_48 = arith.constant 0 : index
    %get3A_49 = arith.constant 0 : index
    %get3A_50 = vector.load %arg4[%get3A_47, %get3A_48, %get3A_49] : memref<1x4096x128xf32, #tpu.memory_space<vmem>>, vector<1x4096x128xf32>
    %get3A_51 = vector.shape_cast %get3A_50 : vector<1x4096x128xf32> to vector<4096x128xf32>
    %mul3A_52 = arith.mulf %get3A_51, %mul3A_46 : vector<4096x128xf32>
    %reshape3A = vector.shape_cast %mul3A_52 : vector<4096x128xf32> to vector<128x32x128xf32>
    %reduce_sum3A = arith.constant dense<0.000000e+00> : vector<128x128xf32>
    %reduce_sum3A_53 = vector.multi_reduction <add>, %reshape3A, %reduce_sum3A [1] : vector<128x32x128xf32> to vector<128x128xf32>
    %get3A_54 = arith.constant 0 : index
    %get3A_55 = arith.constant 0 : index
    %get3A_56 = vector.load %arg10[%get3A_54, %get3A_55] : memref<128x128xf32, #tpu.memory_space<vmem>>, vector<128x128xf32>
    %dot_general3A_57 = arith.constant dense<0.000000e+00> : vector<128x128xf32>
    %dot_general3A_58 = tpu.matmul %reduce_sum3A_53, %get3A_56, %dot_general3A_57 {dimension_numbers = #tpu.dot_dimension_numbers<[1], [0], [0], [1], [0, 0, 1, 1], [], []>, transpose_lhs_hint = false} : vector<128x128xf32>, vector<128x128xf32>, vector<128x128xf32> -> vector<128x128xf32>
    %get3A_59 = arith.constant 0 : index
    %get3A_60 = arith.constant 0 : index
    %get3A_61 = vector.load %arg11[%get3A_59, %get3A_60] : memref<1x128xf32, #tpu.memory_space<vmem>>, vector<1x128xf32>
    %add3A_62 = vector.broadcast %get3A_61 : vector<1x128xf32> to vector<128x128xf32>
    %add3A_63 = arith.addf %dot_general3A_58, %add3A_62 : vector<128x128xf32>
    %custom_jvp_call3A_64 = arith.constant 0.000000e+00 : f32
    %max3A_65 = vector.broadcast %custom_jvp_call3A_64 : f32 to vector<128x128xf32>
    %max3A_66 = arith.maximumf %add3A_63, %max3A_65 : vector<128x128xf32>
    %sub3A_67 = vector.broadcast %custom_jvp_call3A_64 : f32 to vector<128x128xf32>
    %sub3A_68 = arith.subf %add3A_63, %sub3A_67 : vector<128x128xf32>
    %ne3A_69 = arith.cmpf one, %sub3A_68, %sub3A_68 : vector<128x128xf32>
    %add3A_70 = vector.broadcast %custom_jvp_call3A_64 : f32 to vector<128x128xf32>
    %add3A_71 = arith.addf %add3A_63, %add3A_70 : vector<128x128xf32>
    %abs3A_72 = math.absf %sub3A_68 : vector<128x128xf32>
    %neg3A_73 = arith.constant 0.000000e+00 : f32
    %neg3A_74 = vector.broadcast %neg3A_73 : f32 to vector<128x128xf32>
    %neg3A_75 = arith.subf %neg3A_74, %abs3A_72 : vector<128x128xf32>
    %exp3A_76 = math.exp %neg3A_75 : vector<128x128xf32>
    %log1p3A_77 = math.log1p %exp3A_76 : vector<128x128xf32>
    %add3A_78 = arith.addf %max3A_66, %log1p3A_77 : vector<128x128xf32>
    %select_n3A_79 = arith.select %ne3A_69, %add3A_71, %add3A_78 : vector<128x128xi1>, vector<128x128xf32>
    %log3A_80 = arith.constant 2.000000e+00 : f32
    %log3A_81 = math.log %log3A_80 : f32
    %sub3A_82 = vector.broadcast %log3A_81 : f32 to vector<128x128xf32>
    %sub3A_83 = arith.subf %select_n3A_79, %sub3A_82 : vector<128x128xf32>
    %get3A_84 = arith.constant 0 : index
    %get3A_85 = arith.constant 0 : index
    %get3A_86 = vector.load %arg12[%get3A_84, %get3A_85] : memref<128x128xf32, #tpu.memory_space<vmem>>, vector<128x128xf32>
    %dot_general3A_87 = arith.constant dense<0.000000e+00> : vector<128x128xf32>
    %dot_general3A_88 = tpu.matmul %sub3A_83, %get3A_86, %dot_general3A_87 {dimension_numbers = #tpu.dot_dimension_numbers<[1], [0], [0], [1], [0, 0, 1, 1], [], []>, transpose_lhs_hint = false} : vector<128x128xf32>, vector<128x128xf32>, vector<128x128xf32> -> vector<128x128xf32>
    %get3A_89 = arith.constant 0 : index
    %get3A_90 = arith.constant 0 : index
    %get3A_91 = vector.load %arg13[%get3A_89, %get3A_90] : memref<1x128xf32, #tpu.memory_space<vmem>>, vector<1x128xf32>
    %add3A_92 = vector.broadcast %get3A_91 : vector<1x128xf32> to vector<128x128xf32>
    %add3A_93 = arith.addf %dot_general3A_88, %add3A_92 : vector<128x128xf32>
    %get3A_94 = arith.constant 0 : index
    %get3A_95 = arith.constant 0 : index
    %get3A_96 = arith.constant 0 : index
    %get3A_97 = vector.load %arg5[%get3A_94, %get3A_95, %get3A_96] : memref<1x128x128xf32, #tpu.memory_space<vmem>>, vector<1x128x128xf32>
    %get3A_98 = vector.shape_cast %get3A_97 : vector<1x128x128xf32> to vector<128x128xf32>
    %add3A_99 = arith.addf %get3A_98, %add3A_93 : vector<128x128xf32>
    %swap3A = arith.constant 0 : index
    %swap3A_100 = arith.constant 0 : index
    %swap3A_101 = arith.constant 0 : index
    %swap3A_102 = vector.load %arg16[%swap3A, %swap3A_100, %swap3A_101] : memref<1x128x128xf32, #tpu.memory_space<vmem>>, vector<1x128x128xf32>
    %swap3A_103 = vector.shape_cast %swap3A_102 : vector<1x128x128xf32> to vector<128x128xf32>
    %swap3A_104 = vector.shape_cast %add3A_99 : vector<128x128xf32> to vector<1x128x128xf32>
    tpu.vector_store %arg16[%swap3A, %swap3A_100, %swap3A_101], %swap3A_104 {strides = array<i32>} : memref<1x128x128xf32, #tpu.memory_space<vmem>>, vector<1x128x128xf32>,
    %get3A_105 = arith.constant 0 : index
    %get3A_106 = arith.constant 0 : index
    %get3A_107 = vector.load %arg14[%get3A_105, %get3A_106] : memref<128x128xf32, #tpu.memory_space<vmem>>, vector<128x128xf32>
    %dot_general3A_108 = arith.constant dense<0.000000e+00> : vector<128x128xf32>
    %dot_general3A_109 = tpu.matmul %add3A_99, %get3A_107, %dot_general3A_108 {dimension_numbers = #tpu.dot_dimension_numbers<[1], [0], [0], [1], [0, 0, 1, 1], [], []>, transpose_lhs_hint = false} : vector<128x128xf32>, vector<128x128xf32>, vector<128x128xf32> -> vector<128x128xf32>
    %swap3A_110 = arith.constant 0 : index
    %swap3A_111 = arith.constant 0 : index
    %swap3A_112 = arith.constant 0 : index
    %swap3A_113 = vector.load %arg17[%swap3A_110, %swap3A_111, %swap3A_112] : memref<1x128x128xf32, #tpu.memory_space<vmem>>, vector<1x128x128xf32>
    %swap3A_114 = vector.shape_cast %swap3A_113 : vector<1x128x128xf32> to vector<128x128xf32>
    %swap3A_115 = vector.shape_cast %dot_general3A_109 : vector<128x128xf32> to vector<1x128x128xf32>
    tpu.vector_store %arg17[%swap3A_110, %swap3A_111, %swap3A_112], %swap3A_115 {strides = array<i32>} : memref<1x128x128xf32, #tpu.memory_space<vmem>>, vector<1x128x128xf32>,
    return
  }
  func.func @transform_0(%arg0: i32, %arg1: i32) -> (i32, i32, i32) {
    %c0_i32 = arith.constant 0 : i32
    %c0_i32_0 = arith.constant 0 : i32
    return %arg0, %arg1, %c0_i32 : i32, i32, i32
  }
  func.func @transform_1(%arg0: i32, %arg1: i32) -> (i32, i32, i32) {
    %c0_i32 = arith.constant 0 : i32
    %c0_i32_0 = arith.constant 0 : i32
    return %arg0, %arg1, %c0_i32 : i32, i32, i32
  }
  func.func @transform_2(%arg0: i32, %arg1: i32) -> (i32, i32, i32) {
    %c0_i32 = arith.constant 0 : i32
    %c0_i32_0 = arith.constant 0 : i32
    return %arg0, %arg1, %c0_i32 : i32, i32, i32
  }
  func.func @transform_3(%arg0: i32, %arg1: i32) -> (i32, i32, i32) {
    %c0_i32 = arith.constant 0 : i32
    %c0_i32_0 = arith.constant 0 : i32
    return %arg0, %arg1, %c0_i32 : i32, i32, i32
  }
  func.func @transform_4(%arg0: i32, %arg1: i32) -> (i32, i32) {
    %c0_i32 = arith.constant 0 : i32
    %c0_i32_0 = arith.constant 0 : i32
    %c0_i32_1 = arith.constant 0 : i32
    return %c0_i32, %c0_i32_0 : i32, i32
  }
  func.func @transform_5(%arg0: i32, %arg1: i32) -> (i32, i32) {
    %c0_i32 = arith.constant 0 : i32
    %c0_i32_0 = arith.constant 0 : i32
    %c0_i32_1 = arith.constant 0 : i32
    return %c0_i32, %c0_i32_0 : i32, i32
  }
  func.func @transform_6(%arg0: i32, %arg1: i32) -> (i32, i32) {
    %c0_i32 = arith.constant 0 : i32
    %c0_i32_0 = arith.constant 0 : i32
    %c0_i32_1 = arith.constant 0 : i32
    return %c0_i32, %c0_i32_0 : i32, i32
  }
  func.func @transform_7(%arg0: i32, %arg1: i32) -> (i32, i32) {
    %c0_i32 = arith.constant 0 : i32
    %c0_i32_0 = arith.constant 0 : i32
    %c0_i32_1 = arith.constant 0 : i32
    return %c0_i32, %c0_i32_0 : i32, i32
  }
  func.func @transform_8(%arg0: i32, %arg1: i32) -> (i32, i32) {
    %c0_i32 = arith.constant 0 : i32
    %c0_i32_0 = arith.constant 0 : i32
    %c0_i32_1 = arith.constant 0 : i32
    return %c0_i32, %c0_i32_0 : i32, i32
  }
  func.func @transform_9(%arg0: i32, %arg1: i32) -> (i32, i32) {
    %c0_i32 = arith.constant 0 : i32
    %c0_i32_0 = arith.constant 0 : i32
    %c0_i32_1 = arith.constant 0 : i32
    return %c0_i32, %c0_i32_0 : i32, i32
  }
  func.func @transform_10(%arg0: i32, %arg1: i32) -> (i32, i32) {
    %c0_i32 = arith.constant 0 : i32
    %c0_i32_0 = arith.constant 0 : i32
    %c0_i32_1 = arith.constant 0 : i32
    return %c0_i32, %c0_i32_0 : i32, i32
  }
  func.func @transform_11(%arg0: i32, %arg1: i32) -> (i32, i32) {
    %c0_i32 = arith.constant 0 : i32
    %c0_i32_0 = arith.constant 0 : i32
    %c0_i32_1 = arith.constant 0 : i32
    return %c0_i32, %c0_i32_0 : i32, i32
  }
  func.func @transform_12(%arg0: i32, %arg1: i32) -> (i32, i32) {
    %c0_i32 = arith.constant 0 : i32
    %c0_i32_0 = arith.constant 0 : i32
    %c0_i32_1 = arith.constant 0 : i32
    return %c0_i32, %c0_i32_0 : i32, i32
  }
  func.func @transform_13(%arg0: i32, %arg1: i32) -> (i32, i32, i32) {
    %c0_i32 = arith.constant 0 : i32
    %c0_i32_0 = arith.constant 0 : i32
    return %arg0, %arg1, %c0_i32 : i32, i32, i32
  }
  func.func @transform_14(%arg0: i32, %arg1: i32) -> (i32, i32, i32) {
    %c0_i32 = arith.constant 0 : i32
    %c0_i32_0 = arith.constant 0 : i32
    return %arg0, %arg1, %c0_i32 : i32, i32, i32
  }
  func.func @transform_15(%arg0: i32, %arg1: i32) -> (i32, i32, i32) {
    %c0_i32 = arith.constant 0 : i32
    %c0_i32_0 = arith.constant 0 : i32
    return %arg0, %arg1, %c0_i32 : i32, i32, i32
  }
}

module attributes {stable_mosaic.version = 14 : i64} {
  func.func @_tc_inter_body(%arg0: i32, %arg1: i32, %arg2: memref<1x4096x1xf32, #tpu.memory_space<vmem>>, %arg3: memref<1x4096x1xf32, #tpu.memory_space<vmem>>, %arg4: memref<1x4096x128xf32, #tpu.memory_space<vmem>>, %arg5: memref<1x128x128xf32, #tpu.memory_space<vmem>>, %arg6: memref<64x128xf32, #tpu.memory_space<vmem>>, %arg7: memref<1x128xf32, #tpu.memory_space<vmem>>, %arg8: memref<128x128xf32, #tpu.memory_space<vmem>>, %arg9: memref<1x128xf32, #tpu.memory_space<vmem>>, %arg10: memref<128x128xf32, #tpu.memory_space<vmem>>, %arg11: memref<1x128xf32, #tpu.memory_space<vmem>>, %arg12: memref<128x128xf32, #tpu.memory_space<vmem>>, %arg13: memref<1x128xf32, #tpu.memory_space<vmem>>, %arg14: memref<128x128xf32, #tpu.memory_space<vmem>>, %arg15: memref<1x128x128xf32, #tpu.memory_space<vmem>>, %arg16: memref<1x128x128xf32, #tpu.memory_space<vmem>>, %arg17: memref<1x128x128xf32, #tpu.memory_space<vmem>>) attributes {dimension_semantics = [#tpu.dimension_semantics<arbitrary>, #tpu.dimension_semantics<arbitrary>], iteration_bounds = array<i64: 8, 8>, scalar_prefetch = 0 : i64, scratch_operands = 0 : i64, tpu.core_type = #tpu.core_type<tc>, window_params = [{transform_indices = @transform_0, window_bounds = array<i64: 1, 4096, 1>}, {transform_indices = @transform_1, window_bounds = array<i64: 1, 4096, 1>}, {transform_indices = @transform_2, window_bounds = array<i64: 1, 4096, 128>}, {transform_indices = @transform_3, window_bounds = array<i64: 1, 128, 128>}, {pipeline_mode = #tpu.pipeline_mode<synchronous>, transform_indices = @transform_4, window_bounds = array<i64: 64, 128>}, {pipeline_mode = #tpu.pipeline_mode<synchronous>, transform_indices = @transform_5, window_bounds = array<i64: 1, 128>}, {pipeline_mode = #tpu.pipeline_mode<synchronous>, transform_indices = @transform_6, window_bounds = array<i64: 128, 128>}, {pipeline_mode = #tpu.pipeline_mode<synchronous>, transform_indices = @transform_7, window_bounds = array<i64: 1, 128>}, {pipeline_mode = #tpu.pipeline_mode<synchronous>, transform_indices = @transform_8, window_bounds = array<i64: 128, 128>}, {pipeline_mode = #tpu.pipeline_mode<synchronous>, transform_indices = @transform_9, window_bounds = array<i64: 1, 128>}, {pipeline_mode = #tpu.pipeline_mode<synchronous>, transform_indices = @transform_10, window_bounds = array<i64: 128, 128>}, {pipeline_mode = #tpu.pipeline_mode<synchronous>, transform_indices = @transform_11, window_bounds = array<i64: 1, 128>}, {pipeline_mode = #tpu.pipeline_mode<synchronous>, transform_indices = @transform_12, window_bounds = array<i64: 128, 128>}, {transform_indices = @transform_13, window_bounds = array<i64: 1, 128, 128>}, {transform_indices = @transform_14, window_bounds = array<i64: 1, 128, 128>}, {transform_indices = @transform_15, window_bounds = array<i64: 1, 128, 128>}]} {
    %get3A = arith.constant 0 : index
    %get3A_0 = arith.constant 0 : index
    %get3A_1 = arith.constant 0 : index
    %get3A_2 = vector.load %arg2[%get3A, %get3A_0, %get3A_1] : memref<1x4096x1xf32, #tpu.memory_space<vmem>>, vector<1x4096x1xf32>
    %get3A_3 = vector.shape_cast %get3A_2 : vector<1x4096x1xf32> to vector<4096x1xf32>
    %broadcast_in_dim3A = vector.shape_cast %get3A_3 : vector<4096x1xf32> to vector<4096x1xf32>
    %broadcast_in_dim3A_4 = vector.broadcast %broadcast_in_dim3A : vector<4096x1xf32> to vector<4096x64xf32>
    %iota3A = tpu.iota {dimensions = array<i32: 1>} : vector<4096x64xi32>
    %convert_element_type3A = arith.sitofp %iota3A : vector<4096x64xi32> to vector<4096x64xf32>
    %mul3A = arith.constant 0.10204082 : f32
    %mul3A_5 = vector.broadcast %mul3A : f32 to vector<4096x64xf32>
    %mul3A_6 = arith.mulf %convert_element_type3A, %mul3A_5 : vector<4096x64xf32>
    %sub3A = arith.subf %broadcast_in_dim3A_4, %mul3A_6 : vector<4096x64xf32>
    %integer_pow3A = arith.mulf %sub3A, %sub3A : vector<4096x64xf32>
    %mul3A_7 = arith.constant -4.802000e+01 : f32
    %mul3A_8 = vector.broadcast %mul3A_7 : f32 to vector<4096x64xf32>
    %mul3A_9 = arith.mulf %mul3A_8, %integer_pow3A : vector<4096x64xf32>
    %exp3A = math.exp %mul3A_9 : vector<4096x64xf32>
    %get3A_10 = arith.constant 0 : index
    %get3A_11 = arith.constant 0 : index
    %get3A_12 = vector.load %arg6[%get3A_10, %get3A_11] : memref<64x128xf32, #tpu.memory_space<vmem>>, vector<64x128xf32>
    %dot_general3A = arith.constant dense<0.000000e+00> : vector<4096x128xf32>
    %dot_general3A_13 = tpu.matmul %exp3A, %get3A_12, %dot_general3A {dimension_numbers = #tpu.dot_dimension_numbers<[1], [0], [0], [1], [0, 0, 1, 1], [], []>, transpose_lhs_hint = false} : vector<4096x64xf32>, vector<64x128xf32>, vector<4096x128xf32> -> vector<4096x128xf32>
    %get3A_14 = arith.constant 0 : index
    %get3A_15 = arith.constant 0 : index
    %get3A_16 = vector.load %arg7[%get3A_14, %get3A_15] : memref<1x128xf32, #tpu.memory_space<vmem>>, vector<1x128xf32>
    %add3A = vector.broadcast %get3A_16 : vector<1x128xf32> to vector<4096x128xf32>
    %add3A_17 = arith.addf %dot_general3A_13, %add3A : vector<4096x128xf32>
    %custom_jvp_call3A = arith.constant 0.000000e+00 : f32
    %max3A = vector.broadcast %custom_jvp_call3A : f32 to vector<4096x128xf32>
    %max3A_18 = arith.maximumf %add3A_17, %max3A : vector<4096x128xf32>
    %sub3A_19 = vector.broadcast %custom_jvp_call3A : f32 to vector<4096x128xf32>
    %sub3A_20 = arith.subf %add3A_17, %sub3A_19 : vector<4096x128xf32>
    %ne3A = arith.cmpf one, %sub3A_20, %sub3A_20 : vector<4096x128xf32>
    %add3A_21 = vector.broadcast %custom_jvp_call3A : f32 to vector<4096x128xf32>
    %add3A_22 = arith.addf %add3A_17, %add3A_21 : vector<4096x128xf32>
    %abs3A = math.absf %sub3A_20 : vector<4096x128xf32>
    %neg3A = arith.constant 0.000000e+00 : f32
    %neg3A_23 = vector.broadcast %neg3A : f32 to vector<4096x128xf32>
    %neg3A_24 = arith.subf %neg3A_23, %abs3A : vector<4096x128xf32>
    %exp3A_25 = math.exp %neg3A_24 : vector<4096x128xf32>
    %log1p3A = math.log1p %exp3A_25 : vector<4096x128xf32>
    %add3A_26 = arith.addf %max3A_18, %log1p3A : vector<4096x128xf32>
    %select_n3A = arith.select %ne3A, %add3A_22, %add3A_26 : vector<4096x128xi1>, vector<4096x128xf32>
    %log3A = arith.constant 2.000000e+00 : f32
    %log3A_27 = math.log %log3A : f32
    %sub3A_28 = vector.broadcast %log3A_27 : f32 to vector<4096x128xf32>
    %sub3A_29 = arith.subf %select_n3A, %sub3A_28 : vector<4096x128xf32>
    %get3A_30 = arith.constant 0 : index
    %get3A_31 = arith.constant 0 : index
    %get3A_32 = vector.load %arg8[%get3A_30, %get3A_31] : memref<128x128xf32, #tpu.memory_space<vmem>>, vector<128x128xf32>
    %dot_general3A_33 = arith.constant dense<0.000000e+00> : vector<4096x128xf32>
    %dot_general3A_34 = tpu.matmul %sub3A_29, %get3A_32, %dot_general3A_33 {dimension_numbers = #tpu.dot_dimension_numbers<[1], [0], [0], [1], [0, 0, 1, 1], [], []>, transpose_lhs_hint = false} : vector<4096x128xf32>, vector<128x128xf32>, vector<4096x128xf32> -> vector<4096x128xf32>
    %get3A_35 = arith.constant 0 : index
    %get3A_36 = arith.constant 0 : index
    %get3A_37 = vector.load %arg9[%get3A_35, %get3A_36] : memref<1x128xf32, #tpu.memory_space<vmem>>, vector<1x128xf32>
    %add3A_38 = vector.broadcast %get3A_37 : vector<1x128xf32> to vector<4096x128xf32>
    %add3A_39 = arith.addf %dot_general3A_34, %add3A_38 : vector<4096x128xf32>
    %get3A_40 = arith.constant 0 : index
    %get3A_41 = arith.constant 0 : index
    %get3A_42 = arith.constant 0 : index
    %get3A_43 = vector.load %arg3[%get3A_40, %get3A_41, %get3A_42] : memref<1x4096x1xf32, #tpu.memory_space<vmem>>, vector<1x4096x1xf32>
    %get3A_44 = vector.shape_cast %get3A_43 : vector<1x4096x1xf32> to vector<4096x1xf32>
    %mul3A_45 = vector.broadcast %get3A_44 : vector<4096x1xf32> to vector<4096x128xf32>
    %mul3A_46 = arith.mulf %add3A_39, %mul3A_45 : vector<4096x128xf32>
    %get3A_47 = arith.constant 0 : index
    %get3A_48 = arith.constant 0 : index
    %get3A_49 = arith.constant 0 : index
    %get3A_50 = vector.load %arg4[%get3A_47, %get3A_48, %get3A_49] : memref<1x4096x128xf32, #tpu.memory_space<vmem>>, vector<1x4096x128xf32>
    %get3A_51 = vector.shape_cast %get3A_50 : vector<1x4096x128xf32> to vector<4096x128xf32>
    %mul3A_52 = arith.mulf %get3A_51, %mul3A_46 : vector<4096x128xf32>
    %reshape3A = vector.shape_cast %mul3A_52 : vector<4096x128xf32> to vector<128x32x128xf32>
    %reduce_sum3A = arith.constant dense<0.000000e+00> : vector<128x128xf32>
    %reduce_sum3A_53 = vector.multi_reduction <add>, %reshape3A, %reduce_sum3A [1] : vector<128x32x128xf32> to vector<128x128xf32>
    %get3A_54 = arith.constant 0 : index
    %get3A_55 = arith.constant 0 : index
    %get3A_56 = vector.load %arg10[%get3A_54, %get3A_55] : memref<128x128xf32, #tpu.memory_space<vmem>>, vector<128x128xf32>
    %dot_general3A_57 = arith.constant dense<0.000000e+00> : vector<128x128xf32>
    %dot_general3A_58 = tpu.matmul %reduce_sum3A_53, %get3A_56, %dot_general3A_57 {dimension_numbers = #tpu.dot_dimension_numbers<[1], [0], [0], [1], [0, 0, 1, 1], [], []>, transpose_lhs_hint = false} : vector<128x128xf32>, vector<128x128xf32>, vector<128x128xf32> -> vector<128x128xf32>
    %get3A_59 = arith.constant 0 : index
    %get3A_60 = arith.constant 0 : index
    %get3A_61 = vector.load %arg11[%get3A_59, %get3A_60] : memref<1x128xf32, #tpu.memory_space<vmem>>, vector<1x128xf32>
    %add3A_62 = vector.broadcast %get3A_61 : vector<1x128xf32> to vector<128x128xf32>
    %add3A_63 = arith.addf %dot_general3A_58, %add3A_62 : vector<128x128xf32>
    %custom_jvp_call3A_64 = arith.constant 0.000000e+00 : f32
    %max3A_65 = vector.broadcast %custom_jvp_call3A_64 : f32 to vector<128x128xf32>
    %max3A_66 = arith.maximumf %add3A_63, %max3A_65 : vector<128x128xf32>
    %sub3A_67 = vector.broadcast %custom_jvp_call3A_64 : f32 to vector<128x128xf32>
    %sub3A_68 = arith.subf %add3A_63, %sub3A_67 : vector<128x128xf32>
    %ne3A_69 = arith.cmpf one, %sub3A_68, %sub3A_68 : vector<128x128xf32>
    %add3A_70 = vector.broadcast %custom_jvp_call3A_64 : f32 to vector<128x128xf32>
    %add3A_71 = arith.addf %add3A_63, %add3A_70 : vector<128x128xf32>
    %abs3A_72 = math.absf %sub3A_68 : vector<128x128xf32>
    %neg3A_73 = arith.constant 0.000000e+00 : f32
    %neg3A_74 = vector.broadcast %neg3A_73 : f32 to vector<128x128xf32>
    %neg3A_75 = arith.subf %neg3A_74, %abs3A_72 : vector<128x128xf32>
    %exp3A_76 = math.exp %neg3A_75 : vector<128x128xf32>
    %log1p3A_77 = math.log1p %exp3A_76 : vector<128x128xf32>
    %add3A_78 = arith.addf %max3A_66, %log1p3A_77 : vector<128x128xf32>
    %select_n3A_79 = arith.select %ne3A_69, %add3A_71, %add3A_78 : vector<128x128xi1>, vector<128x128xf32>
    %log3A_80 = arith.constant 2.000000e+00 : f32
    %log3A_81 = math.log %log3A_80 : f32
    %sub3A_82 = vector.broadcast %log3A_81 : f32 to vector<128x128xf32>
    %sub3A_83 = arith.subf %select_n3A_79, %sub3A_82 : vector<128x128xf32>
    %get3A_84 = arith.constant 0 : index
    %get3A_85 = arith.constant 0 : index
    %get3A_86 = vector.load %arg12[%get3A_84, %get3A_85] : memref<128x128xf32, #tpu.memory_space<vmem>>, vector<128x128xf32>
    %dot_general3A_87 = arith.constant dense<0.000000e+00> : vector<128x128xf32>
    %dot_general3A_88 = tpu.matmul %sub3A_83, %get3A_86, %dot_general3A_87 {dimension_numbers = #tpu.dot_dimension_numbers<[1], [0], [0], [1], [0, 0, 1, 1], [], []>, transpose_lhs_hint = false} : vector<128x128xf32>, vector<128x128xf32>, vector<128x128xf32> -> vector<128x128xf32>
    %get3A_89 = arith.constant 0 : index
    %get3A_90 = arith.constant 0 : index
    %get3A_91 = vector.load %arg13[%get3A_89, %get3A_90] : memref<1x128xf32, #tpu.memory_space<vmem>>, vector<1x128xf32>
    %add3A_92 = vector.broadcast %get3A_91 : vector<1x128xf32> to vector<128x128xf32>
    %add3A_93 = arith.addf %dot_general3A_88, %add3A_92 : vector<128x128xf32>
    %get3A_94 = arith.constant 0 : index
    %get3A_95 = arith.constant 0 : index
    %get3A_96 = arith.constant 0 : index
    %get3A_97 = vector.load %arg5[%get3A_94, %get3A_95, %get3A_96] : memref<1x128x128xf32, #tpu.memory_space<vmem>>, vector<1x128x128xf32>
    %get3A_98 = vector.shape_cast %get3A_97 : vector<1x128x128xf32> to vector<128x128xf32>
    %add3A_99 = arith.addf %get3A_98, %add3A_93 : vector<128x128xf32>
    %get3A_100 = arith.constant 0 : index
    %get3A_101 = arith.constant 0 : index
    %get3A_102 = arith.constant 0 : index
    %get3A_103 = vector.load %arg15[%get3A_100, %get3A_101, %get3A_102] : memref<1x128x128xf32, #tpu.memory_space<vmem>>, vector<1x128x128xf32>
    %get3A_104 = vector.shape_cast %get3A_103 : vector<1x128x128xf32> to vector<128x128xf32>
    %sub3A_105 = arith.subf %add3A_99, %get3A_104 : vector<128x128xf32>
    %swap3A = arith.constant 0 : index
    %swap3A_106 = arith.constant 0 : index
    %swap3A_107 = arith.constant 0 : index
    %swap3A_108 = vector.load %arg16[%swap3A, %swap3A_106, %swap3A_107] : memref<1x128x128xf32, #tpu.memory_space<vmem>>, vector<1x128x128xf32>
    %swap3A_109 = vector.shape_cast %swap3A_108 : vector<1x128x128xf32> to vector<128x128xf32>
    %swap3A_110 = vector.shape_cast %sub3A_105 : vector<128x128xf32> to vector<1x128x128xf32>
    tpu.vector_store %arg16[%swap3A, %swap3A_106, %swap3A_107], %swap3A_110 {strides = array<i32>} : memref<1x128x128xf32, #tpu.memory_space<vmem>>, vector<1x128x128xf32>,
    %swap3A_111 = arith.constant 0 : index
    %swap3A_112 = arith.constant 0 : index
    %swap3A_113 = arith.constant 0 : index
    %swap3A_114 = vector.load %arg17[%swap3A_111, %swap3A_112, %swap3A_113] : memref<1x128x128xf32, #tpu.memory_space<vmem>>, vector<1x128x128xf32>
    %swap3A_115 = vector.shape_cast %swap3A_114 : vector<1x128x128xf32> to vector<128x128xf32>
    %swap3A_116 = vector.shape_cast %add3A_99 : vector<128x128xf32> to vector<1x128x128xf32>
    tpu.vector_store %arg17[%swap3A_111, %swap3A_112, %swap3A_113], %swap3A_116 {strides = array<i32>} : memref<1x128x128xf32, #tpu.memory_space<vmem>>, vector<1x128x128xf32>,
    return
  }
  func.func @transform_0(%arg0: i32, %arg1: i32) -> (i32, i32, i32) {
    %c0_i32 = arith.constant 0 : i32
    %c0_i32_0 = arith.constant 0 : i32
    return %arg0, %arg1, %c0_i32 : i32, i32, i32
  }
  func.func @transform_1(%arg0: i32, %arg1: i32) -> (i32, i32, i32) {
    %c0_i32 = arith.constant 0 : i32
    %c0_i32_0 = arith.constant 0 : i32
    return %arg0, %arg1, %c0_i32 : i32, i32, i32
  }
  func.func @transform_2(%arg0: i32, %arg1: i32) -> (i32, i32, i32) {
    %c0_i32 = arith.constant 0 : i32
    %c0_i32_0 = arith.constant 0 : i32
    return %arg0, %arg1, %c0_i32 : i32, i32, i32
  }
  func.func @transform_3(%arg0: i32, %arg1: i32) -> (i32, i32, i32) {
    %c0_i32 = arith.constant 0 : i32
    %c0_i32_0 = arith.constant 0 : i32
    return %arg0, %arg1, %c0_i32 : i32, i32, i32
  }
  func.func @transform_4(%arg0: i32, %arg1: i32) -> (i32, i32) {
    %c0_i32 = arith.constant 0 : i32
    %c0_i32_0 = arith.constant 0 : i32
    %c0_i32_1 = arith.constant 0 : i32
    return %c0_i32, %c0_i32_0 : i32, i32
  }
  func.func @transform_5(%arg0: i32, %arg1: i32) -> (i32, i32) {
    %c0_i32 = arith.constant 0 : i32
    %c0_i32_0 = arith.constant 0 : i32
    %c0_i32_1 = arith.constant 0 : i32
    return %c0_i32, %c0_i32_0 : i32, i32
  }
  func.func @transform_6(%arg0: i32, %arg1: i32) -> (i32, i32) {
    %c0_i32 = arith.constant 0 : i32
    %c0_i32_0 = arith.constant 0 : i32
    %c0_i32_1 = arith.constant 0 : i32
    return %c0_i32, %c0_i32_0 : i32, i32
  }
  func.func @transform_7(%arg0: i32, %arg1: i32) -> (i32, i32) {
    %c0_i32 = arith.constant 0 : i32
    %c0_i32_0 = arith.constant 0 : i32
    %c0_i32_1 = arith.constant 0 : i32
    return %c0_i32, %c0_i32_0 : i32, i32
  }
  func.func @transform_8(%arg0: i32, %arg1: i32) -> (i32, i32) {
    %c0_i32 = arith.constant 0 : i32
    %c0_i32_0 = arith.constant 0 : i32
    %c0_i32_1 = arith.constant 0 : i32
    return %c0_i32, %c0_i32_0 : i32, i32
  }
  func.func @transform_9(%arg0: i32, %arg1: i32) -> (i32, i32) {
    %c0_i32 = arith.constant 0 : i32
    %c0_i32_0 = arith.constant 0 : i32
    %c0_i32_1 = arith.constant 0 : i32
    return %c0_i32, %c0_i32_0 : i32, i32
  }
  func.func @transform_10(%arg0: i32, %arg1: i32) -> (i32, i32) {
    %c0_i32 = arith.constant 0 : i32
    %c0_i32_0 = arith.constant 0 : i32
    %c0_i32_1 = arith.constant 0 : i32
    return %c0_i32, %c0_i32_0 : i32, i32
  }
  func.func @transform_11(%arg0: i32, %arg1: i32) -> (i32, i32) {
    %c0_i32 = arith.constant 0 : i32
    %c0_i32_0 = arith.constant 0 : i32
    %c0_i32_1 = arith.constant 0 : i32
    return %c0_i32, %c0_i32_0 : i32, i32
  }
  func.func @transform_12(%arg0: i32, %arg1: i32) -> (i32, i32) {
    %c0_i32 = arith.constant 0 : i32
    %c0_i32_0 = arith.constant 0 : i32
    %c0_i32_1 = arith.constant 0 : i32
    return %c0_i32, %c0_i32_0 : i32, i32
  }
  func.func @transform_13(%arg0: i32, %arg1: i32) -> (i32, i32, i32) {
    %c0_i32 = arith.constant 0 : i32
    %c0_i32_0 = arith.constant 0 : i32
    return %arg0, %arg1, %c0_i32 : i32, i32, i32
  }
  func.func @transform_14(%arg0: i32, %arg1: i32) -> (i32, i32, i32) {
    %c0_i32 = arith.constant 0 : i32
    %c0_i32_0 = arith.constant 0 : i32
    return %arg0, %arg1, %c0_i32 : i32, i32, i32
  }
  func.func @transform_15(%arg0: i32, %arg1: i32) -> (i32, i32, i32) {
    %c0_i32 = arith.constant 0 : i32
    %c0_i32_0 = arith.constant 0 : i32
    return %arg0, %arg1, %c0_i32 : i32, i32, i32
  }
}

</mosaic_0001>

<sc_bundles>
// kernel: kernel.10.cloned.1.call-start
scs
__scs_entry_jumppad:
0x0: {  	(pc) =	sbr.rel $0x88, $3  }
0x1: {  	(tag) =	ssettag $0x0;
	lr =	simm.s32 $0x1  }
0x2: {  	[smem:$0x3F93] =	sst lr;
	_ =	strace $0xD0000000  }
0x3: {  	_ = 	snop  }
0x4: {  	_ = 	snop  }
0x5: {  	_ = 	snop  }
0x6: {  	_ = 	snop  }
0x7: {  	_ = 	snop  }
__scs_overlays_trampoline_lowered:
0x8: {  	[smem:$0x3FA2] =	sst s0  }
0x9: {  	[smem:$0x3FA3] =	sst s1  }
0xa: {  	[smem:$0x3FA4] =	sst s2  }
0xb: {  	[smem:$0x3FA5] =	sst s3  }
0xc: {  	[smem:$0x3FA6] =	sst s4  }
0xd: {  	[smem:$0x3FA7] =	sst s5  }
0xe: {  	[smem:$0x3FA8] =	sst s6  }
0xf: {  	[smem:$0x3FA9] =	sst s7  }
0x10: {  	[smem:$0x3FAA] =	sst s8  }
0x11: {  	[smem:$0x3FAB] =	sst s9;
	s0 =	simm.s32 @!p0 $0x0  }
0x12: {  	s1 =	sld [smem:$0x3F91];
	s0 =	simm.s32 @p0 $0x1  }
0x13: {  	[smem:$0x3FAC] =	sst s0;
	s0 =	simm.s32 @!p1 $0x0  }
0x14: {  	s2 =	sld [smem:$0x3F90];
	s0 =	simm.s32 @p1 $0x1  }
0x15: {  	[smem:$0x3FAD] =	sst s0;
	s0 =	simm.s32 @!p2 $0x0  }
0x16: {  	s3 =	sld [smem:$0x3FDB];
	s0 =	simm.s32 @p2 $0x1  }
0x17: {  	s4 =	simm.s32 $0x1BF5;
	[smem:$0x3FAF] =	sst s0  }
0x18: {  	s0 =	sld [smem:$0x3F92];
	_ =	swait.ge [sflag:s4], $0x0  }
0x19: {  	s7 =	sld [smem:$0x3F93]  }
0x1a: {  	s8 =	sadd.s32 $0xFFFFE003, lr  }
0x1b: {  	s9 =	sadd.s32 $0xFFFFFEF7, lr;
	s5 =	simm.s32 $0xFFFFFFFF;
	p2 =	slt.u32 s8, $0xFFFFF086  }
0x1c: {  	p1 =	slt.u32 s9, $0xF7A;
	s5 =	simm.s32 @!p2 $0x0  }
0x1d: {  	s5 =	simm.s32 @p1 $0x1;
	p0 =	seq.s32 s7, s2  }
0x1e: {  	s7 =	smul.u32 @!p0 $0xF7A, s2;
	p2 =	seq.s32 @!p0 s5, $0x0  }
0x1f: {  	s9 =	smul.u32 $0xF7A, s1;
	s8 =	simm.s32 @!p0 $0x1BF5;
	p2 =	por !p2, p0  }
0x20: {  	[sflag:s8] =	ssyncset.s32 @!p0 $0xFFFFF086;
	s6 =	sadd.s32 @!p0 s3, s7;
	s7 =	simm.s32 @!p0 $0x108  }
0x21: {  	s3 =	sadd.s32 s3, s9;
	s6 =	sadd.s32 @!p0 $0x88, s6;
	s7 =	simm.s32 @p2 $0x1082  }
0x22: {  	[simem:s7], [sflag:s8] =	dma.local @!p0 [hbm:s6], $0xF7A  }
0x23: {  	s9 =	sor.u32 $0xD0000000, s2;
	s6 =	simm.s32 $0x108;
	_ =	swait.ge @!p0 [sflag:s8], $0x0  }
0x24: {  	s3 =	sadd.s32 $0x88, s3;
	s6 =	simm.s32 @!p1 $0x1082;
	[sflag:s4] =	ssyncset.s32 $0xFFFFF086  }
0x25: {  	[simem:s6], [sflag:s4] =	dma.local [hbm:s3], $0xF7A  }
0x26: {  	[smem:$0x3F93] =	sst s1;
	(tag) =	ssettag s2;
	_ =	strace s9  }
0x27: {  	s1 =	sld [smem:$0x3FA3]  }
0x28: {  	s2 =	sld [smem:$0x3FA4]  }
0x29: {  	s4 =	sld [smem:$0x3FA6]  }
0x2a: {  	p0 =	seq.s32 s5, $0x0;
	s5 =	sld [smem:$0x3FA7]  }
0x2b: {  	s6 =	sld [smem:$0x3FA8]  }
0x2c: {  	s7 =	sld [smem:$0x3FA9]  }
0x2d: {  	s3 =	simm.s32 $0x108;
	s8 =	sld [smem:$0x3FAA]  }
0x2e: {  	s3 =	simm.s32 @!p0 $0x1082;
	s9 =	sld [smem:$0x3FAB]  }
0x2f: {  	lr =	sadd.s32 s0, s3;
	s0 =	sld [smem:$0x3FA2]  }
0x30: {  	s3 =	sld [smem:$0x3FA5]  }
0x31: {  	[smem:$0x3FAE] =	sst s10  }
0x32: {  	s10 =	sld [smem:$0x3FAC];
	_ =	sdelay $0x3  }
0x33: {  	p0 =	seq.s32 s10, $0x1;
	s10 =	sld [smem:$0x3FAE];
	_ =	sdelay $0x3  }
0x34: {  	[smem:$0x3FAE] =	sst s10  }
0x35: {  	s10 =	sld [smem:$0x3FAD];
	_ =	sdelay $0x3  }
0x36: {  	p1 =	seq.s32 s10, $0x1;
	s10 =	sld [smem:$0x3FAE];
	_ =	sdelay $0x3  }
0x37: {  	[smem:$0x3FAE] =	sst s10  }
0x38: {  	s10 =	sld [smem:$0x3FAF]  }
0x39: {  	_ = 	snop;
	(pc) =	sbr.ind lr, $3  }
0x3a: {  	_ = 	snop  }
0x3b: {  	_ = 	snop  }
0x3c: {  	p2 =	seq.s32 s10, $0x1;
	s10 =	sld [smem:$0x3FAE]  }
0x3d: {  	_ =	shalt  }
0x3e: {  	_ =	shalt  }
0x3f: {  	_ =	shalt  }
0x40: {  	_ =	shalt  }
0x41: {  	_ =	shalt  }
0x42: {  	_ =	shalt  }
0x43: {  	_ =	shalt  }
0x44: {  	_ =	shalt  }
0x45: {  	_ =	shalt  }
0x46: {  	_ =	shalt  }
0x47: {  	_ =	shalt  }
0x48: {  	_ =	shalt  }
0x49: {  	_ =	shalt  }
0x4a: {  	_ =	shalt  }
0x4b: {  	_ =	shalt  }
0x4c: {  	_ =	shalt  }
0x4d: {  	_ =	shalt  }
0x4e: {  	_ =	shalt  }
0x4f: {  	_ =	shalt  }
0x50: {  	_ =	shalt  }
0x51: {  	_ =	shalt  }
0x52: {  	_ =	shalt  }
0x53: {  	_ =	shalt  }
0x54: {  	_ =	shalt  }
0x55: {  	_ =	shalt  }
0x56: {  	_ =	shalt  }
0x57: {  	_ =	shalt  }
0x58: {  	_ =	shalt  }
0x59: {  	_ =	shalt  }
0x5a: {  	_ =	shalt  }
0x5b: {  	_ =	shalt  }
0x5c: {  	_ =	shalt  }
0x5d: {  	_ =	shalt  }
0x5e: {  	_ =	shalt  }
0x5f: {  	_ =	shalt  }
0x60: {  	_ =	shalt  }
0x61: {  	_ =	shalt  }
0x62: {  	_ =	shalt  }
0x63: {  	_ =	shalt  }
0x64: {  	_ =	shalt  }
0x65: {  	_ =	shalt  }
0x66: {  	_ =	shalt  }
0x67: {  	_ =	shalt  }
0x68: {  	_ =	shalt  }
0x69: {  	_ =	shalt  }
0x6a: {  	_ =	shalt  }
0x6b: {  	_ =	shalt  }
0x6c: {  	_ =	shalt  }
0x6d: {  	_ =	shalt  }
0x6e: {  	_ =	shalt  }
0x6f: {  	_ =	shalt  }
0x70: {  	_ =	shalt  }
0x71: {  	_ =	shalt  }
0x72: {  	_ =	shalt  }
0x73: {  	_ =	shalt  }
0x74: {  	_ =	shalt  }
0x75: {  	_ =	shalt  }
0x76: {  	_ =	shalt  }
0x77: {  	_ =	shalt  }
0x78: {  	_ =	shalt  }
0x79: {  	_ =	shalt  }
0x7a: {  	_ =	shalt  }
0x7b: {  	_ =	shalt  }
0x7c: {  	_ =	shalt  }
0x7d: {  	_ =	shalt  }
0x7e: {  	_ =	shalt  }
0x7f: {  	_ =	shalt  }
0x80: {  	_ =	shalt  }
0x81: {  	_ =	shalt  }
0x82: {  	_ =	shalt  }
0x83: {  	_ =	shalt  }
0x84: {  	_ =	shalt  }
0x85: {  	_ =	shalt  }
0x86: {  	_ =	shalt  }
0x87: {  	_ =	shalt  }
.Lfunc_end0:
.L_simem_size_0:
called_computation_lowered:
.L_overlay_start_0:
0x88: {  	s2 =	sld [smem:$0x3FD9]  }
0x89: {  	s3 =	sld [smem:$0x3FFE];
	_ =	sdelay $0x1  }
0x8a: {  	s1 =	srdreg.scid  }
0x8b: {  	s0 =	sand.u32 $0x1, s1  }
0x8c: {  	s17 =	sshll.u32 s0, $0xA;
	s2 =	sadd.s32 s3, s2  }
0x8d: {  	s2 =	sadd.s32 s2, s17  }
0x8e: {  	[smem:$0x3FBA] =	sst s2  }
0x8f: {  	_ = 	snop  }
0x90: {  	s2 =	sld [smem:$0x3FC5]  }
0x91: {  	s18 =	sld [smem:$0x3FD0];
	(tm) =	ssettm $0x1  }
0x92: {  	s4 =	sld [smem:$0x3FFB];
	_ =	sdelay $0x3  }
0x93: {  	_ =	strace s4  }
0x94: {  	s4 =	sld [smem:$0x3FFC];
	_ =	sdelay $0x3  }
0x95: {  	_ =	strace s4  }
0x96: {  	s4 =	sld [smem:$0x3FFD];
	_ =	sdelay $0x3  }
0x97: {  	_ =	strace s4  }
0x98: {  	_ =	strace $0x8FFFFFFF  }
0x99: {  	s19 =	sld [smem:$0x3FDB];
	_ =	sdelay $0x1  }
0x9a: {  	s5 =	simm.s32 $_scs_section_size  }
0x9b: {  	s6 =	simm.s32 $_size__tile_overlayer_lowered;
	s7 =	simm.s32 $_tile_overlayer_lowered  }
0x9c: {  	s22 =	simm.s32 $0x1BFF;
	s21 =	sshll.u32 s7, $0x1;
	s4 =	sadd.s32 s5, s19  }
0x9d: {  	s8 =	simm.s32 $0x0;
	s20 =	sshll.u32 s6, $0x1;
	s6 =	sadd.s32 s21, s4  }
0x9e: {  	[timem:s8], [sflag:s22] =	dma.local [hbm:s6], s20  }
0x9f: {  	_ =	swait.ge [sflag:s22], s20  }
0xa0: {  	s5 =	ssub.s32 $0x0, s20;
	[sflag:s22] =	ssyncset.done $0x0  }
0xa1: {  	[sflag:s22] =	ssyncadd.s32 s5;
	_ =	sdelay $0x1  }
0xa2: {  	s23 =	simm.s32 $0x1B8B  }
0xa3: {  	_ =	swait.ge [sflag:s23], $0x1  }
0xa4: {  	[sflag:s23] =	ssyncset.done $0x0  }
0xa5: {  	s25 =	simm.s32 $0x1B8E;
	s24 =	sld [smem:$0x3FFE];
	[sflag:s23] =	ssyncadd.s32 $0xFFFFFFFF  }
0xa6: {  	s26 =	simm.s32 $execute0_lowered;
	[smem:$0x3FD2] =	sst s25  }
0xa7: {  	s6 =	sshll.u32 s26, $0x1;
	_ =	strace $0x80000046;
	[dreg:$0x1] =	wrdreg $0xFFFFFFFF  }
0xa8: {  	s28 =	simm.s32 $_size_execute0_lowered;
	s4 =	sadd.s32 s4, s6;
	[dreg:$0x0] =	wrdreg $0x0  }
0xa9: {  	s6 =	sshll.u32 s28, $0x1;
	[dreg:$0x2] =	wrdreg s4  }
0xaa: {  	[dreg:$0x3] =	wrdreg s6  }
0xab: {  	[dreg:$0x4] =	wrdreg $0xC0  }
0xac: {  	_ =	task [dreg:s8], $0x5FFFF  }
0xad: {  	[dreg:$0x1] =	wrdreg $0xFFFFFFFF  }
0xae: {  	[dreg:$0x0] =	wrdreg $0x60  }
0xaf: {  	[dreg:$0x2] =	wrdreg s2  }
0xb0: {  	[dreg:$0x3] =	wrdreg s18  }
0xb1: {  	[dreg:$0x4] =	wrdreg s24  }
0xb2: {  	[dreg:$0x5] =	wrdreg $0x9  }
0xb3: {  	_ =	task.clear_ibuf [dreg:s8], $0x6FFFF;
	_ =	strace $0x90000046  }
0xb4: {  	s29 =	simm.s32 $0x9;
	_ =	strace $0x80000048  }
0xb5: {  	_ =	swait.ge [sflag:s29], $0x1  }
0xb6: {  	[sflag:s29] =	ssyncadd.s32 $0xFFFFFFFF  }
0xb7: {  	_ =	strace $0x90000048  }
0xb8: {  	_ =	sfence  }
0xb9: {  	s30 =	sld [smem:$0x0];
	_ =	sdelay $0x2  }
0xba: {  	s31 =	sshll.u32 s1, $0xD;
	s1 =	sshrl.u32 s1, $0x2  }
0xbb: {  	s3 =	sand.u32 $0x4000, s31;
	s1 =	sadd.s32 s1, s30  }
0xbc: {  	s0 =	sor.u32 s3, s0;
	s1 =	sshll.u32 s1, $0x11  }
0xbd: {  	s0 =	sor.u32 s1, s0  }
0xbe: {  	s0 =	sadd.s32 $0x8F2B, s0  }
0xbf: {  	[sflag:s0] =	ssyncadd.remote.s32 $0x1  }
0xc0: {  	_ =	sfence.sel $0xFFFF  }
0xc1: {  	[dreg:$0x0] =	wrdreg $0xFFFFFFFF;
	(pc) =	sbr.abs _section_cstart, $3  }
0xc2: {  	[dreg:$0x1] =	wrdreg $0xFFFFFFFF  }
0xc3: {  	_ =	task.clear_ibuf [dreg:s8], $0x2FFFF;
	_ =	strace $0x9FFFFFFF  }
0xc4: {  	(tm) =	ssettm $0x7FFFFFFF  }
0xc5: {  	_ =	shalt  }
tec
execute0_lowered:
.L_overlay_start_1:
0x0: {  	(tag) =	ssettag $0x1  }
0x1: {  	s3 =	rddreg [dreg:$0x1];
	s0 =	srdreg.scid  }
0x2: {  	s7 =	stileid.u32;
	s1 =	rddreg [dreg:$0x2];
	s4 =	simm.s32 $0x0  }
0x3: {  	s10 =	simm.s32 $0x2;
	s11 =	simm.s32 $0x80;
	s12 =	simm.s32 $0x100  }
0x4: {  	s14 =	simm.s32 $0x1;
	s15 =	simm.s32 $0x8100;
	s16 =	simm.s32 $0x8500  }
0x5: {  	s17 =	simm.s32 $0x8180;
	s18 =	simm.s32 $0x8D00;
	s19 =	simm.s32 $0x8200  }
0x6: {  	s20 =	simm.s32 $0x9500;
	s21 =	simm.s32 $0x8280;
	s22 =	simm.s32 $0x9D00  }
0x7: {  	s23 =	simm.s32 $0x8300;
	s28 =	simm.s32 $0x8400;
	s29 =	simm.s32 $0xB500  }
0x8: {  	s30 =	simm.s32 $0x8480;
	s31 =	simm.s32 $0xBD00;
	s0 =	sand.u32 $0x1, s0  }
0x9: {  	s2 =	sshll.u32 s7, $0x1;
	[smem:$0x7FF] =	sst s4;
	s6 =	sshll.u32 s7, $0xB  }
0xa: {  	s7 =	sshll.u32 s7, $0xF;
	s2 =	sor.u32 s0, s2;
	_ =	strace $0x80000047  }
0xb: {  	s8 =	sadd.s32 s6, s1;
	s24 =	ssub.s32 $0x2, s0;
	s26 =	sshll.u32 s0, $0xE  }
0xc: {  	s0 =	sshll.u32 s0, $0xA;
	s5 =	sshll.u32 s2, $0x5;
	s2 =	sshll.u32 s2, $0xC  }
0xd: {  	s9 =	sshrl.u32 s24, $0x1;
	s0 =	sadd.s32 s0, s8;
	s5 =	sadd.s32 s5, s1  }
0xe: {  	s2 =	sadd.s32 s2, s1;
	s1 =	sadd.s32 s7, s1;
	s25 =	ssub.s32 s24, s9  }
0xf: {  	s9 =	sadd.s32 $0x7E00, s0;
	s24 =	simm.s32 $0xA500;
	s5 =	sadd.s32 $0xFE00, s5  }
0x10: {  	s2 =	sadd.s32 $0x90200, s2;
	s7 =	smax.u32 s25, $0x1;
	s1 =	sadd.s32 s26, s1  }
0x11: {  	s25 =	simm.s32 $0x8380;
	s26 =	simm.s32 $0xAD00;
	[dreg:$0x4] =	wrdreg s5  }
0x12: {  	[dreg:$0x5] =	wrdreg s2;
	s8 =	sadd.s32 $0x10200, s1;
	s2 =	simm.s32 $0x0  }
.LBB2_1:
0x13: {  	s0 =	rddreg [dreg:$0x4]  }
0x14: {  	[tilespmem:s4], [sflag:$0x2] =	stream.linear.gather [hbm4b:s0+s4], $0x100, $0x38;
	[tilespmem:$0xC500] =	vst v63  }
0x15: {  	_ =	swait.ge [sflag:s10], $0x100  }
0x16: {  	[sflag:s10] =	ssyncset.done $0x0  }
0x17: {  	[sflag:s10] =	ssyncadd.s32 $0xFFFFFF00  }
0x18: {  	s5 =	rddreg [dreg:$0x0]  }
0x19: {  	[tilespmem:s12], [sflag:$0x1] =	stream.indirect.gather [hbm4b:s5+s11], $0x80, s4, s11, $0xb8;
	[tilespmem:$0xC500] =	vst v63  }
0x1a: {  	s1 =	simm.s32 $0x4100  }
0x1b: {  	[tilespmem:s1], [sflag:$0x1] =	stream.indirect.gather [hbm4b:s5+s11], $0x80, s11, s11, $0xb8;
	[tilespmem:$0xC500] =	vst v63  }
0x1c: {  	_ =	swait.ge [sflag:s14], $0x4000  }
0x1d: {  	[sflag:s14] =	ssyncset.done $0x0  }
0x1e: {  	[sflag:s14] =	ssyncadd.s32 $0xFFFFC000  }
0x1f: {  	_ =	swait.ge [sflag:s14], $0x4000  }
0x20: {  	[sflag:s14] =	ssyncset.done $0x0  }
0x21: {  	s6 =	rddreg [dreg:$0x5];
	[sflag:s14] =	ssyncadd.s32 $0xFFFFC000  }
0x22: {  	[hbm4b:s6+s4] =	stream.linear.scatter [tilespmem:s12], [sflag:$0x2], $0x8000, $0x38;
	[tilespmem:$0xC500] =	vst v63  }
0x23: {  	_ =	swait.ge [sflag:s10], $0x8000  }
0x24: {  	[sflag:s10] =	ssyncset.done $0x0  }
0x25: {  	s13 =	sadd.s32 $0x0, s9;
	[sflag:s10] =	ssyncadd.s32 $0xFFFF8000  }
0x26: {  	[tilespmem:s15], [sflag:$0x2] =	stream.linear.gather [hbm4b:s13+s4], $0x400, $0x38;
	[tilespmem:$0xC500] =	vst v63  }
0x27: {  	_ =	swait.ge [sflag:s10], $0x400  }
0x28: {  	[sflag:s10] =	ssyncset.done $0x0  }
0x29: {  	[sflag:s10] =	ssyncadd.s32 $0xFFFFFC00  }
0x2a: {  	[tilespmem:s16], [sflag:$0x1] =	stream.indirect.gather [hbm4b:s3+s11], $0x10, s15, s11, $0xb8;
	[tilespmem:$0xC500] =	vst v63  }
0x2b: {  	_ = 	snop  }
0x2c: {  	[tilespmem:s18], [sflag:$0x1] =	stream.indirect.gather [hbm4b:s3+s11], $0x10, s17, s11, $0xb8;
	[tilespmem:$0xC500] =	vst v63  }
0x2d: {  	_ = 	snop  }
0x2e: {  	[tilespmem:s20], [sflag:$0x1] =	stream.indirect.gather [hbm4b:s3+s11], $0x10, s19, s11, $0xb8;
	[tilespmem:$0xC500] =	vst v63  }
0x2f: {  	_ = 	snop  }
0x30: {  	[tilespmem:s22], [sflag:$0x1] =	stream.indirect.gather [hbm4b:s3+s11], $0x10, s21, s11, $0xb8;
	[tilespmem:$0xC500] =	vst v63  }
0x31: {  	_ = 	snop  }
0x32: {  	[tilespmem:s24], [sflag:$0x1] =	stream.indirect.gather [hbm4b:s3+s11], $0x10, s23, s11, $0xb8;
	[tilespmem:$0xC500] =	vst v63  }
0x33: {  	_ = 	snop  }
0x34: {  	[tilespmem:s26], [sflag:$0x1] =	stream.indirect.gather [hbm4b:s3+s11], $0x10, s25, s11, $0xb8;
	[tilespmem:$0xC500] =	vst v63  }
0x35: {  	_ = 	snop  }
0x36: {  	[tilespmem:s29], [sflag:$0x1] =	stream.indirect.gather [hbm4b:s3+s11], $0x10, s28, s11, $0xb8;
	[tilespmem:$0xC500] =	vst v63  }
0x37: {  	_ = 	snop  }
0x38: {  	[tilespmem:s31], [sflag:$0x1] =	stream.indirect.gather [hbm4b:s3+s11], $0x10, s30, s11, $0xb8;
	[tilespmem:$0xC500] =	vst v63  }
0x39: {  	_ =	swait.ge [sflag:s14], $0x800  }
0x3a: {  	[sflag:s14] =	ssyncset.done $0x0  }
0x3b: {  	[sflag:s14] =	ssyncadd.s32 $0xFFFFF800  }
0x3c: {  	_ =	swait.ge [sflag:s14], $0x800  }
0x3d: {  	[sflag:s14] =	ssyncset.done $0x0  }
0x3e: {  	[sflag:s14] =	ssyncadd.s32 $0xFFFFF800  }
0x3f: {  	_ =	swait.ge [sflag:s14], $0x800  }
0x40: {  	[sflag:s14] =	ssyncset.done $0x0  }
0x41: {  	[sflag:s14] =	ssyncadd.s32 $0xFFFFF800  }
0x42: {  	_ =	swait.ge [sflag:s14], $0x800  }
0x43: {  	[sflag:s14] =	ssyncset.done $0x0  }
0x44: {  	[sflag:s14] =	ssyncadd.s32 $0xFFFFF800  }
0x45: {  	_ =	swait.ge [sflag:s14], $0x800  }
0x46: {  	[sflag:s14] =	ssyncset.done $0x0  }
0x47: {  	[sflag:s14] =	ssyncadd.s32 $0xFFFFF800  }
0x48: {  	_ =	swait.ge [sflag:s14], $0x800  }
0x49: {  	[sflag:s14] =	ssyncset.done $0x0  }
0x4a: {  	[sflag:s14] =	ssyncadd.s32 $0xFFFFF800  }
0x4b: {  	_ =	swait.ge [sflag:s14], $0x800  }
0x4c: {  	[sflag:s14] =	ssyncset.done $0x0  }
0x4d: {  	[sflag:s14] =	ssyncadd.s32 $0xFFFFF800  }
0x4e: {  	_ =	swait.ge [sflag:s14], $0x800  }
0x4f: {  	[sflag:s14] =	ssyncset.done $0x0  }
0x50: {  	[sflag:s14] =	ssyncadd.s32 $0xFFFFF800  }
0x51: {  	[hbm4b:s8+s4] =	stream.linear.scatter [tilespmem:s16], [sflag:$0x2], $0x4000, $0x38;
	[tilespmem:$0xC500] =	vst v63  }
0x52: {  	s0 =	sadd.s32 $0x800, s8;
	_ =	swait.ge [sflag:s10], $0x4000  }
0x53: {  	s1 =	simm.s32 $0x100;
	s13 =	simm.s32 $0x80;
	[sflag:s10] =	ssyncset.done $0x0  }
.LBB2_2:
0x54: {  	s6 =	sadd.s32 s13, s9  }
0x55: {  	[sflag:s10] =	ssyncadd.s32 $0xFFFFC000;
	s13 =	smov.u32 s1;
	s5 =	sadd.s32 $0x80, s1  }
0x56: {  	[tilespmem:s15], [sflag:$0x2] =	stream.linear.gather [hbm4b:s6+s4], $0x400, $0x38;
	[tilespmem:$0xC500] =	vst v63  }
0x57: {  	p0 =	sne.s32 s1, $0x380;
	_ =	swait.ge [sflag:s10], $0x400  }
0x58: {  	[sflag:s10] =	ssyncset.done $0x0  }
0x59: {  	[sflag:s10] =	ssyncadd.s32 $0xFFFFFC00  }
0x5a: {  	[tilespmem:s16], [sflag:$0x1] =	stream.indirect.gather [hbm4b:s3+s11], $0x10, s15, s11, $0xb8;
	[tilespmem:$0xC500] =	vst v63  }
0x5b: {  	_ = 	snop  }
0x5c: {  	[tilespmem:s18], [sflag:$0x1] =	stream.indirect.gather [hbm4b:s3+s11], $0x10, s17, s11, $0xb8;
	[tilespmem:$0xC500] =	vst v63  }
0x5d: {  	_ = 	snop  }
0x5e: {  	[tilespmem:s20], [sflag:$0x1] =	stream.indirect.gather [hbm4b:s3+s11], $0x10, s19, s11, $0xb8;
	[tilespmem:$0xC500] =	vst v63  }
0x5f: {  	_ = 	snop  }
0x60: {  	[tilespmem:s22], [sflag:$0x1] =	stream.indirect.gather [hbm4b:s3+s11], $0x10, s21, s11, $0xb8;
	[tilespmem:$0xC500] =	vst v63  }
0x61: {  	_ = 	snop  }
0x62: {  	[tilespmem:s24], [sflag:$0x1] =	stream.indirect.gather [hbm4b:s3+s11], $0x10, s23, s11, $0xb8;
	[tilespmem:$0xC500] =	vst v63  }
0x63: {  	_ = 	snop  }
0x64: {  	[tilespmem:s26], [sflag:$0x1] =	stream.indirect.gather [hbm4b:s3+s11], $0x10, s25, s11, $0xb8;
	[tilespmem:$0xC500] =	vst v63  }
0x65: {  	_ = 	snop  }
0x66: {  	[tilespmem:s29], [sflag:$0x1] =	stream.indirect.gather [hbm4b:s3+s11], $0x10, s28, s11, $0xb8;
	[tilespmem:$0xC500] =	vst v63  }
0x67: {  	_ = 	snop  }
0x68: {  	[tilespmem:s31], [sflag:$0x1] =	stream.indirect.gather [hbm4b:s3+s11], $0x10, s30, s11, $0xb8;
	[tilespmem:$0xC500] =	vst v63  }
0x69: {  	_ =	swait.ge [sflag:s14], $0x800  }
0x6a: {  	[sflag:s14] =	ssyncset.done $0x0  }
0x6b: {  	[sflag:s14] =	ssyncadd.s32 $0xFFFFF800  }
0x6c: {  	_ =	swait.ge [sflag:s14], $0x800  }
0x6d: {  	[sflag:s14] =	ssyncset.done $0x0  }
0x6e: {  	[sflag:s14] =	ssyncadd.s32 $0xFFFFF800  }
0x6f: {  	_ =	swait.ge [sflag:s14], $0x800  }
0x70: {  	[sflag:s14] =	ssyncset.done $0x0  }
0x71: {  	[sflag:s14] =	ssyncadd.s32 $0xFFFFF800  }
0x72: {  	_ =	swait.ge [sflag:s14], $0x800  }
0x73: {  	[sflag:s14] =	ssyncset.done $0x0  }
0x74: {  	[sflag:s14] =	ssyncadd.s32 $0xFFFFF800  }
0x75: {  	_ =	swait.ge [sflag:s14], $0x800  }
0x76: {  	[sflag:s14] =	ssyncset.done $0x0  }
0x77: {  	[sflag:s14] =	ssyncadd.s32 $0xFFFFF800  }
0x78: {  	_ =	swait.ge [sflag:s14], $0x800  }
0x79: {  	[sflag:s14] =	ssyncset.done $0x0  }
0x7a: {  	[sflag:s14] =	ssyncadd.s32 $0xFFFFF800  }
0x7b: {  	_ =	swait.ge [sflag:s14], $0x800  }
0x7c: {  	[sflag:s14] =	ssyncset.done $0x0  }
0x7d: {  	[sflag:s14] =	ssyncadd.s32 $0xFFFFF800  }
0x7e: {  	_ =	swait.ge [sflag:s14], $0x800  }
.Ltmp0:
0x7f: {  	[sflag:s14] =	ssyncset.done $0x0;
	(pc) =	sbr.rel @p0 .LBB2_2-.Ltmp0, $4  }
0x80: {  	[sflag:s14] =	ssyncadd.s32 $0xFFFFF800  }
0x81: {  	[hbm4b:s0+s4] =	stream.linear.scatter [tilespmem:s16], [sflag:$0x2], $0x4000, $0x38;
	[tilespmem:$0xC500] =	vst v63  }
0x82: {  	_ =	swait.ge [sflag:s10], $0x4000  }
0x83: {  	s1 =	smov.u32 s5;
	s0 =	sadd.s32 $0x800, s0;
	[sflag:s10] =	ssyncset.done $0x0  }
0x84: {  	s1 =	sadd.s32 s13, s9;
	[sflag:s10] =	ssyncadd.s32 $0xFFFFC000  }
0x85: {  	[tilespmem:s15], [sflag:$0x2] =	stream.linear.gather [hbm4b:s1+s4], $0x400, $0x38;
	[tilespmem:$0xC500] =	vst v63  }
0x86: {  	_ =	swait.ge [sflag:s10], $0x400  }
0x87: {  	[sflag:s10] =	ssyncset.done $0x0  }
0x88: {  	[sflag:s10] =	ssyncadd.s32 $0xFFFFFC00  }
0x89: {  	[tilespmem:s16], [sflag:$0x1] =	stream.indirect.gather [hbm4b:s3+s11], $0x10, s15, s11, $0xb8;
	[tilespmem:$0xC500] =	vst v63  }
0x8a: {  	_ = 	snop  }
0x8b: {  	[tilespmem:s18], [sflag:$0x1] =	stream.indirect.gather [hbm4b:s3+s11], $0x10, s17, s11, $0xb8;
	[tilespmem:$0xC500] =	vst v63  }
0x8c: {  	_ = 	snop  }
0x8d: {  	[tilespmem:s20], [sflag:$0x1] =	stream.indirect.gather [hbm4b:s3+s11], $0x10, s19, s11, $0xb8;
	[tilespmem:$0xC500] =	vst v63  }
0x8e: {  	_ = 	snop  }
0x8f: {  	[tilespmem:s22], [sflag:$0x1] =	stream.indirect.gather [hbm4b:s3+s11], $0x10, s21, s11, $0xb8;
	[tilespmem:$0xC500] =	vst v63  }
0x90: {  	_ = 	snop  }
0x91: {  	[tilespmem:s24], [sflag:$0x1] =	stream.indirect.gather [hbm4b:s3+s11], $0x10, s23, s11, $0xb8;
	[tilespmem:$0xC500] =	vst v63  }
0x92: {  	_ = 	snop  }
0x93: {  	[tilespmem:s26], [sflag:$0x1] =	stream.indirect.gather [hbm4b:s3+s11], $0x10, s25, s11, $0xb8;
	[tilespmem:$0xC500] =	vst v63  }
0x94: {  	_ = 	snop  }
0x95: {  	[tilespmem:s29], [sflag:$0x1] =	stream.indirect.gather [hbm4b:s3+s11], $0x10, s28, s11, $0xb8;
	[tilespmem:$0xC500] =	vst v63  }
0x96: {  	_ = 	snop  }
0x97: {  	[tilespmem:s31], [sflag:$0x1] =	stream.indirect.gather [hbm4b:s3+s11], $0x10, s30, s11, $0xb8;
	[tilespmem:$0xC500] =	vst v63  }
0x98: {  	_ =	swait.ge [sflag:s14], $0x800  }
0x99: {  	[sflag:s14] =	ssyncset.done $0x0  }
0x9a: {  	[sflag:s14] =	ssyncadd.s32 $0xFFFFF800  }
0x9b: {  	_ =	swait.ge [sflag:s14], $0x800  }
0x9c: {  	[sflag:s14] =	ssyncset.done $0x0  }
0x9d: {  	[sflag:s14] =	ssyncadd.s32 $0xFFFFF800  }
0x9e: {  	_ =	swait.ge [sflag:s14], $0x800  }
0x9f: {  	[sflag:s14] =	ssyncset.done $0x0  }
0xa0: {  	[sflag:s14] =	ssyncadd.s32 $0xFFFFF800  }
0xa1: {  	_ =	swait.ge [sflag:s14], $0x800  }
0xa2: {  	[sflag:s14] =	ssyncset.done $0x0  }
0xa3: {  	[sflag:s14] =	ssyncadd.s32 $0xFFFFF800  }
0xa4: {  	_ =	swait.ge [sflag:s14], $0x800  }
0xa5: {  	[sflag:s14] =	ssyncset.done $0x0  }
0xa6: {  	[sflag:s14] =	ssyncadd.s32 $0xFFFFF800  }
0xa7: {  	_ =	swait.ge [sflag:s14], $0x800  }
0xa8: {  	[sflag:s14] =	ssyncset.done $0x0  }
0xa9: {  	[sflag:s14] =	ssyncadd.s32 $0xFFFFF800  }
0xaa: {  	_ =	swait.ge [sflag:s14], $0x800  }
0xab: {  	[sflag:s14] =	ssyncset.done $0x0  }
0xac: {  	[sflag:s14] =	ssyncadd.s32 $0xFFFFF800  }
0xad: {  	s2 =	sadd.s32 $0x1, s2;
	_ =	swait.ge [sflag:s14], $0x800  }
0xae: {  	p0 =	sne.s32 s2, s7;
	[sflag:s14] =	ssyncset.done $0x0  }
.Ltmp1:
0xaf: {  	[sflag:s14] =	ssyncadd.s32 $0xFFFFF800;
	(pc) =	sbr.rel @p0 .LBB2_1-.Ltmp1, $4  }
0xb0: {  	[hbm4b:s0+s4] =	stream.linear.scatter [tilespmem:s16], [sflag:$0x2], $0x4000, $0x38;
	[tilespmem:$0xC500] =	vst v63  }
0xb1: {  	_ =	swait.ge [sflag:s10], $0x4000  }
0xb2: {  	[sflag:s10] =	ssyncset.done $0x0  }
0xb3: {  	[sflag:s10] =	ssyncadd.s32 $0xFFFFC000  }
0xb4: {  	_ =	sfence.sel $0x180000  }
0xb5: {  	[bflag:$0x0] =	sbarrier.arrive $0xFFFF  }
0xb6: {  	_ =	strace $0x90000047  }
0xb7: {  	s0 =	stileid.u32;
	[bflag:$0x2] =	sbarrier.arrive $0xFFFF  }
0xb8: {  	p0 =	sne.s32 s0, $0x0;
	s0 =	rddreg [dreg:$0x3]  }
0xb9: {  	s0 =	sadd.s32 @!p0 $0x100000, s0  }
0xba: {  	[sflag:s0] =	ssyncadd.tile.s32 @!p0 $0x1;
	_ =	shalt  }
.Lfunc_end2:
_tile_overlayer_lowered:
.L_overlay_start_2:
0xbb: {  	(tag) =	ssettag $0x2  }
0xbc: {  	s0 =	rddreg [dreg:$0x0];
	s2 =	stileid.u32  }
0xbd: {  	s1 =	rddreg [dreg:$0x1];
	p0 =	sne.s32 s2, $0x0  }
0xbe: {  	s3 =	rddreg [dreg:$0x2];
	[bflag:$0x3] =	sbarrier.arrive $0xFFFF;
	s2 =	simm.s32 @!p0 $0x1C02  }
0xbf: {  	[timem:s3], [sflag:s2] =	dma.local @!p0 [hbm:s0], s1  }
0xc0: {  	s0 =	simm.s32 @!p0 $0x2  }
0xc1: {  	_ =	swait.ge @!p0 [sflag:s0], s1  }
0xc2: {  	s1 =	ssub.s32 @!p0 $0x0, s1;
	[sflag:s0] =	ssyncset.done @!p0 $0x0  }
0xc3: {  	[sflag:s0] =	ssyncadd.s32 @!p0 s1  }
0xc4: {  	[bflag:$0x3] =	sbarrier.arrive $0xFFFF  }
0xc5: {  	_ =	shalt  }

// kernel: kernel.13.cloned.1.call-start
scs
__scs_entry_jumppad:
0x0: {  	(pc) =	sbr.rel $0x88, $3  }
0x1: {  	(tag) =	ssettag $0x0;
	lr =	simm.s32 $0x1  }
0x2: {  	[smem:$0x3F93] =	sst lr;
	_ =	strace $0xD0000000  }
0x3: {  	_ = 	snop  }
0x4: {  	_ = 	snop  }
0x5: {  	_ = 	snop  }
0x6: {  	_ = 	snop  }
0x7: {  	_ = 	snop  }
__scs_overlays_trampoline_lowered:
0x8: {  	[smem:$0x3FA2] =	sst s0  }
0x9: {  	[smem:$0x3FA3] =	sst s1  }
0xa: {  	[smem:$0x3FA4] =	sst s2  }
0xb: {  	[smem:$0x3FA5] =	sst s3  }
0xc: {  	[smem:$0x3FA6] =	sst s4  }
0xd: {  	[smem:$0x3FA7] =	sst s5  }
0xe: {  	[smem:$0x3FA8] =	sst s6  }
0xf: {  	[smem:$0x3FA9] =	sst s7  }
0x10: {  	[smem:$0x3FAA] =	sst s8  }
0x11: {  	[smem:$0x3FAB] =	sst s9;
	s0 =	simm.s32 @!p0 $0x0  }
0x12: {  	s1 =	sld [smem:$0x3F91];
	s0 =	simm.s32 @p0 $0x1  }
0x13: {  	[smem:$0x3FAC] =	sst s0;
	s0 =	simm.s32 @!p1 $0x0  }
0x14: {  	s2 =	sld [smem:$0x3F90];
	s0 =	simm.s32 @p1 $0x1  }
0x15: {  	[smem:$0x3FAD] =	sst s0;
	s0 =	simm.s32 @!p2 $0x0  }
0x16: {  	s3 =	sld [smem:$0x3FDB];
	s0 =	simm.s32 @p2 $0x1  }
0x17: {  	s4 =	simm.s32 $0x1BF5;
	[smem:$0x3FAF] =	sst s0  }
0x18: {  	s0 =	sld [smem:$0x3F92];
	_ =	swait.ge [sflag:s4], $0x0  }
0x19: {  	s7 =	sld [smem:$0x3F93]  }
0x1a: {  	s8 =	sadd.s32 $0xFFFFE003, lr  }
0x1b: {  	s9 =	sadd.s32 $0xFFFFFEF7, lr;
	s5 =	simm.s32 $0xFFFFFFFF;
	p2 =	slt.u32 s8, $0xFFFFF086  }
0x1c: {  	p1 =	slt.u32 s9, $0xF7A;
	s5 =	simm.s32 @!p2 $0x0  }
0x1d: {  	s5 =	simm.s32 @p1 $0x1;
	p0 =	seq.s32 s7, s2  }
0x1e: {  	s7 =	smul.u32 @!p0 $0xF7A, s2;
	p2 =	seq.s32 @!p0 s5, $0x0  }
0x1f: {  	s9 =	smul.u32 $0xF7A, s1;
	s8 =	simm.s32 @!p0 $0x1BF5;
	p2 =	por !p2, p0  }
0x20: {  	[sflag:s8] =	ssyncset.s32 @!p0 $0xFFFFF086;
	s6 =	sadd.s32 @!p0 s3, s7;
	s7 =	simm.s32 @!p0 $0x108  }
0x21: {  	s3 =	sadd.s32 s3, s9;
	s6 =	sadd.s32 @!p0 $0x88, s6;
	s7 =	simm.s32 @p2 $0x1082  }
0x22: {  	[simem:s7], [sflag:s8] =	dma.local @!p0 [hbm:s6], $0xF7A  }
0x23: {  	s9 =	sor.u32 $0xD0000000, s2;
	s6 =	simm.s32 $0x108;
	_ =	swait.ge @!p0 [sflag:s8], $0x0  }
0x24: {  	s3 =	sadd.s32 $0x88, s3;
	s6 =	simm.s32 @!p1 $0x1082;
	[sflag:s4] =	ssyncset.s32 $0xFFFFF086  }
0x25: {  	[simem:s6], [sflag:s4] =	dma.local [hbm:s3], $0xF7A  }
0x26: {  	[smem:$0x3F93] =	sst s1;
	(tag) =	ssettag s2;
	_ =	strace s9  }
0x27: {  	s1 =	sld [smem:$0x3FA3]  }
0x28: {  	s2 =	sld [smem:$0x3FA4]  }
0x29: {  	s4 =	sld [smem:$0x3FA6]  }
0x2a: {  	p0 =	seq.s32 s5, $0x0;
	s5 =	sld [smem:$0x3FA7]  }
0x2b: {  	s6 =	sld [smem:$0x3FA8]  }
0x2c: {  	s7 =	sld [smem:$0x3FA9]  }
0x2d: {  	s3 =	simm.s32 $0x108;
	s8 =	sld [smem:$0x3FAA]  }
0x2e: {  	s3 =	simm.s32 @!p0 $0x1082;
	s9 =	sld [smem:$0x3FAB]  }
0x2f: {  	lr =	sadd.s32 s0, s3;
	s0 =	sld [smem:$0x3FA2]  }
0x30: {  	s3 =	sld [smem:$0x3FA5]  }
0x31: {  	[smem:$0x3FAE] =	sst s10  }
0x32: {  	s10 =	sld [smem:$0x3FAC];
	_ =	sdelay $0x3  }
0x33: {  	p0 =	seq.s32 s10, $0x1;
	s10 =	sld [smem:$0x3FAE];
	_ =	sdelay $0x3  }
0x34: {  	[smem:$0x3FAE] =	sst s10  }
0x35: {  	s10 =	sld [smem:$0x3FAD];
	_ =	sdelay $0x3  }
0x36: {  	p1 =	seq.s32 s10, $0x1;
	s10 =	sld [smem:$0x3FAE];
	_ =	sdelay $0x3  }
0x37: {  	[smem:$0x3FAE] =	sst s10  }
0x38: {  	s10 =	sld [smem:$0x3FAF]  }
0x39: {  	_ = 	snop;
	(pc) =	sbr.ind lr, $3  }
0x3a: {  	_ = 	snop  }
0x3b: {  	_ = 	snop  }
0x3c: {  	p2 =	seq.s32 s10, $0x1;
	s10 =	sld [smem:$0x3FAE]  }
0x3d: {  	_ =	shalt  }
0x3e: {  	_ =	shalt  }
0x3f: {  	_ =	shalt  }
0x40: {  	_ =	shalt  }
0x41: {  	_ =	shalt  }
0x42: {  	_ =	shalt  }
0x43: {  	_ =	shalt  }
0x44: {  	_ =	shalt  }
0x45: {  	_ =	shalt  }
0x46: {  	_ =	shalt  }
0x47: {  	_ =	shalt  }
0x48: {  	_ =	shalt  }
0x49: {  	_ =	shalt  }
0x4a: {  	_ =	shalt  }
0x4b: {  	_ =	shalt  }
0x4c: {  	_ =	shalt  }
0x4d: {  	_ =	shalt  }
0x4e: {  	_ =	shalt  }
0x4f: {  	_ =	shalt  }
0x50: {  	_ =	shalt  }
0x51: {  	_ =	shalt  }
0x52: {  	_ =	shalt  }
0x53: {  	_ =	shalt  }
0x54: {  	_ =	shalt  }
0x55: {  	_ =	shalt  }
0x56: {  	_ =	shalt  }
0x57: {  	_ =	shalt  }
0x58: {  	_ =	shalt  }
0x59: {  	_ =	shalt  }
0x5a: {  	_ =	shalt  }
0x5b: {  	_ =	shalt  }
0x5c: {  	_ =	shalt  }
0x5d: {  	_ =	shalt  }
0x5e: {  	_ =	shalt  }
0x5f: {  	_ =	shalt  }
0x60: {  	_ =	shalt  }
0x61: {  	_ =	shalt  }
0x62: {  	_ =	shalt  }
0x63: {  	_ =	shalt  }
0x64: {  	_ =	shalt  }
0x65: {  	_ =	shalt  }
0x66: {  	_ =	shalt  }
0x67: {  	_ =	shalt  }
0x68: {  	_ =	shalt  }
0x69: {  	_ =	shalt  }
0x6a: {  	_ =	shalt  }
0x6b: {  	_ =	shalt  }
0x6c: {  	_ =	shalt  }
0x6d: {  	_ =	shalt  }
0x6e: {  	_ =	shalt  }
0x6f: {  	_ =	shalt  }
0x70: {  	_ =	shalt  }
0x71: {  	_ =	shalt  }
0x72: {  	_ =	shalt  }
0x73: {  	_ =	shalt  }
0x74: {  	_ =	shalt  }
0x75: {  	_ =	shalt  }
0x76: {  	_ =	shalt  }
0x77: {  	_ =	shalt  }
0x78: {  	_ =	shalt  }
0x79: {  	_ =	shalt  }
0x7a: {  	_ =	shalt  }
0x7b: {  	_ =	shalt  }
0x7c: {  	_ =	shalt  }
0x7d: {  	_ =	shalt  }
0x7e: {  	_ =	shalt  }
0x7f: {  	_ =	shalt  }
0x80: {  	_ =	shalt  }
0x81: {  	_ =	shalt  }
0x82: {  	_ =	shalt  }
0x83: {  	_ =	shalt  }
0x84: {  	_ =	shalt  }
0x85: {  	_ =	shalt  }
0x86: {  	_ =	shalt  }
0x87: {  	_ =	shalt  }
.Lfunc_end0:
.L_simem_size_0:
called_computation.1_lowered:
.L_overlay_start_0:
0x88: {  	s2 =	sld [smem:$0x3FD9]  }
0x89: {  	s3 =	sld [smem:$0x3FFE];
	_ =	sdelay $0x1  }
0x8a: {  	s1 =	srdreg.scid  }
0x8b: {  	s0 =	sand.u32 $0x1, s1  }
0x8c: {  	s17 =	sshll.u32 s0, $0xA;
	s2 =	sadd.s32 s3, s2  }
0x8d: {  	s2 =	sadd.s32 s2, s17  }
0x8e: {  	[smem:$0x3FBA] =	sst s2  }
0x8f: {  	_ = 	snop  }
0x90: {  	s2 =	sld [smem:$0x3FD0];
	(tm) =	ssettm $0x1  }
0x91: {  	s18 =	sld [smem:$0x3FFB];
	_ =	sdelay $0x3  }
0x92: {  	_ =	strace s18  }
0x93: {  	s3 =	sld [smem:$0x3FFC];
	_ =	sdelay $0x3  }
0x94: {  	_ =	strace s3  }
0x95: {  	s3 =	sld [smem:$0x3FFD];
	_ =	sdelay $0x3  }
0x96: {  	_ =	strace s3  }
0x97: {  	_ =	strace $0x8FFFFFFF  }
0x98: {  	s19 =	sld [smem:$0x3FDB];
	_ =	sdelay $0x1  }
0x99: {  	s4 =	simm.s32 $_scs_section_size  }
0x9a: {  	s5 =	simm.s32 $_size__tile_overlayer_lowered;
	s6 =	simm.s32 $_tile_overlayer_lowered  }
0x9b: {  	s22 =	simm.s32 $0x1BFF;
	s21 =	sshll.u32 s6, $0x1;
	s3 =	sadd.s32 s4, s19  }
0x9c: {  	s7 =	simm.s32 $0x0;
	s20 =	sshll.u32 s5, $0x1;
	s5 =	sadd.s32 s21, s3  }
0x9d: {  	[timem:s7], [sflag:s22] =	dma.local [hbm:s5], s20  }
0x9e: {  	_ =	swait.ge [sflag:s22], s20  }
0x9f: {  	s4 =	ssub.s32 $0x0, s20;
	[sflag:s22] =	ssyncset.done $0x0  }
0xa0: {  	[sflag:s22] =	ssyncadd.s32 s4;
	_ =	sdelay $0x1  }
0xa1: {  	s23 =	simm.s32 $0x1B8B  }
0xa2: {  	_ =	swait.ge [sflag:s23], $0x1  }
0xa3: {  	[sflag:s23] =	ssyncset.done $0x0  }
0xa4: {  	s25 =	simm.s32 $0x1B8E;
	s24 =	sld [smem:$0x3FFE];
	[sflag:s23] =	ssyncadd.s32 $0xFFFFFFFF  }
0xa5: {  	s26 =	simm.s32 $execute0_lowered;
	[smem:$0x3FD2] =	sst s25  }
0xa6: {  	s5 =	sshll.u32 s26, $0x1;
	_ =	strace $0x80000049;
	[dreg:$0x1] =	wrdreg $0xFFFFFFFF  }
0xa7: {  	s28 =	simm.s32 $_size_execute0_lowered;
	s3 =	sadd.s32 s3, s5;
	[dreg:$0x0] =	wrdreg $0x0  }
0xa8: {  	s5 =	sshll.u32 s28, $0x1;
	[dreg:$0x2] =	wrdreg s3  }
0xa9: {  	[dreg:$0x3] =	wrdreg s5  }
0xaa: {  	[dreg:$0x4] =	wrdreg $0xC0  }
0xab: {  	_ =	task [dreg:s7], $0x5FFFF  }
0xac: {  	[dreg:$0x1] =	wrdreg $0xFFFFFFFF  }
0xad: {  	[dreg:$0x0] =	wrdreg $0x60  }
0xae: {  	[dreg:$0x2] =	wrdreg s2  }
0xaf: {  	[dreg:$0x3] =	wrdreg s24  }
0xb0: {  	[dreg:$0x4] =	wrdreg $0x9  }
0xb1: {  	_ =	task.clear_ibuf [dreg:s7], $0x5FFFF;
	_ =	strace $0x90000049  }
0xb2: {  	s29 =	simm.s32 $0x9;
	_ =	strace $0x8000004B  }
0xb3: {  	_ =	swait.ge [sflag:s29], $0x1  }
0xb4: {  	[sflag:s29] =	ssyncadd.s32 $0xFFFFFFFF  }
0xb5: {  	_ =	strace $0x9000004B  }
0xb6: {  	_ =	sfence  }
0xb7: {  	s30 =	sld [smem:$0x0];
	_ =	sdelay $0x2  }
0xb8: {  	s31 =	sshll.u32 s1, $0xD;
	s1 =	sshrl.u32 s1, $0x2  }
0xb9: {  	s3 =	sand.u32 $0x4000, s31;
	s1 =	sadd.s32 s1, s30  }
0xba: {  	s0 =	sor.u32 s3, s0;
	s1 =	sshll.u32 s1, $0x11  }
0xbb: {  	s0 =	sor.u32 s1, s0  }
0xbc: {  	s0 =	sadd.s32 $0x8F2B, s0  }
0xbd: {  	[sflag:s0] =	ssyncadd.remote.s32 $0x1  }
0xbe: {  	_ =	sfence.sel $0xFFFF  }
0xbf: {  	[dreg:$0x0] =	wrdreg $0xFFFFFFFF;
	(pc) =	sbr.abs _section_cstart, $3  }
0xc0: {  	[dreg:$0x1] =	wrdreg $0xFFFFFFFF  }
0xc1: {  	_ =	task.clear_ibuf [dreg:s7], $0x2FFFF;
	_ =	strace $0x9FFFFFFF  }
0xc2: {  	(tm) =	ssettm $0x7FFFFFFF  }
0xc3: {  	_ =	shalt  }
tec
execute0_lowered:
.L_overlay_start_1:
0x0: {  	(tag) =	ssettag $0x1  }
0x1: {  	s1 =	rddreg [dreg:$0x0]  }
0x2: {  	s4 =	rddreg [dreg:$0x1]  }
0x3: {  	s0 =	rddreg [dreg:$0x2]  }
0x4: {  	s3 =	simm.s32 $0x0;
	s5 =	srdreg.scid;
	s2 =	stileid.u32  }
0x5: {  	s9 =	simm.s32 $0x200;
	s10 =	simm.s32 $0x4200;
	s11 =	simm.s32 $0x100  }
0x6: {  	s12 =	simm.s32 $0x8200;
	s13 =	simm.s32 $0x180;
	s14 =	simm.s32 $0xC200  }
0x7: {  	s15 =	simm.s32 $0x1;
	s16 =	simm.s32 $0x0;
	[smem:$0x7FF] =	sst s3  }
0x8: {  	s5 =	sand.u32 $0x1, s5;
	s6 =	sshll.u32 s2, $0xB;
	s7 =	sshll.u32 s2, $0x12  }
0x9: {  	_ =	strace $0x8000004A;
	s8 =	ssub.s32 $0x2, s5;
	s6 =	sadd.s32 s6, s4  }
0xa: {  	s7 =	sadd.s32 s7, s4;
	s31 =	sshll.u32 s5, $0x11;
	s5 =	sshll.u32 s5, $0xA  }
0xb: {  	s30 =	sshrl.u32 s8, $0x1;
	s7 =	sadd.s32 s31, s7;
	s6 =	sadd.s32 s5, s6  }
0xc: {  	s4 =	ssub.s32 s8, s30;
	s5 =	sadd.s32 $0xB0200, s7;
	s6 =	sadd.s32 $0x7E00, s6  }
0xd: {  	s7 =	simm.s32 $0x2;
	s8 =	simm.s32 $0x80;
	s4 =	smax.u32 s4, $0x1  }
.LBB2_1:
0xe: {  	s17 =	sadd.s32 $0x0, s6  }
0xf: {  	[tilespmem:s3], [sflag:$0x2] =	stream.linear.gather [hbm4b:s17+s3], $0x200, $0x38;
	[tilespmem:$0x10200] =	vst v63  }
0x10: {  	_ =	swait.ge [sflag:s7], $0x200  }
0x11: {  	[sflag:s7] =	ssyncset.done $0x0  }
0x12: {  	[sflag:s7] =	ssyncadd.s32 $0xFFFFFE00  }
0x13: {  	[tilespmem:s9], [sflag:$0x1] =	stream.indirect.gather [hbm4b:s1+s8], $0x80, s3, s8, $0xb8;
	[tilespmem:$0x10200] =	vst v63  }
0x14: {  	_ = 	snop  }
0x15: {  	[tilespmem:s10], [sflag:$0x1] =	stream.indirect.gather [hbm4b:s1+s8], $0x80, s8, s8, $0xb8;
	[tilespmem:$0x10200] =	vst v63  }
0x16: {  	_ = 	snop  }
0x17: {  	[tilespmem:s12], [sflag:$0x1] =	stream.indirect.gather [hbm4b:s1+s8], $0x80, s11, s8, $0xb8;
	[tilespmem:$0x10200] =	vst v63  }
0x18: {  	_ = 	snop  }
0x19: {  	[tilespmem:s14], [sflag:$0x1] =	stream.indirect.gather [hbm4b:s1+s8], $0x80, s13, s8, $0xb8;
	[tilespmem:$0x10200] =	vst v63  }
0x1a: {  	_ =	swait.ge [sflag:s15], $0x4000  }
0x1b: {  	[sflag:s15] =	ssyncset.done $0x0  }
0x1c: {  	[sflag:s15] =	ssyncadd.s32 $0xFFFFC000  }
0x1d: {  	_ =	swait.ge [sflag:s15], $0x4000  }
0x1e: {  	[sflag:s15] =	ssyncset.done $0x0  }
0x1f: {  	[sflag:s15] =	ssyncadd.s32 $0xFFFFC000  }
0x20: {  	_ =	swait.ge [sflag:s15], $0x4000  }
0x21: {  	[sflag:s15] =	ssyncset.done $0x0  }
0x22: {  	[sflag:s15] =	ssyncadd.s32 $0xFFFFC000  }
0x23: {  	_ =	swait.ge [sflag:s15], $0x4000  }
0x24: {  	[sflag:s15] =	ssyncset.done $0x0  }
0x25: {  	[sflag:s15] =	ssyncadd.s32 $0xFFFFC000  }
0x26: {  	[hbm4b:s5+s3] =	stream.linear.scatter [tilespmem:s9], [sflag:$0x2], $0x10000, $0x38;
	[tilespmem:$0x10200] =	vst v63  }
0x27: {  	s18 =	simm.s32 $0x40;
	_ =	swait.ge [sflag:s7], $0x10000  }
0x28: {  	s19 =	simm.s32 $0x80;
	s17 =	sadd.s32 $0x2000, s5;
	[sflag:s7] =	ssyncset.done $0x0  }
.LBB2_2:
0x29: {  	s20 =	sadd.s32 s18, s6  }
0x2a: {  	[sflag:s7] =	ssyncadd.s32 $0xFFFF0000;
	s18 =	smov.u32 s19;
	s21 =	sadd.s32 $0x40, s19  }
0x2b: {  	[tilespmem:s3], [sflag:$0x2] =	stream.linear.gather [hbm4b:s20+s3], $0x200, $0x38;
	[tilespmem:$0x10200] =	vst v63  }
0x2c: {  	p0 =	sne.s32 s19, $0x3C0;
	_ =	swait.ge [sflag:s7], $0x200  }
0x2d: {  	[sflag:s7] =	ssyncset.done $0x0  }
0x2e: {  	[sflag:s7] =	ssyncadd.s32 $0xFFFFFE00  }
0x2f: {  	[tilespmem:s9], [sflag:$0x1] =	stream.indirect.gather [hbm4b:s1+s8], $0x80, s3, s8, $0xb8;
	[tilespmem:$0x10200] =	vst v63  }
0x30: {  	_ = 	snop  }
0x31: {  	[tilespmem:s10], [sflag:$0x1] =	stream.indirect.gather [hbm4b:s1+s8], $0x80, s8, s8, $0xb8;
	[tilespmem:$0x10200] =	vst v63  }
0x32: {  	_ = 	snop  }
0x33: {  	[tilespmem:s12], [sflag:$0x1] =	stream.indirect.gather [hbm4b:s1+s8], $0x80, s11, s8, $0xb8;
	[tilespmem:$0x10200] =	vst v63  }
0x34: {  	_ = 	snop  }
0x35: {  	[tilespmem:s14], [sflag:$0x1] =	stream.indirect.gather [hbm4b:s1+s8], $0x80, s13, s8, $0xb8;
	[tilespmem:$0x10200] =	vst v63  }
0x36: {  	_ =	swait.ge [sflag:s15], $0x4000  }
0x37: {  	[sflag:s15] =	ssyncset.done $0x0  }
0x38: {  	[sflag:s15] =	ssyncadd.s32 $0xFFFFC000  }
0x39: {  	_ =	swait.ge [sflag:s15], $0x4000  }
0x3a: {  	[sflag:s15] =	ssyncset.done $0x0  }
0x3b: {  	[sflag:s15] =	ssyncadd.s32 $0xFFFFC000  }
0x3c: {  	_ =	swait.ge [sflag:s15], $0x4000  }
0x3d: {  	[sflag:s15] =	ssyncset.done $0x0  }
0x3e: {  	[sflag:s15] =	ssyncadd.s32 $0xFFFFC000  }
0x3f: {  	_ =	swait.ge [sflag:s15], $0x4000  }
.Ltmp0:
0x40: {  	[sflag:s15] =	ssyncset.done $0x0;
	(pc) =	sbr.rel @p0 .LBB2_2-.Ltmp0, $4  }
0x41: {  	[sflag:s15] =	ssyncadd.s32 $0xFFFFC000  }
0x42: {  	[hbm4b:s17+s3] =	stream.linear.scatter [tilespmem:s9], [sflag:$0x2], $0x10000, $0x38;
	[tilespmem:$0x10200] =	vst v63  }
0x43: {  	_ =	swait.ge [sflag:s7], $0x10000  }
0x44: {  	s19 =	smov.u32 s21;
	s17 =	sadd.s32 $0x2000, s17;
	[sflag:s7] =	ssyncset.done $0x0  }
0x45: {  	s18 =	sadd.s32 s18, s6;
	[sflag:s7] =	ssyncadd.s32 $0xFFFF0000  }
0x46: {  	[tilespmem:s3], [sflag:$0x2] =	stream.linear.gather [hbm4b:s18+s3], $0x200, $0x38;
	[tilespmem:$0x10200] =	vst v63  }
0x47: {  	_ =	swait.ge [sflag:s7], $0x200  }
0x48: {  	[sflag:s7] =	ssyncset.done $0x0  }
0x49: {  	[sflag:s7] =	ssyncadd.s32 $0xFFFFFE00  }
0x4a: {  	[tilespmem:s9], [sflag:$0x1] =	stream.indirect.gather [hbm4b:s1+s8], $0x80, s3, s8, $0xb8;
	[tilespmem:$0x10200] =	vst v63  }
0x4b: {  	_ = 	snop  }
0x4c: {  	[tilespmem:s10], [sflag:$0x1] =	stream.indirect.gather [hbm4b:s1+s8], $0x80, s8, s8, $0xb8;
	[tilespmem:$0x10200] =	vst v63  }
0x4d: {  	_ = 	snop  }
0x4e: {  	[tilespmem:s12], [sflag:$0x1] =	stream.indirect.gather [hbm4b:s1+s8], $0x80, s11, s8, $0xb8;
	[tilespmem:$0x10200] =	vst v63  }
0x4f: {  	_ = 	snop  }
0x50: {  	[tilespmem:s14], [sflag:$0x1] =	stream.indirect.gather [hbm4b:s1+s8], $0x80, s13, s8, $0xb8;
	[tilespmem:$0x10200] =	vst v63  }
0x51: {  	_ =	swait.ge [sflag:s15], $0x4000  }
0x52: {  	[sflag:s15] =	ssyncset.done $0x0  }
0x53: {  	[sflag:s15] =	ssyncadd.s32 $0xFFFFC000  }
0x54: {  	_ =	swait.ge [sflag:s15], $0x4000  }
0x55: {  	[sflag:s15] =	ssyncset.done $0x0  }
0x56: {  	[sflag:s15] =	ssyncadd.s32 $0xFFFFC000  }
0x57: {  	_ =	swait.ge [sflag:s15], $0x4000  }
0x58: {  	[sflag:s15] =	ssyncset.done $0x0  }
0x59: {  	[sflag:s15] =	ssyncadd.s32 $0xFFFFC000  }
0x5a: {  	s16 =	sadd.s32 $0x1, s16;
	_ =	swait.ge [sflag:s15], $0x4000  }
0x5b: {  	p0 =	sne.s32 s16, s4;
	[sflag:s15] =	ssyncset.done $0x0  }
.Ltmp1:
0x5c: {  	[sflag:s15] =	ssyncadd.s32 $0xFFFFC000;
	(pc) =	sbr.rel @p0 .LBB2_1-.Ltmp1, $4  }
0x5d: {  	[hbm4b:s17+s3] =	stream.linear.scatter [tilespmem:s9], [sflag:$0x2], $0x10000, $0x38;
	[tilespmem:$0x10200] =	vst v63  }
0x5e: {  	_ =	swait.ge [sflag:s7], $0x10000  }
0x5f: {  	[sflag:s7] =	ssyncset.done $0x0  }
0x60: {  	[sflag:s7] =	ssyncadd.s32 $0xFFFF0000  }
0x61: {  	_ =	sfence.sel $0x180000  }
0x62: {  	[bflag:$0x0] =	sbarrier.arrive $0xFFFF  }
0x63: {  	p0 =	sne.s32 s2, $0x0;
	_ =	strace $0x9000004A  }
0x64: {  	s0 =	sadd.s32 @!p0 $0x100000, s0;
	[bflag:$0x2] =	sbarrier.arrive $0xFFFF  }
0x65: {  	[sflag:s0] =	ssyncadd.tile.s32 @!p0 $0x1;
	_ =	shalt  }
.Lfunc_end2:
_tile_overlayer_lowered:
.L_overlay_start_2:
0x66: {  	(tag) =	ssettag $0x2  }
0x67: {  	s0 =	rddreg [dreg:$0x0];
	s2 =	stileid.u32  }
0x68: {  	s1 =	rddreg [dreg:$0x1];
	p0 =	sne.s32 s2, $0x0  }
0x69: {  	s3 =	rddreg [dreg:$0x2];
	[bflag:$0x3] =	sbarrier.arrive $0xFFFF;
	s2 =	simm.s32 @!p0 $0x1C02  }
0x6a: {  	[timem:s3], [sflag:s2] =	dma.local @!p0 [hbm:s0], s1  }
0x6b: {  	s0 =	simm.s32 @!p0 $0x2  }
0x6c: {  	_ =	swait.ge @!p0 [sflag:s0], s1  }
0x6d: {  	s1 =	ssub.s32 @!p0 $0x0, s1;
	[sflag:s0] =	ssyncset.done @!p0 $0x0  }
0x6e: {  	[sflag:s0] =	ssyncadd.s32 @!p0 s1  }
0x6f: {  	[bflag:$0x3] =	sbarrier.arrive $0xFFFF  }
0x70: {  	_ =	shalt  }

// kernel: kernel.16.cloned.1.call-start
scs
__scs_entry_jumppad:
0x0: {  	(pc) =	sbr.rel $0x88, $3  }
0x1: {  	(tag) =	ssettag $0x0;
	lr =	simm.s32 $0x1  }
0x2: {  	[smem:$0x3F93] =	sst lr;
	_ =	strace $0xD0000000  }
0x3: {  	_ = 	snop  }
0x4: {  	_ = 	snop  }
0x5: {  	_ = 	snop  }
0x6: {  	_ = 	snop  }
0x7: {  	_ = 	snop  }
__scs_overlays_trampoline_lowered:
0x8: {  	[smem:$0x3FA2] =	sst s0  }
0x9: {  	[smem:$0x3FA3] =	sst s1  }
0xa: {  	[smem:$0x3FA4] =	sst s2  }
0xb: {  	[smem:$0x3FA5] =	sst s3  }
0xc: {  	[smem:$0x3FA6] =	sst s4  }
0xd: {  	[smem:$0x3FA7] =	sst s5  }
0xe: {  	[smem:$0x3FA8] =	sst s6  }
0xf: {  	[smem:$0x3FA9] =	sst s7  }
0x10: {  	[smem:$0x3FAA] =	sst s8  }
0x11: {  	[smem:$0x3FAB] =	sst s9;
	s0 =	simm.s32 @!p0 $0x0  }
0x12: {  	s1 =	sld [smem:$0x3F91];
	s0 =	simm.s32 @p0 $0x1  }
0x13: {  	[smem:$0x3FAC] =	sst s0;
	s0 =	simm.s32 @!p1 $0x0  }
0x14: {  	s2 =	sld [smem:$0x3F90];
	s0 =	simm.s32 @p1 $0x1  }
0x15: {  	[smem:$0x3FAD] =	sst s0;
	s0 =	simm.s32 @!p2 $0x0  }
0x16: {  	s3 =	sld [smem:$0x3FDB];
	s0 =	simm.s32 @p2 $0x1  }
0x17: {  	s4 =	simm.s32 $0x1BF5;
	[smem:$0x3FAF] =	sst s0  }
0x18: {  	s0 =	sld [smem:$0x3F92];
	_ =	swait.ge [sflag:s4], $0x0  }
0x19: {  	s7 =	sld [smem:$0x3F93]  }
0x1a: {  	s8 =	sadd.s32 $0xFFFFE003, lr  }
0x1b: {  	s9 =	sadd.s32 $0xFFFFFEF7, lr;
	s5 =	simm.s32 $0xFFFFFFFF;
	p2 =	slt.u32 s8, $0xFFFFF086  }
0x1c: {  	p1 =	slt.u32 s9, $0xF7A;
	s5 =	simm.s32 @!p2 $0x0  }
0x1d: {  	s5 =	simm.s32 @p1 $0x1;
	p0 =	seq.s32 s7, s2  }
0x1e: {  	s7 =	smul.u32 @!p0 $0xF7A, s2;
	p2 =	seq.s32 @!p0 s5, $0x0  }
0x1f: {  	s9 =	smul.u32 $0xF7A, s1;
	s8 =	simm.s32 @!p0 $0x1BF5;
	p2 =	por !p2, p0  }
0x20: {  	[sflag:s8] =	ssyncset.s32 @!p0 $0xFFFFF086;
	s6 =	sadd.s32 @!p0 s3, s7;
	s7 =	simm.s32 @!p0 $0x108  }
0x21: {  	s3 =	sadd.s32 s3, s9;
	s6 =	sadd.s32 @!p0 $0x88, s6;
	s7 =	simm.s32 @p2 $0x1082  }
0x22: {  	[simem:s7], [sflag:s8] =	dma.local @!p0 [hbm:s6], $0xF7A  }
0x23: {  	s9 =	sor.u32 $0xD0000000, s2;
	s6 =	simm.s32 $0x108;
	_ =	swait.ge @!p0 [sflag:s8], $0x0  }
0x24: {  	s3 =	sadd.s32 $0x88, s3;
	s6 =	simm.s32 @!p1 $0x1082;
	[sflag:s4] =	ssyncset.s32 $0xFFFFF086  }
0x25: {  	[simem:s6], [sflag:s4] =	dma.local [hbm:s3], $0xF7A  }
0x26: {  	[smem:$0x3F93] =	sst s1;
	(tag) =	ssettag s2;
	_ =	strace s9  }
0x27: {  	s1 =	sld [smem:$0x3FA3]  }
0x28: {  	s2 =	sld [smem:$0x3FA4]  }
0x29: {  	s4 =	sld [smem:$0x3FA6]  }
0x2a: {  	p0 =	seq.s32 s5, $0x0;
	s5 =	sld [smem:$0x3FA7]  }
0x2b: {  	s6 =	sld [smem:$0x3FA8]  }
0x2c: {  	s7 =	sld [smem:$0x3FA9]  }
0x2d: {  	s3 =	simm.s32 $0x108;
	s8 =	sld [smem:$0x3FAA]  }
0x2e: {  	s3 =	simm.s32 @!p0 $0x1082;
	s9 =	sld [smem:$0x3FAB]  }
0x2f: {  	lr =	sadd.s32 s0, s3;
	s0 =	sld [smem:$0x3FA2]  }
0x30: {  	s3 =	sld [smem:$0x3FA5]  }
0x31: {  	[smem:$0x3FAE] =	sst s10  }
0x32: {  	s10 =	sld [smem:$0x3FAC];
	_ =	sdelay $0x3  }
0x33: {  	p0 =	seq.s32 s10, $0x1;
	s10 =	sld [smem:$0x3FAE];
	_ =	sdelay $0x3  }
0x34: {  	[smem:$0x3FAE] =	sst s10  }
0x35: {  	s10 =	sld [smem:$0x3FAD];
	_ =	sdelay $0x3  }
0x36: {  	p1 =	seq.s32 s10, $0x1;
	s10 =	sld [smem:$0x3FAE];
	_ =	sdelay $0x3  }
0x37: {  	[smem:$0x3FAE] =	sst s10  }
0x38: {  	s10 =	sld [smem:$0x3FAF]  }
0x39: {  	_ = 	snop;
	(pc) =	sbr.ind lr, $3  }
0x3a: {  	_ = 	snop  }
0x3b: {  	_ = 	snop  }
0x3c: {  	p2 =	seq.s32 s10, $0x1;
	s10 =	sld [smem:$0x3FAE]  }
0x3d: {  	_ =	shalt  }
0x3e: {  	_ =	shalt  }
0x3f: {  	_ =	shalt  }
0x40: {  	_ =	shalt  }
0x41: {  	_ =	shalt  }
0x42: {  	_ =	shalt  }
0x43: {  	_ =	shalt  }
0x44: {  	_ =	shalt  }
0x45: {  	_ =	shalt  }
0x46: {  	_ =	shalt  }
0x47: {  	_ =	shalt  }
0x48: {  	_ =	shalt  }
0x49: {  	_ =	shalt  }
0x4a: {  	_ =	shalt  }
0x4b: {  	_ =	shalt  }
0x4c: {  	_ =	shalt  }
0x4d: {  	_ =	shalt  }
0x4e: {  	_ =	shalt  }
0x4f: {  	_ =	shalt  }
0x50: {  	_ =	shalt  }
0x51: {  	_ =	shalt  }
0x52: {  	_ =	shalt  }
0x53: {  	_ =	shalt  }
0x54: {  	_ =	shalt  }
0x55: {  	_ =	shalt  }
0x56: {  	_ =	shalt  }
0x57: {  	_ =	shalt  }
0x58: {  	_ =	shalt  }
0x59: {  	_ =	shalt  }
0x5a: {  	_ =	shalt  }
0x5b: {  	_ =	shalt  }
0x5c: {  	_ =	shalt  }
0x5d: {  	_ =	shalt  }
0x5e: {  	_ =	shalt  }
0x5f: {  	_ =	shalt  }
0x60: {  	_ =	shalt  }
0x61: {  	_ =	shalt  }
0x62: {  	_ =	shalt  }
0x63: {  	_ =	shalt  }
0x64: {  	_ =	shalt  }
0x65: {  	_ =	shalt  }
0x66: {  	_ =	shalt  }
0x67: {  	_ =	shalt  }
0x68: {  	_ =	shalt  }
0x69: {  	_ =	shalt  }
0x6a: {  	_ =	shalt  }
0x6b: {  	_ =	shalt  }
0x6c: {  	_ =	shalt  }
0x6d: {  	_ =	shalt  }
0x6e: {  	_ =	shalt  }
0x6f: {  	_ =	shalt  }
0x70: {  	_ =	shalt  }
0x71: {  	_ =	shalt  }
0x72: {  	_ =	shalt  }
0x73: {  	_ =	shalt  }
0x74: {  	_ =	shalt  }
0x75: {  	_ =	shalt  }
0x76: {  	_ =	shalt  }
0x77: {  	_ =	shalt  }
0x78: {  	_ =	shalt  }
0x79: {  	_ =	shalt  }
0x7a: {  	_ =	shalt  }
0x7b: {  	_ =	shalt  }
0x7c: {  	_ =	shalt  }
0x7d: {  	_ =	shalt  }
0x7e: {  	_ =	shalt  }
0x7f: {  	_ =	shalt  }
0x80: {  	_ =	shalt  }
0x81: {  	_ =	shalt  }
0x82: {  	_ =	shalt  }
0x83: {  	_ =	shalt  }
0x84: {  	_ =	shalt  }
0x85: {  	_ =	shalt  }
0x86: {  	_ =	shalt  }
0x87: {  	_ =	shalt  }
.Lfunc_end0:
.L_simem_size_0:
called_computation.2_lowered:
.L_overlay_start_0:
0x88: {  	s2 =	sld [smem:$0x3FD9]  }
0x89: {  	s3 =	sld [smem:$0x3FFE];
	_ =	sdelay $0x1  }
0x8a: {  	s1 =	srdreg.scid  }
0x8b: {  	s0 =	sand.u32 $0x1, s1  }
0x8c: {  	s17 =	sshll.u32 s0, $0xA;
	s2 =	sadd.s32 s3, s2  }
0x8d: {  	s2 =	sadd.s32 s2, s17  }
0x8e: {  	[smem:$0x3FBA] =	sst s2  }
0x8f: {  	_ = 	snop  }
0x90: {  	s2 =	sld [smem:$0x3FD0];
	(tm) =	ssettm $0x1  }
0x91: {  	s18 =	sld [smem:$0x3FFB];
	_ =	sdelay $0x3  }
0x92: {  	_ =	strace s18  }
0x93: {  	s3 =	sld [smem:$0x3FFC];
	_ =	sdelay $0x3  }
0x94: {  	_ =	strace s3  }
0x95: {  	s3 =	sld [smem:$0x3FFD];
	_ =	sdelay $0x3  }
0x96: {  	_ =	strace s3  }
0x97: {  	_ =	strace $0x8FFFFFFF  }
0x98: {  	s19 =	sld [smem:$0x3FDB];
	_ =	sdelay $0x1  }
0x99: {  	s4 =	simm.s32 $_scs_section_size  }
0x9a: {  	s5 =	simm.s32 $_size__tile_overlayer_lowered;
	s6 =	simm.s32 $_tile_overlayer_lowered  }
0x9b: {  	s22 =	simm.s32 $0x1BFF;
	s21 =	sshll.u32 s6, $0x1;
	s3 =	sadd.s32 s4, s19  }
0x9c: {  	s7 =	simm.s32 $0x0;
	s20 =	sshll.u32 s5, $0x1;
	s5 =	sadd.s32 s21, s3  }
0x9d: {  	[timem:s7], [sflag:s22] =	dma.local [hbm:s5], s20  }
0x9e: {  	_ =	swait.ge [sflag:s22], s20  }
0x9f: {  	s4 =	ssub.s32 $0x0, s20;
	[sflag:s22] =	ssyncset.done $0x0  }
0xa0: {  	[sflag:s22] =	ssyncadd.s32 s4;
	_ =	sdelay $0x1  }
0xa1: {  	s23 =	simm.s32 $0x1B8B  }
0xa2: {  	_ =	swait.ge [sflag:s23], $0x1  }
0xa3: {  	[sflag:s23] =	ssyncset.done $0x0  }
0xa4: {  	s25 =	simm.s32 $0x1B8E;
	s24 =	sld [smem:$0x3FFE];
	[sflag:s23] =	ssyncadd.s32 $0xFFFFFFFF  }
0xa5: {  	s26 =	simm.s32 $execute0_lowered;
	[smem:$0x3FD2] =	sst s25  }
0xa6: {  	s5 =	sshll.u32 s26, $0x1;
	_ =	strace $0x8000004C;
	[dreg:$0x1] =	wrdreg $0xFFFFFFFF  }
0xa7: {  	s28 =	simm.s32 $_size_execute0_lowered;
	s3 =	sadd.s32 s3, s5;
	[dreg:$0x0] =	wrdreg $0x0  }
0xa8: {  	s5 =	sshll.u32 s28, $0x1;
	[dreg:$0x2] =	wrdreg s3  }
0xa9: {  	[dreg:$0x3] =	wrdreg s5  }
0xaa: {  	[dreg:$0x4] =	wrdreg $0xC0  }
0xab: {  	_ =	task [dreg:s7], $0x5FFFF  }
0xac: {  	[dreg:$0x1] =	wrdreg $0xFFFFFFFF  }
0xad: {  	[dreg:$0x0] =	wrdreg $0x60  }
0xae: {  	[dreg:$0x2] =	wrdreg s2  }
0xaf: {  	[dreg:$0x3] =	wrdreg s24  }
0xb0: {  	[dreg:$0x4] =	wrdreg $0x9  }
0xb1: {  	_ =	task.clear_ibuf [dreg:s7], $0x5FFFF;
	_ =	strace $0x9000004C  }
0xb2: {  	s29 =	simm.s32 $0x9;
	_ =	strace $0x8000004E  }
0xb3: {  	_ =	swait.ge [sflag:s29], $0x1  }
0xb4: {  	[sflag:s29] =	ssyncadd.s32 $0xFFFFFFFF  }
0xb5: {  	_ =	strace $0x9000004E  }
0xb6: {  	_ =	sfence  }
0xb7: {  	s30 =	sld [smem:$0x0];
	_ =	sdelay $0x2  }
0xb8: {  	s31 =	sshll.u32 s1, $0xD;
	s1 =	sshrl.u32 s1, $0x2  }
0xb9: {  	s3 =	sand.u32 $0x4000, s31;
	s1 =	sadd.s32 s1, s30  }
0xba: {  	s0 =	sor.u32 s3, s0;
	s1 =	sshll.u32 s1, $0x11  }
0xbb: {  	s0 =	sor.u32 s1, s0  }
0xbc: {  	s0 =	sadd.s32 $0x8F2B, s0  }
0xbd: {  	[sflag:s0] =	ssyncadd.remote.s32 $0x1  }
0xbe: {  	_ =	sfence.sel $0xFFFF  }
0xbf: {  	[dreg:$0x0] =	wrdreg $0xFFFFFFFF;
	(pc) =	sbr.abs _section_cstart, $3  }
0xc0: {  	[dreg:$0x1] =	wrdreg $0xFFFFFFFF  }
0xc1: {  	_ =	task.clear_ibuf [dreg:s7], $0x2FFFF;
	_ =	strace $0x9FFFFFFF  }
0xc2: {  	(tm) =	ssettm $0x7FFFFFFF  }
0xc3: {  	_ =	shalt  }
tec
execute0_lowered:
.L_overlay_start_1:
0x0: {  	(tag) =	ssettag $0x1  }
0x1: {  	s1 =	rddreg [dreg:$0x0]  }
0x2: {  	s4 =	rddreg [dreg:$0x1]  }
0x3: {  	s0 =	rddreg [dreg:$0x2]  }
0x4: {  	s3 =	simm.s32 $0x0;
	s5 =	srdreg.scid;
	s2 =	stileid.u32  }
0x5: {  	s9 =	simm.s32 $0x200;
	s10 =	simm.s32 $0x4200;
	s11 =	simm.s32 $0x100  }
0x6: {  	s12 =	simm.s32 $0x8200;
	s13 =	simm.s32 $0x180;
	s14 =	simm.s32 $0xC200  }
0x7: {  	s15 =	simm.s32 $0x1;
	s16 =	simm.s32 $0x0;
	[smem:$0x7FF] =	sst s3  }
0x8: {  	s5 =	sand.u32 $0x1, s5;
	s6 =	sshll.u32 s2, $0xB;
	s7 =	sshll.u32 s2, $0x12  }
0x9: {  	_ =	strace $0x8000004D;
	s8 =	ssub.s32 $0x2, s5;
	s6 =	sadd.s32 s6, s4  }
0xa: {  	s7 =	sadd.s32 s7, s4;
	s31 =	sshll.u32 s5, $0x11;
	s5 =	sshll.u32 s5, $0xA  }
0xb: {  	s30 =	sshrl.u32 s8, $0x1;
	s7 =	sadd.s32 s31, s7;
	s6 =	sadd.s32 s5, s6  }
0xc: {  	s4 =	ssub.s32 s8, s30;
	s5 =	sadd.s32 $0x4B3200, s7;
	s6 =	sadd.s32 $0x7E00, s6  }
0xd: {  	s7 =	simm.s32 $0x2;
	s8 =	simm.s32 $0x80;
	s4 =	smax.u32 s4, $0x1  }
.LBB2_1:
0xe: {  	s17 =	sadd.s32 $0x0, s6  }
0xf: {  	[tilespmem:s3], [sflag:$0x2] =	stream.linear.gather [hbm4b:s17+s3], $0x200, $0x38;
	[tilespmem:$0x10200] =	vst v63  }
0x10: {  	_ =	swait.ge [sflag:s7], $0x200  }
0x11: {  	[sflag:s7] =	ssyncset.done $0x0  }
0x12: {  	[sflag:s7] =	ssyncadd.s32 $0xFFFFFE00  }
0x13: {  	[tilespmem:s9], [sflag:$0x1] =	stream.indirect.gather [hbm4b:s1+s8], $0x80, s3, s8, $0xb8;
	[tilespmem:$0x10200] =	vst v63  }
0x14: {  	_ = 	snop  }
0x15: {  	[tilespmem:s10], [sflag:$0x1] =	stream.indirect.gather [hbm4b:s1+s8], $0x80, s8, s8, $0xb8;
	[tilespmem:$0x10200] =	vst v63  }
0x16: {  	_ = 	snop  }
0x17: {  	[tilespmem:s12], [sflag:$0x1] =	stream.indirect.gather [hbm4b:s1+s8], $0x80, s11, s8, $0xb8;
	[tilespmem:$0x10200] =	vst v63  }
0x18: {  	_ = 	snop  }
0x19: {  	[tilespmem:s14], [sflag:$0x1] =	stream.indirect.gather [hbm4b:s1+s8], $0x80, s13, s8, $0xb8;
	[tilespmem:$0x10200] =	vst v63  }
0x1a: {  	_ =	swait.ge [sflag:s15], $0x4000  }
0x1b: {  	[sflag:s15] =	ssyncset.done $0x0  }
0x1c: {  	[sflag:s15] =	ssyncadd.s32 $0xFFFFC000  }
0x1d: {  	_ =	swait.ge [sflag:s15], $0x4000  }
0x1e: {  	[sflag:s15] =	ssyncset.done $0x0  }
0x1f: {  	[sflag:s15] =	ssyncadd.s32 $0xFFFFC000  }
0x20: {  	_ =	swait.ge [sflag:s15], $0x4000  }
0x21: {  	[sflag:s15] =	ssyncset.done $0x0  }
0x22: {  	[sflag:s15] =	ssyncadd.s32 $0xFFFFC000  }
0x23: {  	_ =	swait.ge [sflag:s15], $0x4000  }
0x24: {  	[sflag:s15] =	ssyncset.done $0x0  }
0x25: {  	[sflag:s15] =	ssyncadd.s32 $0xFFFFC000  }
0x26: {  	[hbm4b:s5+s3] =	stream.linear.scatter [tilespmem:s9], [sflag:$0x2], $0x10000, $0x38;
	[tilespmem:$0x10200] =	vst v63  }
0x27: {  	s18 =	simm.s32 $0x40;
	_ =	swait.ge [sflag:s7], $0x10000  }
0x28: {  	s19 =	simm.s32 $0x80;
	s17 =	sadd.s32 $0x2000, s5;
	[sflag:s7] =	ssyncset.done $0x0  }
.LBB2_2:
0x29: {  	s20 =	sadd.s32 s18, s6  }
0x2a: {  	[sflag:s7] =	ssyncadd.s32 $0xFFFF0000;
	s18 =	smov.u32 s19;
	s21 =	sadd.s32 $0x40, s19  }
0x2b: {  	[tilespmem:s3], [sflag:$0x2] =	stream.linear.gather [hbm4b:s20+s3], $0x200, $0x38;
	[tilespmem:$0x10200] =	vst v63  }
0x2c: {  	p0 =	sne.s32 s19, $0x3C0;
	_ =	swait.ge [sflag:s7], $0x200  }
0x2d: {  	[sflag:s7] =	ssyncset.done $0x0  }
0x2e: {  	[sflag:s7] =	ssyncadd.s32 $0xFFFFFE00  }
0x2f: {  	[tilespmem:s9], [sflag:$0x1] =	stream.indirect.gather [hbm4b:s1+s8], $0x80, s3, s8, $0xb8;
	[tilespmem:$0x10200] =	vst v63  }
0x30: {  	_ = 	snop  }
0x31: {  	[tilespmem:s10], [sflag:$0x1] =	stream.indirect.gather [hbm4b:s1+s8], $0x80, s8, s8, $0xb8;
	[tilespmem:$0x10200] =	vst v63  }
0x32: {  	_ = 	snop  }
0x33: {  	[tilespmem:s12], [sflag:$0x1] =	stream.indirect.gather [hbm4b:s1+s8], $0x80, s11, s8, $0xb8;
	[tilespmem:$0x10200] =	vst v63  }
0x34: {  	_ = 	snop  }
0x35: {  	[tilespmem:s14], [sflag:$0x1] =	stream.indirect.gather [hbm4b:s1+s8], $0x80, s13, s8, $0xb8;
	[tilespmem:$0x10200] =	vst v63  }
0x36: {  	_ =	swait.ge [sflag:s15], $0x4000  }
0x37: {  	[sflag:s15] =	ssyncset.done $0x0  }
0x38: {  	[sflag:s15] =	ssyncadd.s32 $0xFFFFC000  }
0x39: {  	_ =	swait.ge [sflag:s15], $0x4000  }
0x3a: {  	[sflag:s15] =	ssyncset.done $0x0  }
0x3b: {  	[sflag:s15] =	ssyncadd.s32 $0xFFFFC000  }
0x3c: {  	_ =	swait.ge [sflag:s15], $0x4000  }
0x3d: {  	[sflag:s15] =	ssyncset.done $0x0  }
0x3e: {  	[sflag:s15] =	ssyncadd.s32 $0xFFFFC000  }
0x3f: {  	_ =	swait.ge [sflag:s15], $0x4000  }
.Ltmp0:
0x40: {  	[sflag:s15] =	ssyncset.done $0x0;
	(pc) =	sbr.rel @p0 .LBB2_2-.Ltmp0, $4  }
0x41: {  	[sflag:s15] =	ssyncadd.s32 $0xFFFFC000  }
0x42: {  	[hbm4b:s17+s3] =	stream.linear.scatter [tilespmem:s9], [sflag:$0x2], $0x10000, $0x38;
	[tilespmem:$0x10200] =	vst v63  }
0x43: {  	_ =	swait.ge [sflag:s7], $0x10000  }
0x44: {  	s19 =	smov.u32 s21;
	s17 =	sadd.s32 $0x2000, s17;
	[sflag:s7] =	ssyncset.done $0x0  }
0x45: {  	s18 =	sadd.s32 s18, s6;
	[sflag:s7] =	ssyncadd.s32 $0xFFFF0000  }
0x46: {  	[tilespmem:s3], [sflag:$0x2] =	stream.linear.gather [hbm4b:s18+s3], $0x200, $0x38;
	[tilespmem:$0x10200] =	vst v63  }
0x47: {  	_ =	swait.ge [sflag:s7], $0x200  }
0x48: {  	[sflag:s7] =	ssyncset.done $0x0  }
0x49: {  	[sflag:s7] =	ssyncadd.s32 $0xFFFFFE00  }
0x4a: {  	[tilespmem:s9], [sflag:$0x1] =	stream.indirect.gather [hbm4b:s1+s8], $0x80, s3, s8, $0xb8;
	[tilespmem:$0x10200] =	vst v63  }
0x4b: {  	_ = 	snop  }
0x4c: {  	[tilespmem:s10], [sflag:$0x1] =	stream.indirect.gather [hbm4b:s1+s8], $0x80, s8, s8, $0xb8;
	[tilespmem:$0x10200] =	vst v63  }
0x4d: {  	_ = 	snop  }
0x4e: {  	[tilespmem:s12], [sflag:$0x1] =	stream.indirect.gather [hbm4b:s1+s8], $0x80, s11, s8, $0xb8;
	[tilespmem:$0x10200] =	vst v63  }
0x4f: {  	_ = 	snop  }
0x50: {  	[tilespmem:s14], [sflag:$0x1] =	stream.indirect.gather [hbm4b:s1+s8], $0x80, s13, s8, $0xb8;
	[tilespmem:$0x10200] =	vst v63  }
0x51: {  	_ =	swait.ge [sflag:s15], $0x4000  }
0x52: {  	[sflag:s15] =	ssyncset.done $0x0  }
0x53: {  	[sflag:s15] =	ssyncadd.s32 $0xFFFFC000  }
0x54: {  	_ =	swait.ge [sflag:s15], $0x4000  }
0x55: {  	[sflag:s15] =	ssyncset.done $0x0  }
0x56: {  	[sflag:s15] =	ssyncadd.s32 $0xFFFFC000  }
0x57: {  	_ =	swait.ge [sflag:s15], $0x4000  }
0x58: {  	[sflag:s15] =	ssyncset.done $0x0  }
0x59: {  	[sflag:s15] =	ssyncadd.s32 $0xFFFFC000  }
0x5a: {  	s16 =	sadd.s32 $0x1, s16;
	_ =	swait.ge [sflag:s15], $0x4000  }
0x5b: {  	p0 =	sne.s32 s16, s4;
	[sflag:s15] =	ssyncset.done $0x0  }
.Ltmp1:
0x5c: {  	[sflag:s15] =	ssyncadd.s32 $0xFFFFC000;
	(pc) =	sbr.rel @p0 .LBB2_1-.Ltmp1, $4  }
0x5d: {  	[hbm4b:s17+s3] =	stream.linear.scatter [tilespmem:s9], [sflag:$0x2], $0x10000, $0x38;
	[tilespmem:$0x10200] =	vst v63  }
0x5e: {  	_ =	swait.ge [sflag:s7], $0x10000  }
0x5f: {  	[sflag:s7] =	ssyncset.done $0x0  }
0x60: {  	[sflag:s7] =	ssyncadd.s32 $0xFFFF0000  }
0x61: {  	_ =	sfence.sel $0x180000  }
0x62: {  	[bflag:$0x0] =	sbarrier.arrive $0xFFFF  }
0x63: {  	p0 =	sne.s32 s2, $0x0;
	_ =	strace $0x9000004D  }
0x64: {  	s0 =	sadd.s32 @!p0 $0x100000, s0;
	[bflag:$0x2] =	sbarrier.arrive $0xFFFF  }
0x65: {  	[sflag:s0] =	ssyncadd.tile.s32 @!p0 $0x1;
	_ =	shalt  }
.Lfunc_end2:
_tile_overlayer_lowered:
.L_overlay_start_2:
0x66: {  	(tag) =	ssettag $0x2  }
0x67: {  	s0 =	rddreg [dreg:$0x0];
	s2 =	stileid.u32  }
0x68: {  	s1 =	rddreg [dreg:$0x1];
	p0 =	sne.s32 s2, $0x0  }
0x69: {  	s3 =	rddreg [dreg:$0x2];
	[bflag:$0x3] =	sbarrier.arrive $0xFFFF;
	s2 =	simm.s32 @!p0 $0x1C02  }
0x6a: {  	[timem:s3], [sflag:s2] =	dma.local @!p0 [hbm:s0], s1  }
0x6b: {  	s0 =	simm.s32 @!p0 $0x2  }
0x6c: {  	_ =	swait.ge @!p0 [sflag:s0], s1  }
0x6d: {  	s1 =	ssub.s32 @!p0 $0x0, s1;
	[sflag:s0] =	ssyncset.done @!p0 $0x0  }
0x6e: {  	[sflag:s0] =	ssyncadd.s32 @!p0 s1  }
0x6f: {  	[bflag:$0x3] =	sbarrier.arrive $0xFFFF  }
0x70: {  	_ =	shalt  }

// kernel: kernel.19.cloned.1.call-start
scs
__scs_entry_jumppad:
0x0: {  	(pc) =	sbr.rel $0x88, $3  }
0x1: {  	(tag) =	ssettag $0x0;
	lr =	simm.s32 $0x1  }
0x2: {  	[smem:$0x3F93] =	sst lr;
	_ =	strace $0xD0000000  }
0x3: {  	_ = 	snop  }
0x4: {  	_ = 	snop  }
0x5: {  	_ = 	snop  }
0x6: {  	_ = 	snop  }
0x7: {  	_ = 	snop  }
__scs_overlays_trampoline_lowered:
0x8: {  	[smem:$0x3FA2] =	sst s0  }
0x9: {  	[smem:$0x3FA3] =	sst s1  }
0xa: {  	[smem:$0x3FA4] =	sst s2  }
0xb: {  	[smem:$0x3FA5] =	sst s3  }
0xc: {  	[smem:$0x3FA6] =	sst s4  }
0xd: {  	[smem:$0x3FA7] =	sst s5  }
0xe: {  	[smem:$0x3FA8] =	sst s6  }
0xf: {  	[smem:$0x3FA9] =	sst s7  }
0x10: {  	[smem:$0x3FAA] =	sst s8  }
0x11: {  	[smem:$0x3FAB] =	sst s9;
	s0 =	simm.s32 @!p0 $0x0  }
0x12: {  	s1 =	sld [smem:$0x3F91];
	s0 =	simm.s32 @p0 $0x1  }
0x13: {  	[smem:$0x3FAC] =	sst s0;
	s0 =	simm.s32 @!p1 $0x0  }
0x14: {  	s2 =	sld [smem:$0x3F90];
	s0 =	simm.s32 @p1 $0x1  }
0x15: {  	[smem:$0x3FAD] =	sst s0;
	s0 =	simm.s32 @!p2 $0x0  }
0x16: {  	s3 =	sld [smem:$0x3FDB];
	s0 =	simm.s32 @p2 $0x1  }
0x17: {  	s4 =	simm.s32 $0x1BF5;
	[smem:$0x3FAF] =	sst s0  }
0x18: {  	s0 =	sld [smem:$0x3F92];
	_ =	swait.ge [sflag:s4], $0x0  }
0x19: {  	s7 =	sld [smem:$0x3F93]  }
0x1a: {  	s8 =	sadd.s32 $0xFFFFE003, lr  }
0x1b: {  	s9 =	sadd.s32 $0xFFFFFEF7, lr;
	s5 =	simm.s32 $0xFFFFFFFF;
	p2 =	slt.u32 s8, $0xFFFFF086  }
0x1c: {  	p1 =	slt.u32 s9, $0xF7A;
	s5 =	simm.s32 @!p2 $0x0  }
0x1d: {  	s5 =	simm.s32 @p1 $0x1;
	p0 =	seq.s32 s7, s2  }
0x1e: {  	s7 =	smul.u32 @!p0 $0xF7A, s2;
	p2 =	seq.s32 @!p0 s5, $0x0  }
0x1f: {  	s9 =	smul.u32 $0xF7A, s1;
	s8 =	simm.s32 @!p0 $0x1BF5;
	p2 =	por !p2, p0  }
0x20: {  	[sflag:s8] =	ssyncset.s32 @!p0 $0xFFFFF086;
	s6 =	sadd.s32 @!p0 s3, s7;
	s7 =	simm.s32 @!p0 $0x108  }
0x21: {  	s3 =	sadd.s32 s3, s9;
	s6 =	sadd.s32 @!p0 $0x88, s6;
	s7 =	simm.s32 @p2 $0x1082  }
0x22: {  	[simem:s7], [sflag:s8] =	dma.local @!p0 [hbm:s6], $0xF7A  }
0x23: {  	s9 =	sor.u32 $0xD0000000, s2;
	s6 =	simm.s32 $0x108;
	_ =	swait.ge @!p0 [sflag:s8], $0x0  }
0x24: {  	s3 =	sadd.s32 $0x88, s3;
	s6 =	simm.s32 @!p1 $0x1082;
	[sflag:s4] =	ssyncset.s32 $0xFFFFF086  }
0x25: {  	[simem:s6], [sflag:s4] =	dma.local [hbm:s3], $0xF7A  }
0x26: {  	[smem:$0x3F93] =	sst s1;
	(tag) =	ssettag s2;
	_ =	strace s9  }
0x27: {  	s1 =	sld [smem:$0x3FA3]  }
0x28: {  	s2 =	sld [smem:$0x3FA4]  }
0x29: {  	s4 =	sld [smem:$0x3FA6]  }
0x2a: {  	p0 =	seq.s32 s5, $0x0;
	s5 =	sld [smem:$0x3FA7]  }
0x2b: {  	s6 =	sld [smem:$0x3FA8]  }
0x2c: {  	s7 =	sld [smem:$0x3FA9]  }
0x2d: {  	s3 =	simm.s32 $0x108;
	s8 =	sld [smem:$0x3FAA]  }
0x2e: {  	s3 =	simm.s32 @!p0 $0x1082;
	s9 =	sld [smem:$0x3FAB]  }
0x2f: {  	lr =	sadd.s32 s0, s3;
	s0 =	sld [smem:$0x3FA2]  }
0x30: {  	s3 =	sld [smem:$0x3FA5]  }
0x31: {  	[smem:$0x3FAE] =	sst s10  }
0x32: {  	s10 =	sld [smem:$0x3FAC];
	_ =	sdelay $0x3  }
0x33: {  	p0 =	seq.s32 s10, $0x1;
	s10 =	sld [smem:$0x3FAE];
	_ =	sdelay $0x3  }
0x34: {  	[smem:$0x3FAE] =	sst s10  }
0x35: {  	s10 =	sld [smem:$0x3FAD];
	_ =	sdelay $0x3  }
0x36: {  	p1 =	seq.s32 s10, $0x1;
	s10 =	sld [smem:$0x3FAE];
	_ =	sdelay $0x3  }
0x37: {  	[smem:$0x3FAE] =	sst s10  }
0x38: {  	s10 =	sld [smem:$0x3FAF]  }
0x39: {  	_ = 	snop;
	(pc) =	sbr.ind lr, $3  }
0x3a: {  	_ = 	snop  }
0x3b: {  	_ = 	snop  }
0x3c: {  	p2 =	seq.s32 s10, $0x1;
	s10 =	sld [smem:$0x3FAE]  }
0x3d: {  	_ =	shalt  }
0x3e: {  	_ =	shalt  }
0x3f: {  	_ =	shalt  }
0x40: {  	_ =	shalt  }
0x41: {  	_ =	shalt  }
0x42: {  	_ =	shalt  }
0x43: {  	_ =	shalt  }
0x44: {  	_ =	shalt  }
0x45: {  	_ =	shalt  }
0x46: {  	_ =	shalt  }
0x47: {  	_ =	shalt  }
0x48: {  	_ =	shalt  }
0x49: {  	_ =	shalt  }
0x4a: {  	_ =	shalt  }
0x4b: {  	_ =	shalt  }
0x4c: {  	_ =	shalt  }
0x4d: {  	_ =	shalt  }
0x4e: {  	_ =	shalt  }
0x4f: {  	_ =	shalt  }
0x50: {  	_ =	shalt  }
0x51: {  	_ =	shalt  }
0x52: {  	_ =	shalt  }
0x53: {  	_ =	shalt  }
0x54: {  	_ =	shalt  }
0x55: {  	_ =	shalt  }
0x56: {  	_ =	shalt  }
0x57: {  	_ =	shalt  }
0x58: {  	_ =	shalt  }
0x59: {  	_ =	shalt  }
0x5a: {  	_ =	shalt  }
0x5b: {  	_ =	shalt  }
0x5c: {  	_ =	shalt  }
0x5d: {  	_ =	shalt  }
0x5e: {  	_ =	shalt  }
0x5f: {  	_ =	shalt  }
0x60: {  	_ =	shalt  }
0x61: {  	_ =	shalt  }
0x62: {  	_ =	shalt  }
0x63: {  	_ =	shalt  }
0x64: {  	_ =	shalt  }
0x65: {  	_ =	shalt  }
0x66: {  	_ =	shalt  }
0x67: {  	_ =	shalt  }
0x68: {  	_ =	shalt  }
0x69: {  	_ =	shalt  }
0x6a: {  	_ =	shalt  }
0x6b: {  	_ =	shalt  }
0x6c: {  	_ =	shalt  }
0x6d: {  	_ =	shalt  }
0x6e: {  	_ =	shalt  }
0x6f: {  	_ =	shalt  }
0x70: {  	_ =	shalt  }
0x71: {  	_ =	shalt  }
0x72: {  	_ =	shalt  }
0x73: {  	_ =	shalt  }
0x74: {  	_ =	shalt  }
0x75: {  	_ =	shalt  }
0x76: {  	_ =	shalt  }
0x77: {  	_ =	shalt  }
0x78: {  	_ =	shalt  }
0x79: {  	_ =	shalt  }
0x7a: {  	_ =	shalt  }
0x7b: {  	_ =	shalt  }
0x7c: {  	_ =	shalt  }
0x7d: {  	_ =	shalt  }
0x7e: {  	_ =	shalt  }
0x7f: {  	_ =	shalt  }
0x80: {  	_ =	shalt  }
0x81: {  	_ =	shalt  }
0x82: {  	_ =	shalt  }
0x83: {  	_ =	shalt  }
0x84: {  	_ =	shalt  }
0x85: {  	_ =	shalt  }
0x86: {  	_ =	shalt  }
0x87: {  	_ =	shalt  }
.Lfunc_end0:
.L_simem_size_0:
called_computation.3_lowered:
.L_overlay_start_0:
0x88: {  	s2 =	sld [smem:$0x3FD9]  }
0x89: {  	s3 =	sld [smem:$0x3FFE];
	_ =	sdelay $0x1  }
0x8a: {  	s1 =	srdreg.scid  }
0x8b: {  	s0 =	sand.u32 $0x1, s1  }
0x8c: {  	s17 =	sshll.u32 s0, $0xA;
	s2 =	sadd.s32 s3, s2  }
0x8d: {  	s2 =	sadd.s32 s2, s17  }
0x8e: {  	[smem:$0x3FBA] =	sst s2  }
0x8f: {  	_ = 	snop  }
0x90: {  	s2 =	sld [smem:$0x3FD0];
	(tm) =	ssettm $0x1  }
0x91: {  	s18 =	sld [smem:$0x3FFB];
	_ =	sdelay $0x3  }
0x92: {  	_ =	strace s18  }
0x93: {  	s3 =	sld [smem:$0x3FFC];
	_ =	sdelay $0x3  }
0x94: {  	_ =	strace s3  }
0x95: {  	s3 =	sld [smem:$0x3FFD];
	_ =	sdelay $0x3  }
0x96: {  	_ =	strace s3  }
0x97: {  	_ =	strace $0x8FFFFFFF  }
0x98: {  	s19 =	sld [smem:$0x3FDB];
	_ =	sdelay $0x1  }
0x99: {  	s4 =	simm.s32 $_scs_section_size  }
0x9a: {  	s5 =	simm.s32 $_size__tile_overlayer_lowered;
	s6 =	simm.s32 $_tile_overlayer_lowered  }
0x9b: {  	s22 =	simm.s32 $0x1BFF;
	s21 =	sshll.u32 s6, $0x1;
	s3 =	sadd.s32 s4, s19  }
0x9c: {  	s7 =	simm.s32 $0x0;
	s20 =	sshll.u32 s5, $0x1;
	s5 =	sadd.s32 s21, s3  }
0x9d: {  	[timem:s7], [sflag:s22] =	dma.local [hbm:s5], s20  }
0x9e: {  	_ =	swait.ge [sflag:s22], s20  }
0x9f: {  	s4 =	ssub.s32 $0x0, s20;
	[sflag:s22] =	ssyncset.done $0x0  }
0xa0: {  	[sflag:s22] =	ssyncadd.s32 s4;
	_ =	sdelay $0x1  }
0xa1: {  	s23 =	simm.s32 $0x1B8B  }
0xa2: {  	_ =	swait.ge [sflag:s23], $0x1  }
0xa3: {  	[sflag:s23] =	ssyncset.done $0x0  }
0xa4: {  	s25 =	simm.s32 $0x1B8E;
	s24 =	sld [smem:$0x3FFE];
	[sflag:s23] =	ssyncadd.s32 $0xFFFFFFFF  }
0xa5: {  	s26 =	simm.s32 $execute0_lowered;
	[smem:$0x3FD2] =	sst s25  }
0xa6: {  	s5 =	sshll.u32 s26, $0x1;
	_ =	strace $0x8000004F;
	[dreg:$0x1] =	wrdreg $0xFFFFFFFF  }
0xa7: {  	s28 =	simm.s32 $_size_execute0_lowered;
	s3 =	sadd.s32 s3, s5;
	[dreg:$0x0] =	wrdreg $0x0  }
0xa8: {  	s5 =	sshll.u32 s28, $0x1;
	[dreg:$0x2] =	wrdreg s3  }
0xa9: {  	[dreg:$0x3] =	wrdreg s5  }
0xaa: {  	[dreg:$0x4] =	wrdreg $0xC0  }
0xab: {  	_ =	task [dreg:s7], $0x5FFFF  }
0xac: {  	[dreg:$0x1] =	wrdreg $0xFFFFFFFF  }
0xad: {  	[dreg:$0x0] =	wrdreg $0x60  }
0xae: {  	[dreg:$0x2] =	wrdreg s2  }
0xaf: {  	[dreg:$0x3] =	wrdreg s24  }
0xb0: {  	[dreg:$0x4] =	wrdreg $0x9  }
0xb1: {  	_ =	task.clear_ibuf [dreg:s7], $0x5FFFF;
	_ =	strace $0x9000004F  }
0xb2: {  	s29 =	simm.s32 $0x9;
	_ =	strace $0x80000051  }
0xb3: {  	_ =	swait.ge [sflag:s29], $0x1  }
0xb4: {  	[sflag:s29] =	ssyncadd.s32 $0xFFFFFFFF  }
0xb5: {  	_ =	strace $0x90000051  }
0xb6: {  	_ =	sfence  }
0xb7: {  	s30 =	sld [smem:$0x0];
	_ =	sdelay $0x2  }
0xb8: {  	s31 =	sshll.u32 s1, $0xD;
	s1 =	sshrl.u32 s1, $0x2  }
0xb9: {  	s3 =	sand.u32 $0x4000, s31;
	s1 =	sadd.s32 s1, s30  }
0xba: {  	s0 =	sor.u32 s3, s0;
	s1 =	sshll.u32 s1, $0x11  }
0xbb: {  	s0 =	sor.u32 s1, s0  }
0xbc: {  	s0 =	sadd.s32 $0x8F2B, s0  }
0xbd: {  	[sflag:s0] =	ssyncadd.remote.s32 $0x1  }
0xbe: {  	_ =	sfence.sel $0xFFFF  }
0xbf: {  	[dreg:$0x0] =	wrdreg $0xFFFFFFFF;
	(pc) =	sbr.abs _section_cstart, $3  }
0xc0: {  	[dreg:$0x1] =	wrdreg $0xFFFFFFFF  }
0xc1: {  	_ =	task.clear_ibuf [dreg:s7], $0x2FFFF;
	_ =	strace $0x9FFFFFFF  }
0xc2: {  	(tm) =	ssettm $0x7FFFFFFF  }
0xc3: {  	_ =	shalt  }
tec
execute0_lowered:
.L_overlay_start_1:
0x0: {  	(tag) =	ssettag $0x1  }
0x1: {  	s1 =	rddreg [dreg:$0x0]  }
0x2: {  	s4 =	rddreg [dreg:$0x1]  }
0x3: {  	s0 =	rddreg [dreg:$0x2]  }
0x4: {  	s3 =	simm.s32 $0x0;
	s5 =	srdreg.scid;
	s2 =	stileid.u32  }
0x5: {  	s9 =	simm.s32 $0x200;
	s10 =	simm.s32 $0x4200;
	s11 =	simm.s32 $0x100  }
0x6: {  	s12 =	simm.s32 $0x8200;
	s13 =	simm.s32 $0x180;
	s14 =	simm.s32 $0xC200  }
0x7: {  	s15 =	simm.s32 $0x1;
	s16 =	simm.s32 $0x0;
	[smem:$0x7FF] =	sst s3  }
0x8: {  	s5 =	sand.u32 $0x1, s5;
	s6 =	sshll.u32 s2, $0xB;
	s7 =	sshll.u32 s2, $0x12  }
0x9: {  	_ =	strace $0x80000050;
	s8 =	ssub.s32 $0x2, s5;
	s6 =	sadd.s32 s6, s4  }
0xa: {  	s7 =	sadd.s32 s7, s4;
	s31 =	sshll.u32 s5, $0x11;
	s5 =	sshll.u32 s5, $0xA  }
0xb: {  	s30 =	sshrl.u32 s8, $0x1;
	s7 =	sadd.s32 s31, s7;
	s6 =	sadd.s32 s5, s6  }
0xc: {  	s4 =	ssub.s32 s8, s30;
	s5 =	sadd.s32 $0x4B3200, s7;
	s6 =	sadd.s32 $0x7E00, s6  }
0xd: {  	s7 =	simm.s32 $0x2;
	s8 =	simm.s32 $0x80;
	s4 =	smax.u32 s4, $0x1  }
.LBB2_1:
0xe: {  	s17 =	sadd.s32 $0x0, s6  }
0xf: {  	[tilespmem:s3], [sflag:$0x2] =	stream.linear.gather [hbm4b:s17+s3], $0x200, $0x38;
	[tilespmem:$0x10200] =	vst v63  }
0x10: {  	_ =	swait.ge [sflag:s7], $0x200  }
0x11: {  	[sflag:s7] =	ssyncset.done $0x0  }
0x12: {  	[sflag:s7] =	ssyncadd.s32 $0xFFFFFE00  }
0x13: {  	[tilespmem:s9], [sflag:$0x1] =	stream.indirect.gather [hbm4b:s1+s8], $0x80, s3, s8, $0xb8;
	[tilespmem:$0x10200] =	vst v63  }
0x14: {  	_ = 	snop  }
0x15: {  	[tilespmem:s10], [sflag:$0x1] =	stream.indirect.gather [hbm4b:s1+s8], $0x80, s8, s8, $0xb8;
	[tilespmem:$0x10200] =	vst v63  }
0x16: {  	_ = 	snop  }
0x17: {  	[tilespmem:s12], [sflag:$0x1] =	stream.indirect.gather [hbm4b:s1+s8], $0x80, s11, s8, $0xb8;
	[tilespmem:$0x10200] =	vst v63  }
0x18: {  	_ = 	snop  }
0x19: {  	[tilespmem:s14], [sflag:$0x1] =	stream.indirect.gather [hbm4b:s1+s8], $0x80, s13, s8, $0xb8;
	[tilespmem:$0x10200] =	vst v63  }
0x1a: {  	_ =	swait.ge [sflag:s15], $0x4000  }
0x1b: {  	[sflag:s15] =	ssyncset.done $0x0  }
0x1c: {  	[sflag:s15] =	ssyncadd.s32 $0xFFFFC000  }
0x1d: {  	_ =	swait.ge [sflag:s15], $0x4000  }
0x1e: {  	[sflag:s15] =	ssyncset.done $0x0  }
0x1f: {  	[sflag:s15] =	ssyncadd.s32 $0xFFFFC000  }
0x20: {  	_ =	swait.ge [sflag:s15], $0x4000  }
0x21: {  	[sflag:s15] =	ssyncset.done $0x0  }
0x22: {  	[sflag:s15] =	ssyncadd.s32 $0xFFFFC000  }
0x23: {  	_ =	swait.ge [sflag:s15], $0x4000  }
0x24: {  	[sflag:s15] =	ssyncset.done $0x0  }
0x25: {  	[sflag:s15] =	ssyncadd.s32 $0xFFFFC000  }
0x26: {  	[hbm4b:s5+s3] =	stream.linear.scatter [tilespmem:s9], [sflag:$0x2], $0x10000, $0x38;
	[tilespmem:$0x10200] =	vst v63  }
0x27: {  	s18 =	simm.s32 $0x40;
	_ =	swait.ge [sflag:s7], $0x10000  }
0x28: {  	s19 =	simm.s32 $0x80;
	s17 =	sadd.s32 $0x2000, s5;
	[sflag:s7] =	ssyncset.done $0x0  }
.LBB2_2:
0x29: {  	s20 =	sadd.s32 s18, s6  }
0x2a: {  	[sflag:s7] =	ssyncadd.s32 $0xFFFF0000;
	s18 =	smov.u32 s19;
	s21 =	sadd.s32 $0x40, s19  }
0x2b: {  	[tilespmem:s3], [sflag:$0x2] =	stream.linear.gather [hbm4b:s20+s3], $0x200, $0x38;
	[tilespmem:$0x10200] =	vst v63  }
0x2c: {  	p0 =	sne.s32 s19, $0x3C0;
	_ =	swait.ge [sflag:s7], $0x200  }
0x2d: {  	[sflag:s7] =	ssyncset.done $0x0  }
0x2e: {  	[sflag:s7] =	ssyncadd.s32 $0xFFFFFE00  }
0x2f: {  	[tilespmem:s9], [sflag:$0x1] =	stream.indirect.gather [hbm4b:s1+s8], $0x80, s3, s8, $0xb8;
	[tilespmem:$0x10200] =	vst v63  }
0x30: {  	_ = 	snop  }
0x31: {  	[tilespmem:s10], [sflag:$0x1] =	stream.indirect.gather [hbm4b:s1+s8], $0x80, s8, s8, $0xb8;
	[tilespmem:$0x10200] =	vst v63  }
0x32: {  	_ = 	snop  }
0x33: {  	[tilespmem:s12], [sflag:$0x1] =	stream.indirect.gather [hbm4b:s1+s8], $0x80, s11, s8, $0xb8;
	[tilespmem:$0x10200] =	vst v63  }
0x34: {  	_ = 	snop  }
0x35: {  	[tilespmem:s14], [sflag:$0x1] =	stream.indirect.gather [hbm4b:s1+s8], $0x80, s13, s8, $0xb8;
	[tilespmem:$0x10200] =	vst v63  }
0x36: {  	_ =	swait.ge [sflag:s15], $0x4000  }
0x37: {  	[sflag:s15] =	ssyncset.done $0x0  }
0x38: {  	[sflag:s15] =	ssyncadd.s32 $0xFFFFC000  }
0x39: {  	_ =	swait.ge [sflag:s15], $0x4000  }
0x3a: {  	[sflag:s15] =	ssyncset.done $0x0  }
0x3b: {  	[sflag:s15] =	ssyncadd.s32 $0xFFFFC000  }
0x3c: {  	_ =	swait.ge [sflag:s15], $0x4000  }
0x3d: {  	[sflag:s15] =	ssyncset.done $0x0  }
0x3e: {  	[sflag:s15] =	ssyncadd.s32 $0xFFFFC000  }
0x3f: {  	_ =	swait.ge [sflag:s15], $0x4000  }
.Ltmp0:
0x40: {  	[sflag:s15] =	ssyncset.done $0x0;
	(pc) =	sbr.rel @p0 .LBB2_2-.Ltmp0, $4  }
0x41: {  	[sflag:s15] =	ssyncadd.s32 $0xFFFFC000  }
0x42: {  	[hbm4b:s17+s3] =	stream.linear.scatter [tilespmem:s9], [sflag:$0x2], $0x10000, $0x38;
	[tilespmem:$0x10200] =	vst v63  }
0x43: {  	_ =	swait.ge [sflag:s7], $0x10000  }
0x44: {  	s19 =	smov.u32 s21;
	s17 =	sadd.s32 $0x2000, s17;
	[sflag:s7] =	ssyncset.done $0x0  }
0x45: {  	s18 =	sadd.s32 s18, s6;
	[sflag:s7] =	ssyncadd.s32 $0xFFFF0000  }
0x46: {  	[tilespmem:s3], [sflag:$0x2] =	stream.linear.gather [hbm4b:s18+s3], $0x200, $0x38;
	[tilespmem:$0x10200] =	vst v63  }
0x47: {  	_ =	swait.ge [sflag:s7], $0x200  }
0x48: {  	[sflag:s7] =	ssyncset.done $0x0  }
0x49: {  	[sflag:s7] =	ssyncadd.s32 $0xFFFFFE00  }
0x4a: {  	[tilespmem:s9], [sflag:$0x1] =	stream.indirect.gather [hbm4b:s1+s8], $0x80, s3, s8, $0xb8;
	[tilespmem:$0x10200] =	vst v63  }
0x4b: {  	_ = 	snop  }
0x4c: {  	[tilespmem:s10], [sflag:$0x1] =	stream.indirect.gather [hbm4b:s1+s8], $0x80, s8, s8, $0xb8;
	[tilespmem:$0x10200] =	vst v63  }
0x4d: {  	_ = 	snop  }
0x4e: {  	[tilespmem:s12], [sflag:$0x1] =	stream.indirect.gather [hbm4b:s1+s8], $0x80, s11, s8, $0xb8;
	[tilespmem:$0x10200] =	vst v63  }
0x4f: {  	_ = 	snop  }
0x50: {  	[tilespmem:s14], [sflag:$0x1] =	stream.indirect.gather [hbm4b:s1+s8], $0x80, s13, s8, $0xb8;
	[tilespmem:$0x10200] =	vst v63  }
0x51: {  	_ =	swait.ge [sflag:s15], $0x4000  }
0x52: {  	[sflag:s15] =	ssyncset.done $0x0  }
0x53: {  	[sflag:s15] =	ssyncadd.s32 $0xFFFFC000  }
0x54: {  	_ =	swait.ge [sflag:s15], $0x4000  }
0x55: {  	[sflag:s15] =	ssyncset.done $0x0  }
0x56: {  	[sflag:s15] =	ssyncadd.s32 $0xFFFFC000  }
0x57: {  	_ =	swait.ge [sflag:s15], $0x4000  }
0x58: {  	[sflag:s15] =	ssyncset.done $0x0  }
0x59: {  	[sflag:s15] =	ssyncadd.s32 $0xFFFFC000  }
0x5a: {  	s16 =	sadd.s32 $0x1, s16;
	_ =	swait.ge [sflag:s15], $0x4000  }
0x5b: {  	p0 =	sne.s32 s16, s4;
	[sflag:s15] =	ssyncset.done $0x0  }
.Ltmp1:
0x5c: {  	[sflag:s15] =	ssyncadd.s32 $0xFFFFC000;
	(pc) =	sbr.rel @p0 .LBB2_1-.Ltmp1, $4  }
0x5d: {  	[hbm4b:s17+s3] =	stream.linear.scatter [tilespmem:s9], [sflag:$0x2], $0x10000, $0x38;
	[tilespmem:$0x10200] =	vst v63  }
0x5e: {  	_ =	swait.ge [sflag:s7], $0x10000  }
0x5f: {  	[sflag:s7] =	ssyncset.done $0x0  }
0x60: {  	[sflag:s7] =	ssyncadd.s32 $0xFFFF0000  }
0x61: {  	_ =	sfence.sel $0x180000  }
0x62: {  	[bflag:$0x0] =	sbarrier.arrive $0xFFFF  }
0x63: {  	p0 =	sne.s32 s2, $0x0;
	_ =	strace $0x90000050  }
0x64: {  	s0 =	sadd.s32 @!p0 $0x100000, s0;
	[bflag:$0x2] =	sbarrier.arrive $0xFFFF  }
0x65: {  	[sflag:s0] =	ssyncadd.tile.s32 @!p0 $0x1;
	_ =	shalt  }
.Lfunc_end2:
_tile_overlayer_lowered:
.L_overlay_start_2:
0x66: {  	(tag) =	ssettag $0x2  }
0x67: {  	s0 =	rddreg [dreg:$0x0];
	s2 =	stileid.u32  }
0x68: {  	s1 =	rddreg [dreg:$0x1];
	p0 =	sne.s32 s2, $0x0  }
0x69: {  	s3 =	rddreg [dreg:$0x2];
	[bflag:$0x3] =	sbarrier.arrive $0xFFFF;
	s2 =	simm.s32 @!p0 $0x1C02  }
0x6a: {  	[timem:s3], [sflag:s2] =	dma.local @!p0 [hbm:s0], s1  }
0x6b: {  	s0 =	simm.s32 @!p0 $0x2  }
0x6c: {  	_ =	swait.ge @!p0 [sflag:s0], s1  }
0x6d: {  	s1 =	ssub.s32 @!p0 $0x0, s1;
	[sflag:s0] =	ssyncset.done @!p0 $0x0  }
0x6e: {  	[sflag:s0] =	ssyncadd.s32 @!p0 s1  }
0x6f: {  	[bflag:$0x3] =	sbarrier.arrive $0xFFFF  }
0x70: {  	_ =	shalt  }

</sc_bundles>
